<compile_context>
chip_gen: v7x
topology: tpu7x:2x2x1
jax: 0.10.2.dev20260603
libtpu: 0.0.44.dev20260713+nightly
codegen_flags: <defaults>
</compile_context>

<pallas_src>
import functools

import jax
import jax.numpy as jnp
from jax import lax
from jax.experimental import pallas as pl
from jax.experimental.pallas import tpu as pltpu
from jax.experimental.pallas import tpu_sc as plsc

N = 10000
E = 320000
D = 128

NC = 2
NS = 16
NW = NC * NS
EPW = E // NW
BE = 80
NB = EPW // BE
NP = 10240
RPT = NP // NS

_mesh = plsc.VectorSubcoreMesh(core_axis_name="c", subcore_axis_name="s")


@functools.partial(
    pl.kernel,
    out_type=(
        jax.ShapeDtypeStruct((NC * NP,), jnp.float32),
        jax.ShapeDtypeStruct((NC * NP,), jnp.float32),
    ),
    mesh=_mesh,
    compiler_params=pltpu.CompilerParams(needs_layout_passes=False),
    scratch_types=(
        pltpu.VMEM((EPW,), jnp.int32),
        pltpu.VMEM((EPW,), jnp.int32),
        pltpu.VMEM((NP,), jnp.float32),
        pltpu.VMEM((NP,), jnp.float32),
        pltpu.VMEM((RPT,), jnp.float32),
        pltpu.VMEM((RPT,), jnp.float32),
        pltpu.VMEM_SHARED((NS, NP), jnp.float32),
        pltpu.VMEM_SHARED((NS, NP), jnp.float32),
    ),
)
def _sc_degrees(srcf_hbm, dstf_hbm, dout_hbm, din_hbm,
                srcv, dstv, co_v, ci_v, tmp_v, acc_v, stage_o, stage_i):
    cid = lax.axis_index("c")
    sid = lax.axis_index("s")
    wid = cid * NS + sid
    pltpu.sync_copy(srcf_hbm.at[pl.ds(wid * EPW, EPW)], srcv)
    pltpu.sync_copy(dstf_hbm.at[pl.ds(wid * EPW, EPW)], dstv)

    zeros16 = jnp.zeros((16,), jnp.float32)
    ones16 = jnp.ones((16,), jnp.float32)

    def zbody(i, carry):
        co_v[pl.ds(i * 16, 16)] = zeros16
        ci_v[pl.ds(i * 16, 16)] = zeros16
        return carry

    lax.fori_loop(0, NP // 16, zbody, 0)

    def body(i, carry):
        plsc.addupdate_scatter(co_v, [srcv[pl.ds(i * 16, 16)]], ones16)
        plsc.addupdate_scatter(ci_v, [dstv[pl.ds(i * 16, 16)]], ones16)
        return carry

    lax.fori_loop(0, EPW // 16, body, 0)
    pltpu.sync_copy(co_v, stage_o.at[sid])
    pltpu.sync_copy(ci_v, stage_i.at[sid])
    plsc.subcore_barrier()
    base = cid * NP + sid * RPT
    for stage, out_hbm in ((stage_o, dout_hbm), (stage_i, din_hbm)):
        pltpu.sync_copy(stage.at[0, pl.ds(sid * RPT, RPT)], acc_v)
        for t in range(1, NS):
            pltpu.sync_copy(stage.at[t, pl.ds(sid * RPT, RPT)], tmp_v)

            def abody(k, carry):
                acc_v[pl.ds(k * 16, 16)] = (acc_v[pl.ds(k * 16, 16)]
                                            + tmp_v[pl.ds(k * 16, 16)])
                return carry

            lax.fori_loop(0, RPT // 16, abody, 0)
        pltpu.sync_copy(acc_v, out_hbm.at[pl.ds(base, RPT)])


@functools.partial(
    pl.kernel,
    out_type=jax.ShapeDtypeStruct((NC * NP, D), jnp.float32),
    mesh=_mesh,
    scratch_types=(
        pltpu.VMEM((EPW,), jnp.int32),
        pltpu.VMEM((NB, BE), jnp.int32),
        pltpu.VMEM((BE, D), jnp.float32),
        pltpu.VMEM((BE, D), jnp.float32),
        pltpu.VMEM_SHARED((NP, D), jnp.float32),
        pltpu.SemaphoreType.DMA,
        pltpu.SemaphoreType.DMA,
    ),
)
def _sc_spmm(xp_hbm, srcf_hbm, dst_hbm, zeros_hbm, out_hbm,
             src_v, dst_v, rows0, rows1, agg_sh, sem0, sem1):
    cid = lax.axis_index("c")
    sid = lax.axis_index("s")
    wid = cid * NS + sid
    pltpu.sync_copy(zeros_hbm.at[pl.ds(sid * RPT, RPT)],
                    agg_sh.at[pl.ds(sid * RPT, RPT)])
    pltpu.sync_copy(srcf_hbm.at[pl.ds(wid * EPW, EPW)], src_v)
    pltpu.sync_copy(dst_hbm.at[wid], dst_v)
    plsc.subcore_barrier()

    def _gather(j, rows, sem):
        return pltpu.async_copy(xp_hbm.at[src_v.at[pl.ds(j * BE, BE)]],
                                rows, sem)

    def _gwait(j, rows, sem):
        pltpu.make_async_copy(xp_hbm.at[src_v.at[pl.ds(j * BE, BE)]],
                              rows, sem).wait()

    _gather(0, rows0, sem0)

    def body(g, carry):
        j0 = 2 * g
        _gather(j0 + 1, rows1, sem1)
        _gwait(j0, rows0, sem0)
        pltpu.sync_copy(rows0, agg_sh.at[dst_v.at[j0]], add=True)

        @pl.when(j0 + 2 < NB)
        def _next_even():
            _gather(j0 + 2, rows0, sem0)

        _gwait(j0 + 1, rows1, sem1)
        pltpu.sync_copy(rows1, agg_sh.at[dst_v.at[j0 + 1]], add=True)
        return carry

    lax.fori_loop(0, NB // 2, body, 0)
    _gwait(NB - 1, rows0, sem0)
    pltpu.sync_copy(rows0, agg_sh.at[dst_v.at[NB - 1]], add=True)
    plsc.subcore_barrier()
    base = cid * NP + sid * RPT
    pltpu.sync_copy(agg_sh.at[pl.ds(sid * RPT, RPT)],
                    out_hbm.at[pl.ds(base, RPT)])


_RB = 1000


def _tc_prescale_body(x_ref, d0_ref, d1_ref, o_ref):
    deg = d0_ref[...] + d1_ref[...]
    s = lax.rsqrt(jnp.maximum(deg, 1.0))
    o_ref[...] = x_ref[...] * s


def _tc_prescale(x, d0, d1):
    return pl.pallas_call(
        _tc_prescale_body,
        grid=(N // _RB,),
        in_specs=[
            pl.BlockSpec((_RB, D), lambda i: (i, 0)),
            pl.BlockSpec((_RB, 1), lambda i: (i, 0)),
            pl.BlockSpec((_RB, 1), lambda i: (i, 0)),
        ],
        out_specs=pl.BlockSpec((_RB, D), lambda i: (i, 0)),
        out_shape=jax.ShapeDtypeStruct((N, D), jnp.float32),
    )(x, d0, d1)


def _tc_finish_body(a0_ref, a1_ref, d0_ref, d1_ref, w_ref, o_ref):
    deg = d0_ref[...] + d1_ref[...]
    s = lax.rsqrt(jnp.maximum(deg, 1.0))
    agg = (a0_ref[...] + a1_ref[...]) * s
    o_ref[...] = jnp.tanh(jnp.dot(agg, w_ref[...],
                                  preferred_element_type=jnp.float32))


def _tc_finish(aggp, d0, d1, W):
    return pl.pallas_call(
        _tc_finish_body,
        grid=(N // _RB,),
        in_specs=[
            pl.BlockSpec((_RB, D), lambda i: (i, 0)),
            pl.BlockSpec((_RB, D), lambda i: (i, 0)),
            pl.BlockSpec((_RB, 1), lambda i: (i, 0)),
            pl.BlockSpec((_RB, 1), lambda i: (i, 0)),
            pl.BlockSpec((D, D), lambda i: (0, 0)),
        ],
        out_specs=pl.BlockSpec((_RB, D), lambda i: (i, 0)),
        out_shape=jax.ShapeDtypeStruct((N, D), jnp.float32),
    )(aggp[:N], aggp[NP:NP + N], d0, d1, W)


def kernel(x, edge_index, W):
    srcf = edge_index[0]
    dstf = edge_index[1]
    dst3 = dstf.reshape(NW, NB, BE)
    zeros_nd = jnp.zeros((NP, D), jnp.float32)

    dout, din = _sc_degrees(srcf, dstf)
    do0 = dout[:N, None]
    do1 = dout[NP:NP + N, None]
    di0 = din[:N, None]
    di1 = din[NP:NP + N, None]
    xp = _tc_prescale(x, do0, do1)
    aggp = _sc_spmm(xp, srcf, dst3, zeros_nd)
    return _tc_finish(aggp, di0, di1, W)

# --- scband reference (transcript-rebuilt; emitter-appended) ---
"""Pipeline reference for scband-mhrec-31688268710212 (READ-ONLY COPY).

The authoritative reference and input builder live on the scoring server;
editing this copy changes nothing except your own understanding.
"""

import jax, jax.numpy as jnp
import numpy as np

N = 10000
E = 320000
D = 128

def setup_inputs(seed: int = 0) -> dict:
    key = jax.random.key(seed)
    k1, k2, k3 = jax.random.split(key, 3)
    x = jax.random.normal(k1, (N, D), dtype=jnp.float32)
    edge_index = jax.random.randint(k2, (2, E), 0, N, dtype=jnp.int32)
    W = jax.random.normal(k3, (D, D), dtype=jnp.float32) * (np.sqrt(2.0 / (D + D)))
    return {"x": x, "edge_index": edge_index, "W": W}

def reference(x, edge_index, W):
    # GCN-style message passing (MHRec propagation core): symmetric-normalized
    # sparse adjacency spmm (gather -> scale -> scatter-add), then linear + tanh.
    src = edge_index[0]
    dst = edge_index[1]
    deg_out = jnp.bincount(src, length=N).astype(jnp.float32)
    deg_in = jnp.bincount(dst, length=N).astype(jnp.float32)
    norm = jax.lax.rsqrt(jnp.clip(deg_out[src], 1.0) * jnp.clip(deg_in[dst], 1.0))
    msgs = jnp.take(x, src, axis=0) * norm[:, None]
    agg = jax.ops.segment_sum(msgs, dst, num_segments=N)
    h = jnp.tanh(agg @ W)
    return h

if __name__ == "__main__":
    import jax
    _d = setup_inputs()
    print(jax.jit(kernel)(*tuple(_d.values())))

</pallas_src>

<mosaic_0001>
#map = affine_map<(d0, d1) -> (0)>
module attributes {stable_mosaic.version = 14 : i64} {
  func.func @_sc_degrees(%arg0: i32, %arg1: i32, %arg2: memref<320000xi32, #tpu.memory_space<hbm>>, %arg3: memref<320000xi32, #tpu.memory_space<hbm>>, %arg4: memref<20480xf32, #tpu.memory_space<hbm>>, %arg5: memref<20480xf32, #tpu.memory_space<hbm>>, %arg6: memref<10000xi32, #tpu.memory_space<vmem>>, %arg7: memref<10000xi32, #tpu.memory_space<vmem>>, %arg8: memref<10240xf32, #tpu.memory_space<vmem>>, %arg9: memref<10240xf32, #tpu.memory_space<vmem>>, %arg10: memref<640xf32, #tpu.memory_space<vmem>>, %arg11: memref<640xf32, #tpu.memory_space<vmem>>, %arg12: memref<16x10240xf32, #tpu.memory_space<vmem_shared>>, %arg13: memref<16x10240xf32, #tpu.memory_space<vmem_shared>>) attributes {dimension_semantics = [#tpu.dimension_semantics<core_parallel>, #tpu.dimension_semantics<subcore_parallel>], iteration_bounds = array<i64: 2, 16>, scalar_prefetch = 0 : i64, scratch_operands = 8 : i64, tpu.core_type = #tpu.core_type<sc_vector_subcore>, window_params = [{transform_indices = #map}, {transform_indices = #map}, {transform_indices = #map}, {transform_indices = #map}]} {
    %mul3A = arith.constant 16 : i32
    %mul3A_0 = arith.muli %arg0, %mul3A : i32
    %add3A = arith.addi %mul3A_0, %arg1 : i32
    %mul3A_1 = arith.constant 10000 : i32
    %mul3A_2 = arith.muli %add3A, %mul3A_1 : i32
    "tpu.region"() ({
      %run_scoped3A_299 = tpu.sem_alloc : memref<!tpu.dma_semaphore, #tpu.memory_space<semaphore_mem>>
      %dma_start3A = tpu.memref_slice %arg2[%mul3A_2] : memref<320000xi32, #tpu.memory_space<hbm>> -> memref<10000xi32, #tpu.memory_space<hbm>>
      %dma_start3A_300 = tpu.memref_slice %arg2[%mul3A_2] : memref<320000xi32, #tpu.memory_space<hbm>> -> memref<10000xi32, #tpu.memory_space<hbm>>
      tpu.enqueue_dma source(%dma_start3A_300 : memref<10000xi32, #tpu.memory_space<hbm>>) target(%arg6 : memref<10000xi32, #tpu.memory_space<vmem>>) target_semaphore(%run_scoped3A_299 : memref<!tpu.dma_semaphore, #tpu.memory_space<semaphore_mem>>)
      %dma_wait3A = tpu.memref_slice %arg2[%mul3A_2] : memref<320000xi32, #tpu.memory_space<hbm>> -> memref<10000xi32, #tpu.memory_space<hbm>>
      %dma_wait3A_301 = tpu.memref_slice %arg2[%mul3A_2] : memref<320000xi32, #tpu.memory_space<hbm>> -> memref<10000xi32, #tpu.memory_space<hbm>>
      tpu.wait_dma2 semaphore(%run_scoped3A_299 : memref<!tpu.dma_semaphore, #tpu.memory_space<semaphore_mem>>) src(%dma_wait3A_301 : memref<10000xi32, #tpu.memory_space<hbm>>) dst(%arg6 : memref<10000xi32, #tpu.memory_space<vmem>>)
      tpu.yield
    }) : () -> ()
    %mul3A_3 = arith.constant 10000 : i32
    %mul3A_4 = arith.muli %add3A, %mul3A_3 : i32
    "tpu.region"() ({
      %run_scoped3A_299 = tpu.sem_alloc : memref<!tpu.dma_semaphore, #tpu.memory_space<semaphore_mem>>
      %dma_start3A = tpu.memref_slice %arg3[%mul3A_4] : memref<320000xi32, #tpu.memory_space<hbm>> -> memref<10000xi32, #tpu.memory_space<hbm>>
      %dma_start3A_300 = tpu.memref_slice %arg3[%mul3A_4] : memref<320000xi32, #tpu.memory_space<hbm>> -> memref<10000xi32, #tpu.memory_space<hbm>>
      tpu.enqueue_dma source(%dma_start3A_300 : memref<10000xi32, #tpu.memory_space<hbm>>) target(%arg7 : memref<10000xi32, #tpu.memory_space<vmem>>) target_semaphore(%run_scoped3A_299 : memref<!tpu.dma_semaphore, #tpu.memory_space<semaphore_mem>>)
      %dma_wait3A = tpu.memref_slice %arg3[%mul3A_4] : memref<320000xi32, #tpu.memory_space<hbm>> -> memref<10000xi32, #tpu.memory_space<hbm>>
      %dma_wait3A_301 = tpu.memref_slice %arg3[%mul3A_4] : memref<320000xi32, #tpu.memory_space<hbm>> -> memref<10000xi32, #tpu.memory_space<hbm>>
      tpu.wait_dma2 semaphore(%run_scoped3A_299 : memref<!tpu.dma_semaphore, #tpu.memory_space<semaphore_mem>>) src(%dma_wait3A_301 : memref<10000xi32, #tpu.memory_space<hbm>>) dst(%arg7 : memref<10000xi32, #tpu.memory_space<vmem>>)
      tpu.yield
    }) : () -> ()
    %broadcast_in_dim3A = arith.constant 0.000000e+00 : f32
    %broadcast_in_dim3A_5 = vector.broadcast %broadcast_in_dim3A : f32 to vector<16xf32>
    %broadcast_in_dim3A_6 = arith.constant 1.000000e+00 : f32
    %broadcast_in_dim3A_7 = vector.broadcast %broadcast_in_dim3A_6 : f32 to vector<16xf32>
    %scan3A = arith.constant 0 : i32
    %scan3A_8 = arith.constant 0 : i32
    %scan3A_9 = arith.constant 640 : i32
    %scan3A_10 = arith.addi %scan3A_8, %scan3A_9 : i32
    %scan3A_11 = arith.constant 1 : i32
    scf.for %scan3A_299 = %scan3A_8 to %scan3A_10 step %scan3A_11  : i32 {
      %mul3A_300 = arith.constant 16 : i32
      %mul3A_301 = arith.muli %scan3A_299, %mul3A_300 : i32
      %swap3A = arith.index_cast %mul3A_301 : i32 to index
      %swap3A_302 = tpu.vector_load %arg8[%swap3A] {strides = array<i32>} : memref<10240xf32, #tpu.memory_space<vmem>>, vector<16xf32>,
      tpu.vector_store %arg8[%swap3A], %broadcast_in_dim3A_5 {strides = array<i32>} : memref<10240xf32, #tpu.memory_space<vmem>>, vector<16xf32>,
      %mul3A_303 = arith.constant 16 : i32
      %mul3A_304 = arith.muli %scan3A_299, %mul3A_303 : i32
      %swap3A_305 = arith.index_cast %mul3A_304 : i32 to index
      %swap3A_306 = tpu.vector_load %arg9[%swap3A_305] {strides = array<i32>} : memref<10240xf32, #tpu.memory_space<vmem>>, vector<16xf32>,
      tpu.vector_store %arg9[%swap3A_305], %broadcast_in_dim3A_5 {strides = array<i32>} : memref<10240xf32, #tpu.memory_space<vmem>>, vector<16xf32>,
    }
    %scan3A_12 = arith.constant 640 : i32
    %scan3A_13 = arith.constant 0 : i32
    %scan3A_14 = arith.constant 0 : i32
    %scan3A_15 = arith.constant 625 : i32
    %scan3A_16 = arith.addi %scan3A_14, %scan3A_15 : i32
    %scan3A_17 = arith.constant 1 : i32
    scf.for %scan3A_299 = %scan3A_14 to %scan3A_16 step %scan3A_17  : i32 {
      %mul3A_300 = arith.constant 16 : i32
      %mul3A_301 = arith.muli %scan3A_299, %mul3A_300 : i32
      %get3A = arith.index_cast %mul3A_301 : i32 to index
      %get3A_302 = tpu.vector_load %arg6[%get3A] {strides = array<i32>} : memref<10000xi32, #tpu.memory_space<vmem>>, vector<16xi32>,
      tpu.vector_store_idx %arg8[%get3A_302], %broadcast_in_dim3A_7 {add = true} : memref<10240xf32, #tpu.memory_space<vmem>>[vector<16xi32>], vector<16xf32>,
      %mul3A_303 = arith.constant 16 : i32
      %mul3A_304 = arith.muli %scan3A_299, %mul3A_303 : i32
      %get3A_305 = arith.index_cast %mul3A_304 : i32 to index
      %get3A_306 = tpu.vector_load %arg7[%get3A_305] {strides = array<i32>} : memref<10000xi32, #tpu.memory_space<vmem>>, vector<16xi32>,
      tpu.vector_store_idx %arg9[%get3A_306], %broadcast_in_dim3A_7 {add = true} : memref<10240xf32, #tpu.memory_space<vmem>>[vector<16xi32>], vector<16xf32>,
    }
    %scan3A_18 = arith.constant 625 : i32
    "tpu.region"() ({
      %run_scoped3A_299 = tpu.sem_alloc : memref<!tpu.dma_semaphore, #tpu.memory_space<semaphore_mem>>
      %dma_start3A = arith.constant 0 : i32
      %dma_start3A_300 = tpu.memref_slice %arg12[%arg1, %dma_start3A] : memref<16x10240xf32, #tpu.memory_space<vmem_shared>> -> memref<1x10240xf32, #tpu.memory_space<vmem_shared>>
      %dma_start3A_301 = tpu.memref_squeeze %dma_start3A_300 : memref<1x10240xf32, #tpu.memory_space<vmem_shared>> -> memref<10240xf32, #tpu.memory_space<vmem_shared>>
      %dma_start3A_302 = arith.constant 0 : i32
      %dma_start3A_303 = tpu.memref_slice %arg12[%arg1, %dma_start3A_302] : memref<16x10240xf32, #tpu.memory_space<vmem_shared>> -> memref<1x10240xf32, #tpu.memory_space<vmem_shared>>
      %dma_start3A_304 = tpu.memref_squeeze %dma_start3A_303 : memref<1x10240xf32, #tpu.memory_space<vmem_shared>> -> memref<10240xf32, #tpu.memory_space<vmem_shared>>
      tpu.enqueue_dma source(%arg8 : memref<10240xf32, #tpu.memory_space<vmem>>) target(%dma_start3A_304 : memref<10240xf32, #tpu.memory_space<vmem_shared>>) target_semaphore(%run_scoped3A_299 : memref<!tpu.dma_semaphore, #tpu.memory_space<semaphore_mem>>)
      %dma_wait3A = arith.constant 0 : i32
      %dma_wait3A_305 = tpu.memref_slice %arg12[%arg1, %dma_wait3A] : memref<16x10240xf32, #tpu.memory_space<vmem_shared>> -> memref<1x10240xf32, #tpu.memory_space<vmem_shared>>
      %dma_wait3A_306 = tpu.memref_squeeze %dma_wait3A_305 : memref<1x10240xf32, #tpu.memory_space<vmem_shared>> -> memref<10240xf32, #tpu.memory_space<vmem_shared>>
      %dma_wait3A_307 = arith.constant 0 : i32
      %dma_wait3A_308 = tpu.memref_slice %arg12[%arg1, %dma_wait3A_307] : memref<16x10240xf32, #tpu.memory_space<vmem_shared>> -> memref<1x10240xf32, #tpu.memory_space<vmem_shared>>
      %dma_wait3A_309 = tpu.memref_squeeze %dma_wait3A_308 : memref<1x10240xf32, #tpu.memory_space<vmem_shared>> -> memref<10240xf32, #tpu.memory_space<vmem_shared>>
      tpu.wait_dma2 semaphore(%run_scoped3A_299 : memref<!tpu.dma_semaphore, #tpu.memory_space<semaphore_mem>>) src(%arg8 : memref<10240xf32, #tpu.memory_space<vmem>>) dst(%dma_wait3A_309 : memref<10240xf32, #tpu.memory_space<vmem_shared>>)
      tpu.yield
    }) : () -> ()
    "tpu.region"() ({
      %run_scoped3A_299 = tpu.sem_alloc : memref<!tpu.dma_semaphore, #tpu.memory_space<semaphore_mem>>
      %dma_start3A = arith.constant 0 : i32
      %dma_start3A_300 = tpu.memref_slice %arg13[%arg1, %dma_start3A] : memref<16x10240xf32, #tpu.memory_space<vmem_shared>> -> memref<1x10240xf32, #tpu.memory_space<vmem_shared>>
      %dma_start3A_301 = tpu.memref_squeeze %dma_start3A_300 : memref<1x10240xf32, #tpu.memory_space<vmem_shared>> -> memref<10240xf32, #tpu.memory_space<vmem_shared>>
      %dma_start3A_302 = arith.constant 0 : i32
      %dma_start3A_303 = tpu.memref_slice %arg13[%arg1, %dma_start3A_302] : memref<16x10240xf32, #tpu.memory_space<vmem_shared>> -> memref<1x10240xf32, #tpu.memory_space<vmem_shared>>
      %dma_start3A_304 = tpu.memref_squeeze %dma_start3A_303 : memref<1x10240xf32, #tpu.memory_space<vmem_shared>> -> memref<10240xf32, #tpu.memory_space<vmem_shared>>
      tpu.enqueue_dma source(%arg9 : memref<10240xf32, #tpu.memory_space<vmem>>) target(%dma_start3A_304 : memref<10240xf32, #tpu.memory_space<vmem_shared>>) target_semaphore(%run_scoped3A_299 : memref<!tpu.dma_semaphore, #tpu.memory_space<semaphore_mem>>)
      %dma_wait3A = arith.constant 0 : i32
      %dma_wait3A_305 = tpu.memref_slice %arg13[%arg1, %dma_wait3A] : memref<16x10240xf32, #tpu.memory_space<vmem_shared>> -> memref<1x10240xf32, #tpu.memory_space<vmem_shared>>
      %dma_wait3A_306 = tpu.memref_squeeze %dma_wait3A_305 : memref<1x10240xf32, #tpu.memory_space<vmem_shared>> -> memref<10240xf32, #tpu.memory_space<vmem_shared>>
      %dma_wait3A_307 = arith.constant 0 : i32
      %dma_wait3A_308 = tpu.memref_slice %arg13[%arg1, %dma_wait3A_307] : memref<16x10240xf32, #tpu.memory_space<vmem_shared>> -> memref<1x10240xf32, #tpu.memory_space<vmem_shared>>
      %dma_wait3A_309 = tpu.memref_squeeze %dma_wait3A_308 : memref<1x10240xf32, #tpu.memory_space<vmem_shared>> -> memref<10240xf32, #tpu.memory_space<vmem_shared>>
      tpu.wait_dma2 semaphore(%run_scoped3A_299 : memref<!tpu.dma_semaphore, #tpu.memory_space<semaphore_mem>>) src(%arg9 : memref<10240xf32, #tpu.memory_space<vmem>>) dst(%dma_wait3A_309 : memref<10240xf32, #tpu.memory_space<vmem_shared>>)
      tpu.yield
    }) : () -> ()
    %barrier3A = arith.constant 0 : index
    tpu.barrier barrier_id(%barrier3A)
    %mul3A_19 = arith.constant 10240 : i32
    %mul3A_20 = arith.muli %arg0, %mul3A_19 : i32
    %mul3A_21 = arith.constant 640 : i32
    %mul3A_22 = arith.muli %arg1, %mul3A_21 : i32
    %add3A_23 = arith.addi %mul3A_20, %mul3A_22 : i32
    %mul3A_24 = arith.constant 640 : i32
    %mul3A_25 = arith.muli %arg1, %mul3A_24 : i32
    %run_scoped3A = arith.constant 0 : i32
    "tpu.region"() ({
      %run_scoped3A_299 = tpu.sem_alloc : memref<!tpu.dma_semaphore, #tpu.memory_space<semaphore_mem>>
      %dma_start3A = tpu.memref_slice %arg12[%run_scoped3A, %mul3A_25] : memref<16x10240xf32, #tpu.memory_space<vmem_shared>> -> memref<1x640xf32, #tpu.memory_space<vmem_shared>>
      %dma_start3A_300 = tpu.memref_squeeze %dma_start3A : memref<1x640xf32, #tpu.memory_space<vmem_shared>> -> memref<640xf32, #tpu.memory_space<vmem_shared>>
      %dma_start3A_301 = tpu.memref_slice %arg12[%run_scoped3A, %mul3A_25] : memref<16x10240xf32, #tpu.memory_space<vmem_shared>> -> memref<1x640xf32, #tpu.memory_space<vmem_shared>>
      %dma_start3A_302 = tpu.memref_squeeze %dma_start3A_301 : memref<1x640xf32, #tpu.memory_space<vmem_shared>> -> memref<640xf32, #tpu.memory_space<vmem_shared>>
      tpu.enqueue_dma source(%dma_start3A_302 : memref<640xf32, #tpu.memory_space<vmem_shared>>) target(%arg11 : memref<640xf32, #tpu.memory_space<vmem>>) target_semaphore(%run_scoped3A_299 : memref<!tpu.dma_semaphore, #tpu.memory_space<semaphore_mem>>)
      %dma_wait3A = tpu.memref_slice %arg12[%run_scoped3A, %mul3A_25] : memref<16x10240xf32, #tpu.memory_space<vmem_shared>> -> memref<1x640xf32, #tpu.memory_space<vmem_shared>>
      %dma_wait3A_303 = tpu.memref_squeeze %dma_wait3A : memref<1x640xf32, #tpu.memory_space<vmem_shared>> -> memref<640xf32, #tpu.memory_space<vmem_shared>>
      %dma_wait3A_304 = tpu.memref_slice %arg12[%run_scoped3A, %mul3A_25] : memref<16x10240xf32, #tpu.memory_space<vmem_shared>> -> memref<1x640xf32, #tpu.memory_space<vmem_shared>>
      %dma_wait3A_305 = tpu.memref_squeeze %dma_wait3A_304 : memref<1x640xf32, #tpu.memory_space<vmem_shared>> -> memref<640xf32, #tpu.memory_space<vmem_shared>>
      tpu.wait_dma2 semaphore(%run_scoped3A_299 : memref<!tpu.dma_semaphore, #tpu.memory_space<semaphore_mem>>) src(%dma_wait3A_305 : memref<640xf32, #tpu.memory_space<vmem_shared>>) dst(%arg11 : memref<640xf32, #tpu.memory_space<vmem>>)
      tpu.yield
    }) : () -> ()
    %mul3A_26 = arith.constant 640 : i32
    %mul3A_27 = arith.muli %arg1, %mul3A_26 : i32
    %run_scoped3A_28 = arith.constant 1 : i32
    "tpu.region"() ({
      %run_scoped3A_299 = tpu.sem_alloc : memref<!tpu.dma_semaphore, #tpu.memory_space<semaphore_mem>>
      %dma_start3A = tpu.memref_slice %arg12[%run_scoped3A_28, %mul3A_27] : memref<16x10240xf32, #tpu.memory_space<vmem_shared>> -> memref<1x640xf32, #tpu.memory_space<vmem_shared>>
      %dma_start3A_300 = tpu.memref_squeeze %dma_start3A : memref<1x640xf32, #tpu.memory_space<vmem_shared>> -> memref<640xf32, #tpu.memory_space<vmem_shared>>
      %dma_start3A_301 = tpu.memref_slice %arg12[%run_scoped3A_28, %mul3A_27] : memref<16x10240xf32, #tpu.memory_space<vmem_shared>> -> memref<1x640xf32, #tpu.memory_space<vmem_shared>>
      %dma_start3A_302 = tpu.memref_squeeze %dma_start3A_301 : memref<1x640xf32, #tpu.memory_space<vmem_shared>> -> memref<640xf32, #tpu.memory_space<vmem_shared>>
      tpu.enqueue_dma source(%dma_start3A_302 : memref<640xf32, #tpu.memory_space<vmem_shared>>) target(%arg10 : memref<640xf32, #tpu.memory_space<vmem>>) target_semaphore(%run_scoped3A_299 : memref<!tpu.dma_semaphore, #tpu.memory_space<semaphore_mem>>)
      %dma_wait3A = tpu.memref_slice %arg12[%run_scoped3A_28, %mul3A_27] : memref<16x10240xf32, #tpu.memory_space<vmem_shared>> -> memref<1x640xf32, #tpu.memory_space<vmem_shared>>
      %dma_wait3A_303 = tpu.memref_squeeze %dma_wait3A : memref<1x640xf32, #tpu.memory_space<vmem_shared>> -> memref<640xf32, #tpu.memory_space<vmem_shared>>
      %dma_wait3A_304 = tpu.memref_slice %arg12[%run_scoped3A_28, %mul3A_27] : memref<16x10240xf32, #tpu.memory_space<vmem_shared>> -> memref<1x640xf32, #tpu.memory_space<vmem_shared>>
      %dma_wait3A_305 = tpu.memref_squeeze %dma_wait3A_304 : memref<1x640xf32, #tpu.memory_space<vmem_shared>> -> memref<640xf32, #tpu.memory_space<vmem_shared>>
      tpu.wait_dma2 semaphore(%run_scoped3A_299 : memref<!tpu.dma_semaphore, #tpu.memory_space<semaphore_mem>>) src(%dma_wait3A_305 : memref<640xf32, #tpu.memory_space<vmem_shared>>) dst(%arg10 : memref<640xf32, #tpu.memory_space<vmem>>)
      tpu.yield
    }) : () -> ()
    %scan3A_29 = arith.constant 0 : i32
    %scan3A_30 = arith.constant 0 : i32
    %scan3A_31 = arith.constant 40 : i32
    %scan3A_32 = arith.addi %scan3A_30, %scan3A_31 : i32
    %scan3A_33 = arith.constant 1 : i32
    scf.for %scan3A_299 = %scan3A_30 to %scan3A_32 step %scan3A_33  : i32 {
      %mul3A_300 = arith.constant 16 : i32
      %mul3A_301 = arith.muli %scan3A_299, %mul3A_300 : i32
      %get3A = arith.index_cast %mul3A_301 : i32 to index
      %get3A_302 = tpu.vector_load %arg11[%get3A] {strides = array<i32>} : memref<640xf32, #tpu.memory_space<vmem>>, vector<16xf32>,
      %mul3A_303 = arith.constant 16 : i32
      %mul3A_304 = arith.muli %scan3A_299, %mul3A_303 : i32
      %get3A_305 = arith.index_cast %mul3A_304 : i32 to index
      %get3A_306 = tpu.vector_load %arg10[%get3A_305] {strides = array<i32>} : memref<640xf32, #tpu.memory_space<vmem>>, vector<16xf32>,
      %add3A_307 = arith.addf %get3A_302, %get3A_306 : vector<16xf32>
      %mul3A_308 = arith.constant 16 : i32
      %mul3A_309 = arith.muli %scan3A_299, %mul3A_308 : i32
      %swap3A = arith.index_cast %mul3A_309 : i32 to index
      %swap3A_310 = tpu.vector_load %arg11[%swap3A] {strides = array<i32>} : memref<640xf32, #tpu.memory_space<vmem>>, vector<16xf32>,
      tpu.vector_store %arg11[%swap3A], %add3A_307 {strides = array<i32>} : memref<640xf32, #tpu.memory_space<vmem>>, vector<16xf32>,
    }
    %scan3A_34 = arith.constant 40 : i32
    %mul3A_35 = arith.constant 640 : i32
    %mul3A_36 = arith.muli %arg1, %mul3A_35 : i32
    %run_scoped3A_37 = arith.constant 2 : i32
    "tpu.region"() ({
      %run_scoped3A_299 = tpu.sem_alloc : memref<!tpu.dma_semaphore, #tpu.memory_space<semaphore_mem>>
      %dma_start3A = tpu.memref_slice %arg12[%run_scoped3A_37, %mul3A_36] : memref<16x10240xf32, #tpu.memory_space<vmem_shared>> -> memref<1x640xf32, #tpu.memory_space<vmem_shared>>
      %dma_start3A_300 = tpu.memref_squeeze %dma_start3A : memref<1x640xf32, #tpu.memory_space<vmem_shared>> -> memref<640xf32, #tpu.memory_space<vmem_shared>>
      %dma_start3A_301 = tpu.memref_slice %arg12[%run_scoped3A_37, %mul3A_36] : memref<16x10240xf32, #tpu.memory_space<vmem_shared>> -> memref<1x640xf32, #tpu.memory_space<vmem_shared>>
      %dma_start3A_302 = tpu.memref_squeeze %dma_start3A_301 : memref<1x640xf32, #tpu.memory_space<vmem_shared>> -> memref<640xf32, #tpu.memory_space<vmem_shared>>
      tpu.enqueue_dma source(%dma_start3A_302 : memref<640xf32, #tpu.memory_space<vmem_shared>>) target(%arg10 : memref<640xf32, #tpu.memory_space<vmem>>) target_semaphore(%run_scoped3A_299 : memref<!tpu.dma_semaphore, #tpu.memory_space<semaphore_mem>>)
      %dma_wait3A = tpu.memref_slice %arg12[%run_scoped3A_37, %mul3A_36] : memref<16x10240xf32, #tpu.memory_space<vmem_shared>> -> memref<1x640xf32, #tpu.memory_space<vmem_shared>>
      %dma_wait3A_303 = tpu.memref_squeeze %dma_wait3A : memref<1x640xf32, #tpu.memory_space<vmem_shared>> -> memref<640xf32, #tpu.memory_space<vmem_shared>>
      %dma_wait3A_304 = tpu.memref_slice %arg12[%run_scoped3A_37, %mul3A_36] : memref<16x10240xf32, #tpu.memory_space<vmem_shared>> -> memref<1x640xf32, #tpu.memory_space<vmem_shared>>
      %dma_wait3A_305 = tpu.memref_squeeze %dma_wait3A_304 : memref<1x640xf32, #tpu.memory_space<vmem_shared>> -> memref<640xf32, #tpu.memory_space<vmem_shared>>
      tpu.wait_dma2 semaphore(%run_scoped3A_299 : memref<!tpu.dma_semaphore, #tpu.memory_space<semaphore_mem>>) src(%dma_wait3A_305 : memref<640xf32, #tpu.memory_space<vmem_shared>>) dst(%arg10 : memref<640xf32, #tpu.memory_space<vmem>>)
      tpu.yield
    }) : () -> ()
    %scan3A_38 = arith.constant 0 : i32
    %scan3A_39 = arith.constant 0 : i32
    %scan3A_40 = arith.constant 40 : i32
    %scan3A_41 = arith.addi %scan3A_39, %scan3A_40 : i32
    %scan3A_42 = arith.constant 1 : i32
    scf.for %scan3A_299 = %scan3A_39 to %scan3A_41 step %scan3A_42  : i32 {
      %mul3A_300 = arith.constant 16 : i32
      %mul3A_301 = arith.muli %scan3A_299, %mul3A_300 : i32
      %get3A = arith.index_cast %mul3A_301 : i32 to index
      %get3A_302 = tpu.vector_load %arg11[%get3A] {strides = array<i32>} : memref<640xf32, #tpu.memory_space<vmem>>, vector<16xf32>,
      %mul3A_303 = arith.constant 16 : i32
      %mul3A_304 = arith.muli %scan3A_299, %mul3A_303 : i32
      %get3A_305 = arith.index_cast %mul3A_304 : i32 to index
      %get3A_306 = tpu.vector_load %arg10[%get3A_305] {strides = array<i32>} : memref<640xf32, #tpu.memory_space<vmem>>, vector<16xf32>,
      %add3A_307 = arith.addf %get3A_302, %get3A_306 : vector<16xf32>
      %mul3A_308 = arith.constant 16 : i32
      %mul3A_309 = arith.muli %scan3A_299, %mul3A_308 : i32
      %swap3A = arith.index_cast %mul3A_309 : i32 to index
      %swap3A_310 = tpu.vector_load %arg11[%swap3A] {strides = array<i32>} : memref<640xf32, #tpu.memory_space<vmem>>, vector<16xf32>,
      tpu.vector_store %arg11[%swap3A], %add3A_307 {strides = array<i32>} : memref<640xf32, #tpu.memory_space<vmem>>, vector<16xf32>,
    }
    %scan3A_43 = arith.constant 40 : i32
    %mul3A_44 = arith.constant 640 : i32
    %mul3A_45 = arith.muli %arg1, %mul3A_44 : i32
    %run_scoped3A_46 = arith.constant 3 : i32
    "tpu.region"() ({
      %run_scoped3A_299 = tpu.sem_alloc : memref<!tpu.dma_semaphore, #tpu.memory_space<semaphore_mem>>
      %dma_start3A = tpu.memref_slice %arg12[%run_scoped3A_46, %mul3A_45] : memref<16x10240xf32, #tpu.memory_space<vmem_shared>> -> memref<1x640xf32, #tpu.memory_space<vmem_shared>>
      %dma_start3A_300 = tpu.memref_squeeze %dma_start3A : memref<1x640xf32, #tpu.memory_space<vmem_shared>> -> memref<640xf32, #tpu.memory_space<vmem_shared>>
      %dma_start3A_301 = tpu.memref_slice %arg12[%run_scoped3A_46, %mul3A_45] : memref<16x10240xf32, #tpu.memory_space<vmem_shared>> -> memref<1x640xf32, #tpu.memory_space<vmem_shared>>
      %dma_start3A_302 = tpu.memref_squeeze %dma_start3A_301 : memref<1x640xf32, #tpu.memory_space<vmem_shared>> -> memref<640xf32, #tpu.memory_space<vmem_shared>>
      tpu.enqueue_dma source(%dma_start3A_302 : memref<640xf32, #tpu.memory_space<vmem_shared>>) target(%arg10 : memref<640xf32, #tpu.memory_space<vmem>>) target_semaphore(%run_scoped3A_299 : memref<!tpu.dma_semaphore, #tpu.memory_space<semaphore_mem>>)
      %dma_wait3A = tpu.memref_slice %arg12[%run_scoped3A_46, %mul3A_45] : memref<16x10240xf32, #tpu.memory_space<vmem_shared>> -> memref<1x640xf32, #tpu.memory_space<vmem_shared>>
      %dma_wait3A_303 = tpu.memref_squeeze %dma_wait3A : memref<1x640xf32, #tpu.memory_space<vmem_shared>> -> memref<640xf32, #tpu.memory_space<vmem_shared>>
      %dma_wait3A_304 = tpu.memref_slice %arg12[%run_scoped3A_46, %mul3A_45] : memref<16x10240xf32, #tpu.memory_space<vmem_shared>> -> memref<1x640xf32, #tpu.memory_space<vmem_shared>>
      %dma_wait3A_305 = tpu.memref_squeeze %dma_wait3A_304 : memref<1x640xf32, #tpu.memory_space<vmem_shared>> -> memref<640xf32, #tpu.memory_space<vmem_shared>>
      tpu.wait_dma2 semaphore(%run_scoped3A_299 : memref<!tpu.dma_semaphore, #tpu.memory_space<semaphore_mem>>) src(%dma_wait3A_305 : memref<640xf32, #tpu.memory_space<vmem_shared>>) dst(%arg10 : memref<640xf32, #tpu.memory_space<vmem>>)
      tpu.yield
    }) : () -> ()
    %scan3A_47 = arith.constant 0 : i32
    %scan3A_48 = arith.constant 0 : i32
    %scan3A_49 = arith.constant 40 : i32
    %scan3A_50 = arith.addi %scan3A_48, %scan3A_49 : i32
    %scan3A_51 = arith.constant 1 : i32
    scf.for %scan3A_299 = %scan3A_48 to %scan3A_50 step %scan3A_51  : i32 {
      %mul3A_300 = arith.constant 16 : i32
      %mul3A_301 = arith.muli %scan3A_299, %mul3A_300 : i32
      %get3A = arith.index_cast %mul3A_301 : i32 to index
      %get3A_302 = tpu.vector_load %arg11[%get3A] {strides = array<i32>} : memref<640xf32, #tpu.memory_space<vmem>>, vector<16xf32>,
      %mul3A_303 = arith.constant 16 : i32
      %mul3A_304 = arith.muli %scan3A_299, %mul3A_303 : i32
      %get3A_305 = arith.index_cast %mul3A_304 : i32 to index
      %get3A_306 = tpu.vector_load %arg10[%get3A_305] {strides = array<i32>} : memref<640xf32, #tpu.memory_space<vmem>>, vector<16xf32>,
      %add3A_307 = arith.addf %get3A_302, %get3A_306 : vector<16xf32>
      %mul3A_308 = arith.constant 16 : i32
      %mul3A_309 = arith.muli %scan3A_299, %mul3A_308 : i32
      %swap3A = arith.index_cast %mul3A_309 : i32 to index
      %swap3A_310 = tpu.vector_load %arg11[%swap3A] {strides = array<i32>} : memref<640xf32, #tpu.memory_space<vmem>>, vector<16xf32>,
      tpu.vector_store %arg11[%swap3A], %add3A_307 {strides = array<i32>} : memref<640xf32, #tpu.memory_space<vmem>>, vector<16xf32>,
    }
    %scan3A_52 = arith.constant 40 : i32
    %mul3A_53 = arith.constant 640 : i32
    %mul3A_54 = arith.muli %arg1, %mul3A_53 : i32
    %run_scoped3A_55 = arith.constant 4 : i32
    "tpu.region"() ({
      %run_scoped3A_299 = tpu.sem_alloc : memref<!tpu.dma_semaphore, #tpu.memory_space<semaphore_mem>>
      %dma_start3A = tpu.memref_slice %arg12[%run_scoped3A_55, %mul3A_54] : memref<16x10240xf32, #tpu.memory_space<vmem_shared>> -> memref<1x640xf32, #tpu.memory_space<vmem_shared>>
      %dma_start3A_300 = tpu.memref_squeeze %dma_start3A : memref<1x640xf32, #tpu.memory_space<vmem_shared>> -> memref<640xf32, #tpu.memory_space<vmem_shared>>
      %dma_start3A_301 = tpu.memref_slice %arg12[%run_scoped3A_55, %mul3A_54] : memref<16x10240xf32, #tpu.memory_space<vmem_shared>> -> memref<1x640xf32, #tpu.memory_space<vmem_shared>>
      %dma_start3A_302 = tpu.memref_squeeze %dma_start3A_301 : memref<1x640xf32, #tpu.memory_space<vmem_shared>> -> memref<640xf32, #tpu.memory_space<vmem_shared>>
      tpu.enqueue_dma source(%dma_start3A_302 : memref<640xf32, #tpu.memory_space<vmem_shared>>) target(%arg10 : memref<640xf32, #tpu.memory_space<vmem>>) target_semaphore(%run_scoped3A_299 : memref<!tpu.dma_semaphore, #tpu.memory_space<semaphore_mem>>)
      %dma_wait3A = tpu.memref_slice %arg12[%run_scoped3A_55, %mul3A_54] : memref<16x10240xf32, #tpu.memory_space<vmem_shared>> -> memref<1x640xf32, #tpu.memory_space<vmem_shared>>
      %dma_wait3A_303 = tpu.memref_squeeze %dma_wait3A : memref<1x640xf32, #tpu.memory_space<vmem_shared>> -> memref<640xf32, #tpu.memory_space<vmem_shared>>
      %dma_wait3A_304 = tpu.memref_slice %arg12[%run_scoped3A_55, %mul3A_54] : memref<16x10240xf32, #tpu.memory_space<vmem_shared>> -> memref<1x640xf32, #tpu.memory_space<vmem_shared>>
      %dma_wait3A_305 = tpu.memref_squeeze %dma_wait3A_304 : memref<1x640xf32, #tpu.memory_space<vmem_shared>> -> memref<640xf32, #tpu.memory_space<vmem_shared>>
      tpu.wait_dma2 semaphore(%run_scoped3A_299 : memref<!tpu.dma_semaphore, #tpu.memory_space<semaphore_mem>>) src(%dma_wait3A_305 : memref<640xf32, #tpu.memory_space<vmem_shared>>) dst(%arg10 : memref<640xf32, #tpu.memory_space<vmem>>)
      tpu.yield
    }) : () -> ()
    %scan3A_56 = arith.constant 0 : i32
    %scan3A_57 = arith.constant 0 : i32
    %scan3A_58 = arith.constant 40 : i32
    %scan3A_59 = arith.addi %scan3A_57, %scan3A_58 : i32
    %scan3A_60 = arith.constant 1 : i32
    scf.for %scan3A_299 = %scan3A_57 to %scan3A_59 step %scan3A_60  : i32 {
      %mul3A_300 = arith.constant 16 : i32
      %mul3A_301 = arith.muli %scan3A_299, %mul3A_300 : i32
      %get3A = arith.index_cast %mul3A_301 : i32 to index
      %get3A_302 = tpu.vector_load %arg11[%get3A] {strides = array<i32>} : memref<640xf32, #tpu.memory_space<vmem>>, vector<16xf32>,
      %mul3A_303 = arith.constant 16 : i32
      %mul3A_304 = arith.muli %scan3A_299, %mul3A_303 : i32
      %get3A_305 = arith.index_cast %mul3A_304 : i32 to index
      %get3A_306 = tpu.vector_load %arg10[%get3A_305] {strides = array<i32>} : memref<640xf32, #tpu.memory_space<vmem>>, vector<16xf32>,
      %add3A_307 = arith.addf %get3A_302, %get3A_306 : vector<16xf32>
      %mul3A_308 = arith.constant 16 : i32
      %mul3A_309 = arith.muli %scan3A_299, %mul3A_308 : i32
      %swap3A = arith.index_cast %mul3A_309 : i32 to index
      %swap3A_310 = tpu.vector_load %arg11[%swap3A] {strides = array<i32>} : memref<640xf32, #tpu.memory_space<vmem>>, vector<16xf32>,
      tpu.vector_store %arg11[%swap3A], %add3A_307 {strides = array<i32>} : memref<640xf32, #tpu.memory_space<vmem>>, vector<16xf32>,
    }
    %scan3A_61 = arith.constant 40 : i32
    %mul3A_62 = arith.constant 640 : i32
    %mul3A_63 = arith.muli %arg1, %mul3A_62 : i32
    %run_scoped3A_64 = arith.constant 5 : i32
    "tpu.region"() ({
      %run_scoped3A_299 = tpu.sem_alloc : memref<!tpu.dma_semaphore, #tpu.memory_space<semaphore_mem>>
      %dma_start3A = tpu.memref_slice %arg12[%run_scoped3A_64, %mul3A_63] : memref<16x10240xf32, #tpu.memory_space<vmem_shared>> -> memref<1x640xf32, #tpu.memory_space<vmem_shared>>
      %dma_start3A_300 = tpu.memref_squeeze %dma_start3A : memref<1x640xf32, #tpu.memory_space<vmem_shared>> -> memref<640xf32, #tpu.memory_space<vmem_shared>>
      %dma_start3A_301 = tpu.memref_slice %arg12[%run_scoped3A_64, %mul3A_63] : memref<16x10240xf32, #tpu.memory_space<vmem_shared>> -> memref<1x640xf32, #tpu.memory_space<vmem_shared>>
      %dma_start3A_302 = tpu.memref_squeeze %dma_start3A_301 : memref<1x640xf32, #tpu.memory_space<vmem_shared>> -> memref<640xf32, #tpu.memory_space<vmem_shared>>
      tpu.enqueue_dma source(%dma_start3A_302 : memref<640xf32, #tpu.memory_space<vmem_shared>>) target(%arg10 : memref<640xf32, #tpu.memory_space<vmem>>) target_semaphore(%run_scoped3A_299 : memref<!tpu.dma_semaphore, #tpu.memory_space<semaphore_mem>>)
      %dma_wait3A = tpu.memref_slice %arg12[%run_scoped3A_64, %mul3A_63] : memref<16x10240xf32, #tpu.memory_space<vmem_shared>> -> memref<1x640xf32, #tpu.memory_space<vmem_shared>>
      %dma_wait3A_303 = tpu.memref_squeeze %dma_wait3A : memref<1x640xf32, #tpu.memory_space<vmem_shared>> -> memref<640xf32, #tpu.memory_space<vmem_shared>>
      %dma_wait3A_304 = tpu.memref_slice %arg12[%run_scoped3A_64, %mul3A_63] : memref<16x10240xf32, #tpu.memory_space<vmem_shared>> -> memref<1x640xf32, #tpu.memory_space<vmem_shared>>
      %dma_wait3A_305 = tpu.memref_squeeze %dma_wait3A_304 : memref<1x640xf32, #tpu.memory_space<vmem_shared>> -> memref<640xf32, #tpu.memory_space<vmem_shared>>
      tpu.wait_dma2 semaphore(%run_scoped3A_299 : memref<!tpu.dma_semaphore, #tpu.memory_space<semaphore_mem>>) src(%dma_wait3A_305 : memref<640xf32, #tpu.memory_space<vmem_shared>>) dst(%arg10 : memref<640xf32, #tpu.memory_space<vmem>>)
      tpu.yield
    }) : () -> ()
    %scan3A_65 = arith.constant 0 : i32
    %scan3A_66 = arith.constant 0 : i32
    %scan3A_67 = arith.constant 40 : i32
    %scan3A_68 = arith.addi %scan3A_66, %scan3A_67 : i32
    %scan3A_69 = arith.constant 1 : i32
    scf.for %scan3A_299 = %scan3A_66 to %scan3A_68 step %scan3A_69  : i32 {
      %mul3A_300 = arith.constant 16 : i32
      %mul3A_301 = arith.muli %scan3A_299, %mul3A_300 : i32
      %get3A = arith.index_cast %mul3A_301 : i32 to index
      %get3A_302 = tpu.vector_load %arg11[%get3A] {strides = array<i32>} : memref<640xf32, #tpu.memory_space<vmem>>, vector<16xf32>,
      %mul3A_303 = arith.constant 16 : i32
      %mul3A_304 = arith.muli %scan3A_299, %mul3A_303 : i32
      %get3A_305 = arith.index_cast %mul3A_304 : i32 to index
      %get3A_306 = tpu.vector_load %arg10[%get3A_305] {strides = array<i32>} : memref<640xf32, #tpu.memory_space<vmem>>, vector<16xf32>,
      %add3A_307 = arith.addf %get3A_302, %get3A_306 : vector<16xf32>
      %mul3A_308 = arith.constant 16 : i32
      %mul3A_309 = arith.muli %scan3A_299, %mul3A_308 : i32
      %swap3A = arith.index_cast %mul3A_309 : i32 to index
      %swap3A_310 = tpu.vector_load %arg11[%swap3A] {strides = array<i32>} : memref<640xf32, #tpu.memory_space<vmem>>, vector<16xf32>,
      tpu.vector_store %arg11[%swap3A], %add3A_307 {strides = array<i32>} : memref<640xf32, #tpu.memory_space<vmem>>, vector<16xf32>,
    }
    %scan3A_70 = arith.constant 40 : i32
    %mul3A_71 = arith.constant 640 : i32
    %mul3A_72 = arith.muli %arg1, %mul3A_71 : i32
    %run_scoped3A_73 = arith.constant 6 : i32
    "tpu.region"() ({
      %run_scoped3A_299 = tpu.sem_alloc : memref<!tpu.dma_semaphore, #tpu.memory_space<semaphore_mem>>
      %dma_start3A = tpu.memref_slice %arg12[%run_scoped3A_73, %mul3A_72] : memref<16x10240xf32, #tpu.memory_space<vmem_shared>> -> memref<1x640xf32, #tpu.memory_space<vmem_shared>>
      %dma_start3A_300 = tpu.memref_squeeze %dma_start3A : memref<1x640xf32, #tpu.memory_space<vmem_shared>> -> memref<640xf32, #tpu.memory_space<vmem_shared>>
      %dma_start3A_301 = tpu.memref_slice %arg12[%run_scoped3A_73, %mul3A_72] : memref<16x10240xf32, #tpu.memory_space<vmem_shared>> -> memref<1x640xf32, #tpu.memory_space<vmem_shared>>
      %dma_start3A_302 = tpu.memref_squeeze %dma_start3A_301 : memref<1x640xf32, #tpu.memory_space<vmem_shared>> -> memref<640xf32, #tpu.memory_space<vmem_shared>>
      tpu.enqueue_dma source(%dma_start3A_302 : memref<640xf32, #tpu.memory_space<vmem_shared>>) target(%arg10 : memref<640xf32, #tpu.memory_space<vmem>>) target_semaphore(%run_scoped3A_299 : memref<!tpu.dma_semaphore, #tpu.memory_space<semaphore_mem>>)
      %dma_wait3A = tpu.memref_slice %arg12[%run_scoped3A_73, %mul3A_72] : memref<16x10240xf32, #tpu.memory_space<vmem_shared>> -> memref<1x640xf32, #tpu.memory_space<vmem_shared>>
      %dma_wait3A_303 = tpu.memref_squeeze %dma_wait3A : memref<1x640xf32, #tpu.memory_space<vmem_shared>> -> memref<640xf32, #tpu.memory_space<vmem_shared>>
      %dma_wait3A_304 = tpu.memref_slice %arg12[%run_scoped3A_73, %mul3A_72] : memref<16x10240xf32, #tpu.memory_space<vmem_shared>> -> memref<1x640xf32, #tpu.memory_space<vmem_shared>>
      %dma_wait3A_305 = tpu.memref_squeeze %dma_wait3A_304 : memref<1x640xf32, #tpu.memory_space<vmem_shared>> -> memref<640xf32, #tpu.memory_space<vmem_shared>>
      tpu.wait_dma2 semaphore(%run_scoped3A_299 : memref<!tpu.dma_semaphore, #tpu.memory_space<semaphore_mem>>) src(%dma_wait3A_305 : memref<640xf32, #tpu.memory_space<vmem_shared>>) dst(%arg10 : memref<640xf32, #tpu.memory_space<vmem>>)
      tpu.yield
    }) : () -> ()
    %scan3A_74 = arith.constant 0 : i32
    %scan3A_75 = arith.constant 0 : i32
    %scan3A_76 = arith.constant 40 : i32
    %scan3A_77 = arith.addi %scan3A_75, %scan3A_76 : i32
    %scan3A_78 = arith.constant 1 : i32
    scf.for %scan3A_299 = %scan3A_75 to %scan3A_77 step %scan3A_78  : i32 {
      %mul3A_300 = arith.constant 16 : i32
      %mul3A_301 = arith.muli %scan3A_299, %mul3A_300 : i32
      %get3A = arith.index_cast %mul3A_301 : i32 to index
      %get3A_302 = tpu.vector_load %arg11[%get3A] {strides = array<i32>} : memref<640xf32, #tpu.memory_space<vmem>>, vector<16xf32>,
      %mul3A_303 = arith.constant 16 : i32
      %mul3A_304 = arith.muli %scan3A_299, %mul3A_303 : i32
      %get3A_305 = arith.index_cast %mul3A_304 : i32 to index
      %get3A_306 = tpu.vector_load %arg10[%get3A_305] {strides = array<i32>} : memref<640xf32, #tpu.memory_space<vmem>>, vector<16xf32>,
      %add3A_307 = arith.addf %get3A_302, %get3A_306 : vector<16xf32>
      %mul3A_308 = arith.constant 16 : i32
      %mul3A_309 = arith.muli %scan3A_299, %mul3A_308 : i32
      %swap3A = arith.index_cast %mul3A_309 : i32 to index
      %swap3A_310 = tpu.vector_load %arg11[%swap3A] {strides = array<i32>} : memref<640xf32, #tpu.memory_space<vmem>>, vector<16xf32>,
      tpu.vector_store %arg11[%swap3A], %add3A_307 {strides = array<i32>} : memref<640xf32, #tpu.memory_space<vmem>>, vector<16xf32>,
    }
    %scan3A_79 = arith.constant 40 : i32
    %mul3A_80 = arith.constant 640 : i32
    %mul3A_81 = arith.muli %arg1, %mul3A_80 : i32
    %run_scoped3A_82 = arith.constant 7 : i32
    "tpu.region"() ({
      %run_scoped3A_299 = tpu.sem_alloc : memref<!tpu.dma_semaphore, #tpu.memory_space<semaphore_mem>>
      %dma_start3A = tpu.memref_slice %arg12[%run_scoped3A_82, %mul3A_81] : memref<16x10240xf32, #tpu.memory_space<vmem_shared>> -> memref<1x640xf32, #tpu.memory_space<vmem_shared>>
      %dma_start3A_300 = tpu.memref_squeeze %dma_start3A : memref<1x640xf32, #tpu.memory_space<vmem_shared>> -> memref<640xf32, #tpu.memory_space<vmem_shared>>
      %dma_start3A_301 = tpu.memref_slice %arg12[%run_scoped3A_82, %mul3A_81] : memref<16x10240xf32, #tpu.memory_space<vmem_shared>> -> memref<1x640xf32, #tpu.memory_space<vmem_shared>>
      %dma_start3A_302 = tpu.memref_squeeze %dma_start3A_301 : memref<1x640xf32, #tpu.memory_space<vmem_shared>> -> memref<640xf32, #tpu.memory_space<vmem_shared>>
      tpu.enqueue_dma source(%dma_start3A_302 : memref<640xf32, #tpu.memory_space<vmem_shared>>) target(%arg10 : memref<640xf32, #tpu.memory_space<vmem>>) target_semaphore(%run_scoped3A_299 : memref<!tpu.dma_semaphore, #tpu.memory_space<semaphore_mem>>)
      %dma_wait3A = tpu.memref_slice %arg12[%run_scoped3A_82, %mul3A_81] : memref<16x10240xf32, #tpu.memory_space<vmem_shared>> -> memref<1x640xf32, #tpu.memory_space<vmem_shared>>
      %dma_wait3A_303 = tpu.memref_squeeze %dma_wait3A : memref<1x640xf32, #tpu.memory_space<vmem_shared>> -> memref<640xf32, #tpu.memory_space<vmem_shared>>
      %dma_wait3A_304 = tpu.memref_slice %arg12[%run_scoped3A_82, %mul3A_81] : memref<16x10240xf32, #tpu.memory_space<vmem_shared>> -> memref<1x640xf32, #tpu.memory_space<vmem_shared>>
      %dma_wait3A_305 = tpu.memref_squeeze %dma_wait3A_304 : memref<1x640xf32, #tpu.memory_space<vmem_shared>> -> memref<640xf32, #tpu.memory_space<vmem_shared>>
      tpu.wait_dma2 semaphore(%run_scoped3A_299 : memref<!tpu.dma_semaphore, #tpu.memory_space<semaphore_mem>>) src(%dma_wait3A_305 : memref<640xf32, #tpu.memory_space<vmem_shared>>) dst(%arg10 : memref<640xf32, #tpu.memory_space<vmem>>)
      tpu.yield
    }) : () -> ()
    %scan3A_83 = arith.constant 0 : i32
    %scan3A_84 = arith.constant 0 : i32
    %scan3A_85 = arith.constant 40 : i32
    %scan3A_86 = arith.addi %scan3A_84, %scan3A_85 : i32
    %scan3A_87 = arith.constant 1 : i32
    scf.for %scan3A_299 = %scan3A_84 to %scan3A_86 step %scan3A_87  : i32 {
      %mul3A_300 = arith.constant 16 : i32
      %mul3A_301 = arith.muli %scan3A_299, %mul3A_300 : i32
      %get3A = arith.index_cast %mul3A_301 : i32 to index
      %get3A_302 = tpu.vector_load %arg11[%get3A] {strides = array<i32>} : memref<640xf32, #tpu.memory_space<vmem>>, vector<16xf32>,
      %mul3A_303 = arith.constant 16 : i32
      %mul3A_304 = arith.muli %scan3A_299, %mul3A_303 : i32
      %get3A_305 = arith.index_cast %mul3A_304 : i32 to index
      %get3A_306 = tpu.vector_load %arg10[%get3A_305] {strides = array<i32>} : memref<640xf32, #tpu.memory_space<vmem>>, vector<16xf32>,
      %add3A_307 = arith.addf %get3A_302, %get3A_306 : vector<16xf32>
      %mul3A_308 = arith.constant 16 : i32
      %mul3A_309 = arith.muli %scan3A_299, %mul3A_308 : i32
      %swap3A = arith.index_cast %mul3A_309 : i32 to index
      %swap3A_310 = tpu.vector_load %arg11[%swap3A] {strides = array<i32>} : memref<640xf32, #tpu.memory_space<vmem>>, vector<16xf32>,
      tpu.vector_store %arg11[%swap3A], %add3A_307 {strides = array<i32>} : memref<640xf32, #tpu.memory_space<vmem>>, vector<16xf32>,
    }
    %scan3A_88 = arith.constant 40 : i32
    %mul3A_89 = arith.constant 640 : i32
    %mul3A_90 = arith.muli %arg1, %mul3A_89 : i32
    %run_scoped3A_91 = arith.constant 8 : i32
    "tpu.region"() ({
      %run_scoped3A_299 = tpu.sem_alloc : memref<!tpu.dma_semaphore, #tpu.memory_space<semaphore_mem>>
      %dma_start3A = tpu.memref_slice %arg12[%run_scoped3A_91, %mul3A_90] : memref<16x10240xf32, #tpu.memory_space<vmem_shared>> -> memref<1x640xf32, #tpu.memory_space<vmem_shared>>
      %dma_start3A_300 = tpu.memref_squeeze %dma_start3A : memref<1x640xf32, #tpu.memory_space<vmem_shared>> -> memref<640xf32, #tpu.memory_space<vmem_shared>>
      %dma_start3A_301 = tpu.memref_slice %arg12[%run_scoped3A_91, %mul3A_90] : memref<16x10240xf32, #tpu.memory_space<vmem_shared>> -> memref<1x640xf32, #tpu.memory_space<vmem_shared>>
      %dma_start3A_302 = tpu.memref_squeeze %dma_start3A_301 : memref<1x640xf32, #tpu.memory_space<vmem_shared>> -> memref<640xf32, #tpu.memory_space<vmem_shared>>
      tpu.enqueue_dma source(%dma_start3A_302 : memref<640xf32, #tpu.memory_space<vmem_shared>>) target(%arg10 : memref<640xf32, #tpu.memory_space<vmem>>) target_semaphore(%run_scoped3A_299 : memref<!tpu.dma_semaphore, #tpu.memory_space<semaphore_mem>>)
      %dma_wait3A = tpu.memref_slice %arg12[%run_scoped3A_91, %mul3A_90] : memref<16x10240xf32, #tpu.memory_space<vmem_shared>> -> memref<1x640xf32, #tpu.memory_space<vmem_shared>>
      %dma_wait3A_303 = tpu.memref_squeeze %dma_wait3A : memref<1x640xf32, #tpu.memory_space<vmem_shared>> -> memref<640xf32, #tpu.memory_space<vmem_shared>>
      %dma_wait3A_304 = tpu.memref_slice %arg12[%run_scoped3A_91, %mul3A_90] : memref<16x10240xf32, #tpu.memory_space<vmem_shared>> -> memref<1x640xf32, #tpu.memory_space<vmem_shared>>
      %dma_wait3A_305 = tpu.memref_squeeze %dma_wait3A_304 : memref<1x640xf32, #tpu.memory_space<vmem_shared>> -> memref<640xf32, #tpu.memory_space<vmem_shared>>
      tpu.wait_dma2 semaphore(%run_scoped3A_299 : memref<!tpu.dma_semaphore, #tpu.memory_space<semaphore_mem>>) src(%dma_wait3A_305 : memref<640xf32, #tpu.memory_space<vmem_shared>>) dst(%arg10 : memref<640xf32, #tpu.memory_space<vmem>>)
      tpu.yield
    }) : () -> ()
    %scan3A_92 = arith.constant 0 : i32
    %scan3A_93 = arith.constant 0 : i32
    %scan3A_94 = arith.constant 40 : i32
    %scan3A_95 = arith.addi %scan3A_93, %scan3A_94 : i32
    %scan3A_96 = arith.constant 1 : i32
    scf.for %scan3A_299 = %scan3A_93 to %scan3A_95 step %scan3A_96  : i32 {
      %mul3A_300 = arith.constant 16 : i32
      %mul3A_301 = arith.muli %scan3A_299, %mul3A_300 : i32
      %get3A = arith.index_cast %mul3A_301 : i32 to index
      %get3A_302 = tpu.vector_load %arg11[%get3A] {strides = array<i32>} : memref<640xf32, #tpu.memory_space<vmem>>, vector<16xf32>,
      %mul3A_303 = arith.constant 16 : i32
      %mul3A_304 = arith.muli %scan3A_299, %mul3A_303 : i32
      %get3A_305 = arith.index_cast %mul3A_304 : i32 to index
      %get3A_306 = tpu.vector_load %arg10[%get3A_305] {strides = array<i32>} : memref<640xf32, #tpu.memory_space<vmem>>, vector<16xf32>,
      %add3A_307 = arith.addf %get3A_302, %get3A_306 : vector<16xf32>
      %mul3A_308 = arith.constant 16 : i32
      %mul3A_309 = arith.muli %scan3A_299, %mul3A_308 : i32
      %swap3A = arith.index_cast %mul3A_309 : i32 to index
      %swap3A_310 = tpu.vector_load %arg11[%swap3A] {strides = array<i32>} : memref<640xf32, #tpu.memory_space<vmem>>, vector<16xf32>,
      tpu.vector_store %arg11[%swap3A], %add3A_307 {strides = array<i32>} : memref<640xf32, #tpu.memory_space<vmem>>, vector<16xf32>,
    }
    %scan3A_97 = arith.constant 40 : i32
    %mul3A_98 = arith.constant 640 : i32
    %mul3A_99 = arith.muli %arg1, %mul3A_98 : i32
    %run_scoped3A_100 = arith.constant 9 : i32
    "tpu.region"() ({
      %run_scoped3A_299 = tpu.sem_alloc : memref<!tpu.dma_semaphore, #tpu.memory_space<semaphore_mem>>
      %dma_start3A = tpu.memref_slice %arg12[%run_scoped3A_100, %mul3A_99] : memref<16x10240xf32, #tpu.memory_space<vmem_shared>> -> memref<1x640xf32, #tpu.memory_space<vmem_shared>>
      %dma_start3A_300 = tpu.memref_squeeze %dma_start3A : memref<1x640xf32, #tpu.memory_space<vmem_shared>> -> memref<640xf32, #tpu.memory_space<vmem_shared>>
      %dma_start3A_301 = tpu.memref_slice %arg12[%run_scoped3A_100, %mul3A_99] : memref<16x10240xf32, #tpu.memory_space<vmem_shared>> -> memref<1x640xf32, #tpu.memory_space<vmem_shared>>
      %dma_start3A_302 = tpu.memref_squeeze %dma_start3A_301 : memref<1x640xf32, #tpu.memory_space<vmem_shared>> -> memref<640xf32, #tpu.memory_space<vmem_shared>>
      tpu.enqueue_dma source(%dma_start3A_302 : memref<640xf32, #tpu.memory_space<vmem_shared>>) target(%arg10 : memref<640xf32, #tpu.memory_space<vmem>>) target_semaphore(%run_scoped3A_299 : memref<!tpu.dma_semaphore, #tpu.memory_space<semaphore_mem>>)
      %dma_wait3A = tpu.memref_slice %arg12[%run_scoped3A_100, %mul3A_99] : memref<16x10240xf32, #tpu.memory_space<vmem_shared>> -> memref<1x640xf32, #tpu.memory_space<vmem_shared>>
      %dma_wait3A_303 = tpu.memref_squeeze %dma_wait3A : memref<1x640xf32, #tpu.memory_space<vmem_shared>> -> memref<640xf32, #tpu.memory_space<vmem_shared>>
      %dma_wait3A_304 = tpu.memref_slice %arg12[%run_scoped3A_100, %mul3A_99] : memref<16x10240xf32, #tpu.memory_space<vmem_shared>> -> memref<1x640xf32, #tpu.memory_space<vmem_shared>>
      %dma_wait3A_305 = tpu.memref_squeeze %dma_wait3A_304 : memref<1x640xf32, #tpu.memory_space<vmem_shared>> -> memref<640xf32, #tpu.memory_space<vmem_shared>>
      tpu.wait_dma2 semaphore(%run_scoped3A_299 : memref<!tpu.dma_semaphore, #tpu.memory_space<semaphore_mem>>) src(%dma_wait3A_305 : memref<640xf32, #tpu.memory_space<vmem_shared>>) dst(%arg10 : memref<640xf32, #tpu.memory_space<vmem>>)
      tpu.yield
    }) : () -> ()
    %scan3A_101 = arith.constant 0 : i32
    %scan3A_102 = arith.constant 0 : i32
    %scan3A_103 = arith.constant 40 : i32
    %scan3A_104 = arith.addi %scan3A_102, %scan3A_103 : i32
    %scan3A_105 = arith.constant 1 : i32
    scf.for %scan3A_299 = %scan3A_102 to %scan3A_104 step %scan3A_105  : i32 {
      %mul3A_300 = arith.constant 16 : i32
      %mul3A_301 = arith.muli %scan3A_299, %mul3A_300 : i32
      %get3A = arith.index_cast %mul3A_301 : i32 to index
      %get3A_302 = tpu.vector_load %arg11[%get3A] {strides = array<i32>} : memref<640xf32, #tpu.memory_space<vmem>>, vector<16xf32>,
      %mul3A_303 = arith.constant 16 : i32
      %mul3A_304 = arith.muli %scan3A_299, %mul3A_303 : i32
      %get3A_305 = arith.index_cast %mul3A_304 : i32 to index
      %get3A_306 = tpu.vector_load %arg10[%get3A_305] {strides = array<i32>} : memref<640xf32, #tpu.memory_space<vmem>>, vector<16xf32>,
      %add3A_307 = arith.addf %get3A_302, %get3A_306 : vector<16xf32>
      %mul3A_308 = arith.constant 16 : i32
      %mul3A_309 = arith.muli %scan3A_299, %mul3A_308 : i32
      %swap3A = arith.index_cast %mul3A_309 : i32 to index
      %swap3A_310 = tpu.vector_load %arg11[%swap3A] {strides = array<i32>} : memref<640xf32, #tpu.memory_space<vmem>>, vector<16xf32>,
      tpu.vector_store %arg11[%swap3A], %add3A_307 {strides = array<i32>} : memref<640xf32, #tpu.memory_space<vmem>>, vector<16xf32>,
    }
    %scan3A_106 = arith.constant 40 : i32
    %mul3A_107 = arith.constant 640 : i32
    %mul3A_108 = arith.muli %arg1, %mul3A_107 : i32
    %run_scoped3A_109 = arith.constant 10 : i32
    "tpu.region"() ({
      %run_scoped3A_299 = tpu.sem_alloc : memref<!tpu.dma_semaphore, #tpu.memory_space<semaphore_mem>>
      %dma_start3A = tpu.memref_slice %arg12[%run_scoped3A_109, %mul3A_108] : memref<16x10240xf32, #tpu.memory_space<vmem_shared>> -> memref<1x640xf32, #tpu.memory_space<vmem_shared>>
      %dma_start3A_300 = tpu.memref_squeeze %dma_start3A : memref<1x640xf32, #tpu.memory_space<vmem_shared>> -> memref<640xf32, #tpu.memory_space<vmem_shared>>
      %dma_start3A_301 = tpu.memref_slice %arg12[%run_scoped3A_109, %mul3A_108] : memref<16x10240xf32, #tpu.memory_space<vmem_shared>> -> memref<1x640xf32, #tpu.memory_space<vmem_shared>>
      %dma_start3A_302 = tpu.memref_squeeze %dma_start3A_301 : memref<1x640xf32, #tpu.memory_space<vmem_shared>> -> memref<640xf32, #tpu.memory_space<vmem_shared>>
      tpu.enqueue_dma source(%dma_start3A_302 : memref<640xf32, #tpu.memory_space<vmem_shared>>) target(%arg10 : memref<640xf32, #tpu.memory_space<vmem>>) target_semaphore(%run_scoped3A_299 : memref<!tpu.dma_semaphore, #tpu.memory_space<semaphore_mem>>)
      %dma_wait3A = tpu.memref_slice %arg12[%run_scoped3A_109, %mul3A_108] : memref<16x10240xf32, #tpu.memory_space<vmem_shared>> -> memref<1x640xf32, #tpu.memory_space<vmem_shared>>
      %dma_wait3A_303 = tpu.memref_squeeze %dma_wait3A : memref<1x640xf32, #tpu.memory_space<vmem_shared>> -> memref<640xf32, #tpu.memory_space<vmem_shared>>
      %dma_wait3A_304 = tpu.memref_slice %arg12[%run_scoped3A_109, %mul3A_108] : memref<16x10240xf32, #tpu.memory_space<vmem_shared>> -> memref<1x640xf32, #tpu.memory_space<vmem_shared>>
      %dma_wait3A_305 = tpu.memref_squeeze %dma_wait3A_304 : memref<1x640xf32, #tpu.memory_space<vmem_shared>> -> memref<640xf32, #tpu.memory_space<vmem_shared>>
      tpu.wait_dma2 semaphore(%run_scoped3A_299 : memref<!tpu.dma_semaphore, #tpu.memory_space<semaphore_mem>>) src(%dma_wait3A_305 : memref<640xf32, #tpu.memory_space<vmem_shared>>) dst(%arg10 : memref<640xf32, #tpu.memory_space<vmem>>)
      tpu.yield
    }) : () -> ()
    %scan3A_110 = arith.constant 0 : i32
    %scan3A_111 = arith.constant 0 : i32
    %scan3A_112 = arith.constant 40 : i32
    %scan3A_113 = arith.addi %scan3A_111, %scan3A_112 : i32
    %scan3A_114 = arith.constant 1 : i32
    scf.for %scan3A_299 = %scan3A_111 to %scan3A_113 step %scan3A_114  : i32 {
      %mul3A_300 = arith.constant 16 : i32
      %mul3A_301 = arith.muli %scan3A_299, %mul3A_300 : i32
      %get3A = arith.index_cast %mul3A_301 : i32 to index
      %get3A_302 = tpu.vector_load %arg11[%get3A] {strides = array<i32>} : memref<640xf32, #tpu.memory_space<vmem>>, vector<16xf32>,
      %mul3A_303 = arith.constant 16 : i32
      %mul3A_304 = arith.muli %scan3A_299, %mul3A_303 : i32
      %get3A_305 = arith.index_cast %mul3A_304 : i32 to index
      %get3A_306 = tpu.vector_load %arg10[%get3A_305] {strides = array<i32>} : memref<640xf32, #tpu.memory_space<vmem>>, vector<16xf32>,
      %add3A_307 = arith.addf %get3A_302, %get3A_306 : vector<16xf32>
      %mul3A_308 = arith.constant 16 : i32
      %mul3A_309 = arith.muli %scan3A_299, %mul3A_308 : i32
      %swap3A = arith.index_cast %mul3A_309 : i32 to index
      %swap3A_310 = tpu.vector_load %arg11[%swap3A] {strides = array<i32>} : memref<640xf32, #tpu.memory_space<vmem>>, vector<16xf32>,
      tpu.vector_store %arg11[%swap3A], %add3A_307 {strides = array<i32>} : memref<640xf32, #tpu.memory_space<vmem>>, vector<16xf32>,
    }
    %scan3A_115 = arith.constant 40 : i32
    %mul3A_116 = arith.constant 640 : i32
    %mul3A_117 = arith.muli %arg1, %mul3A_116 : i32
    %run_scoped3A_118 = arith.constant 11 : i32
    "tpu.region"() ({
      %run_scoped3A_299 = tpu.sem_alloc : memref<!tpu.dma_semaphore, #tpu.memory_space<semaphore_mem>>
      %dma_start3A = tpu.memref_slice %arg12[%run_scoped3A_118, %mul3A_117] : memref<16x10240xf32, #tpu.memory_space<vmem_shared>> -> memref<1x640xf32, #tpu.memory_space<vmem_shared>>
      %dma_start3A_300 = tpu.memref_squeeze %dma_start3A : memref<1x640xf32, #tpu.memory_space<vmem_shared>> -> memref<640xf32, #tpu.memory_space<vmem_shared>>
      %dma_start3A_301 = tpu.memref_slice %arg12[%run_scoped3A_118, %mul3A_117] : memref<16x10240xf32, #tpu.memory_space<vmem_shared>> -> memref<1x640xf32, #tpu.memory_space<vmem_shared>>
      %dma_start3A_302 = tpu.memref_squeeze %dma_start3A_301 : memref<1x640xf32, #tpu.memory_space<vmem_shared>> -> memref<640xf32, #tpu.memory_space<vmem_shared>>
      tpu.enqueue_dma source(%dma_start3A_302 : memref<640xf32, #tpu.memory_space<vmem_shared>>) target(%arg10 : memref<640xf32, #tpu.memory_space<vmem>>) target_semaphore(%run_scoped3A_299 : memref<!tpu.dma_semaphore, #tpu.memory_space<semaphore_mem>>)
      %dma_wait3A = tpu.memref_slice %arg12[%run_scoped3A_118, %mul3A_117] : memref<16x10240xf32, #tpu.memory_space<vmem_shared>> -> memref<1x640xf32, #tpu.memory_space<vmem_shared>>
      %dma_wait3A_303 = tpu.memref_squeeze %dma_wait3A : memref<1x640xf32, #tpu.memory_space<vmem_shared>> -> memref<640xf32, #tpu.memory_space<vmem_shared>>
      %dma_wait3A_304 = tpu.memref_slice %arg12[%run_scoped3A_118, %mul3A_117] : memref<16x10240xf32, #tpu.memory_space<vmem_shared>> -> memref<1x640xf32, #tpu.memory_space<vmem_shared>>
      %dma_wait3A_305 = tpu.memref_squeeze %dma_wait3A_304 : memref<1x640xf32, #tpu.memory_space<vmem_shared>> -> memref<640xf32, #tpu.memory_space<vmem_shared>>
      tpu.wait_dma2 semaphore(%run_scoped3A_299 : memref<!tpu.dma_semaphore, #tpu.memory_space<semaphore_mem>>) src(%dma_wait3A_305 : memref<640xf32, #tpu.memory_space<vmem_shared>>) dst(%arg10 : memref<640xf32, #tpu.memory_space<vmem>>)
      tpu.yield
    }) : () -> ()
    %scan3A_119 = arith.constant 0 : i32
    %scan3A_120 = arith.constant 0 : i32
    %scan3A_121 = arith.constant 40 : i32
    %scan3A_122 = arith.addi %scan3A_120, %scan3A_121 : i32
    %scan3A_123 = arith.constant 1 : i32
    scf.for %scan3A_299 = %scan3A_120 to %scan3A_122 step %scan3A_123  : i32 {
      %mul3A_300 = arith.constant 16 : i32
      %mul3A_301 = arith.muli %scan3A_299, %mul3A_300 : i32
      %get3A = arith.index_cast %mul3A_301 : i32 to index
      %get3A_302 = tpu.vector_load %arg11[%get3A] {strides = array<i32>} : memref<640xf32, #tpu.memory_space<vmem>>, vector<16xf32>,
      %mul3A_303 = arith.constant 16 : i32
      %mul3A_304 = arith.muli %scan3A_299, %mul3A_303 : i32
      %get3A_305 = arith.index_cast %mul3A_304 : i32 to index
      %get3A_306 = tpu.vector_load %arg10[%get3A_305] {strides = array<i32>} : memref<640xf32, #tpu.memory_space<vmem>>, vector<16xf32>,
      %add3A_307 = arith.addf %get3A_302, %get3A_306 : vector<16xf32>
      %mul3A_308 = arith.constant 16 : i32
      %mul3A_309 = arith.muli %scan3A_299, %mul3A_308 : i32
      %swap3A = arith.index_cast %mul3A_309 : i32 to index
      %swap3A_310 = tpu.vector_load %arg11[%swap3A] {strides = array<i32>} : memref<640xf32, #tpu.memory_space<vmem>>, vector<16xf32>,
      tpu.vector_store %arg11[%swap3A], %add3A_307 {strides = array<i32>} : memref<640xf32, #tpu.memory_space<vmem>>, vector<16xf32>,
    }
    %scan3A_124 = arith.constant 40 : i32
    %mul3A_125 = arith.constant 640 : i32
    %mul3A_126 = arith.muli %arg1, %mul3A_125 : i32
    %run_scoped3A_127 = arith.constant 12 : i32
    "tpu.region"() ({
      %run_scoped3A_299 = tpu.sem_alloc : memref<!tpu.dma_semaphore, #tpu.memory_space<semaphore_mem>>
      %dma_start3A = tpu.memref_slice %arg12[%run_scoped3A_127, %mul3A_126] : memref<16x10240xf32, #tpu.memory_space<vmem_shared>> -> memref<1x640xf32, #tpu.memory_space<vmem_shared>>
      %dma_start3A_300 = tpu.memref_squeeze %dma_start3A : memref<1x640xf32, #tpu.memory_space<vmem_shared>> -> memref<640xf32, #tpu.memory_space<vmem_shared>>
      %dma_start3A_301 = tpu.memref_slice %arg12[%run_scoped3A_127, %mul3A_126] : memref<16x10240xf32, #tpu.memory_space<vmem_shared>> -> memref<1x640xf32, #tpu.memory_space<vmem_shared>>
      %dma_start3A_302 = tpu.memref_squeeze %dma_start3A_301 : memref<1x640xf32, #tpu.memory_space<vmem_shared>> -> memref<640xf32, #tpu.memory_space<vmem_shared>>
      tpu.enqueue_dma source(%dma_start3A_302 : memref<640xf32, #tpu.memory_space<vmem_shared>>) target(%arg10 : memref<640xf32, #tpu.memory_space<vmem>>) target_semaphore(%run_scoped3A_299 : memref<!tpu.dma_semaphore, #tpu.memory_space<semaphore_mem>>)
      %dma_wait3A = tpu.memref_slice %arg12[%run_scoped3A_127, %mul3A_126] : memref<16x10240xf32, #tpu.memory_space<vmem_shared>> -> memref<1x640xf32, #tpu.memory_space<vmem_shared>>
      %dma_wait3A_303 = tpu.memref_squeeze %dma_wait3A : memref<1x640xf32, #tpu.memory_space<vmem_shared>> -> memref<640xf32, #tpu.memory_space<vmem_shared>>
      %dma_wait3A_304 = tpu.memref_slice %arg12[%run_scoped3A_127, %mul3A_126] : memref<16x10240xf32, #tpu.memory_space<vmem_shared>> -> memref<1x640xf32, #tpu.memory_space<vmem_shared>>
      %dma_wait3A_305 = tpu.memref_squeeze %dma_wait3A_304 : memref<1x640xf32, #tpu.memory_space<vmem_shared>> -> memref<640xf32, #tpu.memory_space<vmem_shared>>
      tpu.wait_dma2 semaphore(%run_scoped3A_299 : memref<!tpu.dma_semaphore, #tpu.memory_space<semaphore_mem>>) src(%dma_wait3A_305 : memref<640xf32, #tpu.memory_space<vmem_shared>>) dst(%arg10 : memref<640xf32, #tpu.memory_space<vmem>>)
      tpu.yield
    }) : () -> ()
    %scan3A_128 = arith.constant 0 : i32
    %scan3A_129 = arith.constant 0 : i32
    %scan3A_130 = arith.constant 40 : i32
    %scan3A_131 = arith.addi %scan3A_129, %scan3A_130 : i32
    %scan3A_132 = arith.constant 1 : i32
    scf.for %scan3A_299 = %scan3A_129 to %scan3A_131 step %scan3A_132  : i32 {
      %mul3A_300 = arith.constant 16 : i32
      %mul3A_301 = arith.muli %scan3A_299, %mul3A_300 : i32
      %get3A = arith.index_cast %mul3A_301 : i32 to index
      %get3A_302 = tpu.vector_load %arg11[%get3A] {strides = array<i32>} : memref<640xf32, #tpu.memory_space<vmem>>, vector<16xf32>,
      %mul3A_303 = arith.constant 16 : i32
      %mul3A_304 = arith.muli %scan3A_299, %mul3A_303 : i32
      %get3A_305 = arith.index_cast %mul3A_304 : i32 to index
      %get3A_306 = tpu.vector_load %arg10[%get3A_305] {strides = array<i32>} : memref<640xf32, #tpu.memory_space<vmem>>, vector<16xf32>,
      %add3A_307 = arith.addf %get3A_302, %get3A_306 : vector<16xf32>
      %mul3A_308 = arith.constant 16 : i32
      %mul3A_309 = arith.muli %scan3A_299, %mul3A_308 : i32
      %swap3A = arith.index_cast %mul3A_309 : i32 to index
      %swap3A_310 = tpu.vector_load %arg11[%swap3A] {strides = array<i32>} : memref<640xf32, #tpu.memory_space<vmem>>, vector<16xf32>,
      tpu.vector_store %arg11[%swap3A], %add3A_307 {strides = array<i32>} : memref<640xf32, #tpu.memory_space<vmem>>, vector<16xf32>,
    }
    %scan3A_133 = arith.constant 40 : i32
    %mul3A_134 = arith.constant 640 : i32
    %mul3A_135 = arith.muli %arg1, %mul3A_134 : i32
    %run_scoped3A_136 = arith.constant 13 : i32
    "tpu.region"() ({
      %run_scoped3A_299 = tpu.sem_alloc : memref<!tpu.dma_semaphore, #tpu.memory_space<semaphore_mem>>
      %dma_start3A = tpu.memref_slice %arg12[%run_scoped3A_136, %mul3A_135] : memref<16x10240xf32, #tpu.memory_space<vmem_shared>> -> memref<1x640xf32, #tpu.memory_space<vmem_shared>>
      %dma_start3A_300 = tpu.memref_squeeze %dma_start3A : memref<1x640xf32, #tpu.memory_space<vmem_shared>> -> memref<640xf32, #tpu.memory_space<vmem_shared>>
      %dma_start3A_301 = tpu.memref_slice %arg12[%run_scoped3A_136, %mul3A_135] : memref<16x10240xf32, #tpu.memory_space<vmem_shared>> -> memref<1x640xf32, #tpu.memory_space<vmem_shared>>
      %dma_start3A_302 = tpu.memref_squeeze %dma_start3A_301 : memref<1x640xf32, #tpu.memory_space<vmem_shared>> -> memref<640xf32, #tpu.memory_space<vmem_shared>>
      tpu.enqueue_dma source(%dma_start3A_302 : memref<640xf32, #tpu.memory_space<vmem_shared>>) target(%arg10 : memref<640xf32, #tpu.memory_space<vmem>>) target_semaphore(%run_scoped3A_299 : memref<!tpu.dma_semaphore, #tpu.memory_space<semaphore_mem>>)
      %dma_wait3A = tpu.memref_slice %arg12[%run_scoped3A_136, %mul3A_135] : memref<16x10240xf32, #tpu.memory_space<vmem_shared>> -> memref<1x640xf32, #tpu.memory_space<vmem_shared>>
      %dma_wait3A_303 = tpu.memref_squeeze %dma_wait3A : memref<1x640xf32, #tpu.memory_space<vmem_shared>> -> memref<640xf32, #tpu.memory_space<vmem_shared>>
      %dma_wait3A_304 = tpu.memref_slice %arg12[%run_scoped3A_136, %mul3A_135] : memref<16x10240xf32, #tpu.memory_space<vmem_shared>> -> memref<1x640xf32, #tpu.memory_space<vmem_shared>>
      %dma_wait3A_305 = tpu.memref_squeeze %dma_wait3A_304 : memref<1x640xf32, #tpu.memory_space<vmem_shared>> -> memref<640xf32, #tpu.memory_space<vmem_shared>>
      tpu.wait_dma2 semaphore(%run_scoped3A_299 : memref<!tpu.dma_semaphore, #tpu.memory_space<semaphore_mem>>) src(%dma_wait3A_305 : memref<640xf32, #tpu.memory_space<vmem_shared>>) dst(%arg10 : memref<640xf32, #tpu.memory_space<vmem>>)
      tpu.yield
    }) : () -> ()
    %scan3A_137 = arith.constant 0 : i32
    %scan3A_138 = arith.constant 0 : i32
    %scan3A_139 = arith.constant 40 : i32
    %scan3A_140 = arith.addi %scan3A_138, %scan3A_139 : i32
    %scan3A_141 = arith.constant 1 : i32
    scf.for %scan3A_299 = %scan3A_138 to %scan3A_140 step %scan3A_141  : i32 {
      %mul3A_300 = arith.constant 16 : i32
      %mul3A_301 = arith.muli %scan3A_299, %mul3A_300 : i32
      %get3A = arith.index_cast %mul3A_301 : i32 to index
      %get3A_302 = tpu.vector_load %arg11[%get3A] {strides = array<i32>} : memref<640xf32, #tpu.memory_space<vmem>>, vector<16xf32>,
      %mul3A_303 = arith.constant 16 : i32
      %mul3A_304 = arith.muli %scan3A_299, %mul3A_303 : i32
      %get3A_305 = arith.index_cast %mul3A_304 : i32 to index
      %get3A_306 = tpu.vector_load %arg10[%get3A_305] {strides = array<i32>} : memref<640xf32, #tpu.memory_space<vmem>>, vector<16xf32>,
      %add3A_307 = arith.addf %get3A_302, %get3A_306 : vector<16xf32>
      %mul3A_308 = arith.constant 16 : i32
      %mul3A_309 = arith.muli %scan3A_299, %mul3A_308 : i32
      %swap3A = arith.index_cast %mul3A_309 : i32 to index
      %swap3A_310 = tpu.vector_load %arg11[%swap3A] {strides = array<i32>} : memref<640xf32, #tpu.memory_space<vmem>>, vector<16xf32>,
      tpu.vector_store %arg11[%swap3A], %add3A_307 {strides = array<i32>} : memref<640xf32, #tpu.memory_space<vmem>>, vector<16xf32>,
    }
    %scan3A_142 = arith.constant 40 : i32
    %mul3A_143 = arith.constant 640 : i32
    %mul3A_144 = arith.muli %arg1, %mul3A_143 : i32
    %run_scoped3A_145 = arith.constant 14 : i32
    "tpu.region"() ({
      %run_scoped3A_299 = tpu.sem_alloc : memref<!tpu.dma_semaphore, #tpu.memory_space<semaphore_mem>>
      %dma_start3A = tpu.memref_slice %arg12[%run_scoped3A_145, %mul3A_144] : memref<16x10240xf32, #tpu.memory_space<vmem_shared>> -> memref<1x640xf32, #tpu.memory_space<vmem_shared>>
      %dma_start3A_300 = tpu.memref_squeeze %dma_start3A : memref<1x640xf32, #tpu.memory_space<vmem_shared>> -> memref<640xf32, #tpu.memory_space<vmem_shared>>
      %dma_start3A_301 = tpu.memref_slice %arg12[%run_scoped3A_145, %mul3A_144] : memref<16x10240xf32, #tpu.memory_space<vmem_shared>> -> memref<1x640xf32, #tpu.memory_space<vmem_shared>>
      %dma_start3A_302 = tpu.memref_squeeze %dma_start3A_301 : memref<1x640xf32, #tpu.memory_space<vmem_shared>> -> memref<640xf32, #tpu.memory_space<vmem_shared>>
      tpu.enqueue_dma source(%dma_start3A_302 : memref<640xf32, #tpu.memory_space<vmem_shared>>) target(%arg10 : memref<640xf32, #tpu.memory_space<vmem>>) target_semaphore(%run_scoped3A_299 : memref<!tpu.dma_semaphore, #tpu.memory_space<semaphore_mem>>)
      %dma_wait3A = tpu.memref_slice %arg12[%run_scoped3A_145, %mul3A_144] : memref<16x10240xf32, #tpu.memory_space<vmem_shared>> -> memref<1x640xf32, #tpu.memory_space<vmem_shared>>
      %dma_wait3A_303 = tpu.memref_squeeze %dma_wait3A : memref<1x640xf32, #tpu.memory_space<vmem_shared>> -> memref<640xf32, #tpu.memory_space<vmem_shared>>
      %dma_wait3A_304 = tpu.memref_slice %arg12[%run_scoped3A_145, %mul3A_144] : memref<16x10240xf32, #tpu.memory_space<vmem_shared>> -> memref<1x640xf32, #tpu.memory_space<vmem_shared>>
      %dma_wait3A_305 = tpu.memref_squeeze %dma_wait3A_304 : memref<1x640xf32, #tpu.memory_space<vmem_shared>> -> memref<640xf32, #tpu.memory_space<vmem_shared>>
      tpu.wait_dma2 semaphore(%run_scoped3A_299 : memref<!tpu.dma_semaphore, #tpu.memory_space<semaphore_mem>>) src(%dma_wait3A_305 : memref<640xf32, #tpu.memory_space<vmem_shared>>) dst(%arg10 : memref<640xf32, #tpu.memory_space<vmem>>)
      tpu.yield
    }) : () -> ()
    %scan3A_146 = arith.constant 0 : i32
    %scan3A_147 = arith.constant 0 : i32
    %scan3A_148 = arith.constant 40 : i32
    %scan3A_149 = arith.addi %scan3A_147, %scan3A_148 : i32
    %scan3A_150 = arith.constant 1 : i32
    scf.for %scan3A_299 = %scan3A_147 to %scan3A_149 step %scan3A_150  : i32 {
      %mul3A_300 = arith.constant 16 : i32
      %mul3A_301 = arith.muli %scan3A_299, %mul3A_300 : i32
      %get3A = arith.index_cast %mul3A_301 : i32 to index
      %get3A_302 = tpu.vector_load %arg11[%get3A] {strides = array<i32>} : memref<640xf32, #tpu.memory_space<vmem>>, vector<16xf32>,
      %mul3A_303 = arith.constant 16 : i32
      %mul3A_304 = arith.muli %scan3A_299, %mul3A_303 : i32
      %get3A_305 = arith.index_cast %mul3A_304 : i32 to index
      %get3A_306 = tpu.vector_load %arg10[%get3A_305] {strides = array<i32>} : memref<640xf32, #tpu.memory_space<vmem>>, vector<16xf32>,
      %add3A_307 = arith.addf %get3A_302, %get3A_306 : vector<16xf32>
      %mul3A_308 = arith.constant 16 : i32
      %mul3A_309 = arith.muli %scan3A_299, %mul3A_308 : i32
      %swap3A = arith.index_cast %mul3A_309 : i32 to index
      %swap3A_310 = tpu.vector_load %arg11[%swap3A] {strides = array<i32>} : memref<640xf32, #tpu.memory_space<vmem>>, vector<16xf32>,
      tpu.vector_store %arg11[%swap3A], %add3A_307 {strides = array<i32>} : memref<640xf32, #tpu.memory_space<vmem>>, vector<16xf32>,
    }
    %scan3A_151 = arith.constant 40 : i32
    %mul3A_152 = arith.constant 640 : i32
    %mul3A_153 = arith.muli %arg1, %mul3A_152 : i32
    %run_scoped3A_154 = arith.constant 15 : i32
    "tpu.region"() ({
      %run_scoped3A_299 = tpu.sem_alloc : memref<!tpu.dma_semaphore, #tpu.memory_space<semaphore_mem>>
      %dma_start3A = tpu.memref_slice %arg12[%run_scoped3A_154, %mul3A_153] : memref<16x10240xf32, #tpu.memory_space<vmem_shared>> -> memref<1x640xf32, #tpu.memory_space<vmem_shared>>
      %dma_start3A_300 = tpu.memref_squeeze %dma_start3A : memref<1x640xf32, #tpu.memory_space<vmem_shared>> -> memref<640xf32, #tpu.memory_space<vmem_shared>>
      %dma_start3A_301 = tpu.memref_slice %arg12[%run_scoped3A_154, %mul3A_153] : memref<16x10240xf32, #tpu.memory_space<vmem_shared>> -> memref<1x640xf32, #tpu.memory_space<vmem_shared>>
      %dma_start3A_302 = tpu.memref_squeeze %dma_start3A_301 : memref<1x640xf32, #tpu.memory_space<vmem_shared>> -> memref<640xf32, #tpu.memory_space<vmem_shared>>
      tpu.enqueue_dma source(%dma_start3A_302 : memref<640xf32, #tpu.memory_space<vmem_shared>>) target(%arg10 : memref<640xf32, #tpu.memory_space<vmem>>) target_semaphore(%run_scoped3A_299 : memref<!tpu.dma_semaphore, #tpu.memory_space<semaphore_mem>>)
      %dma_wait3A = tpu.memref_slice %arg12[%run_scoped3A_154, %mul3A_153] : memref<16x10240xf32, #tpu.memory_space<vmem_shared>> -> memref<1x640xf32, #tpu.memory_space<vmem_shared>>
      %dma_wait3A_303 = tpu.memref_squeeze %dma_wait3A : memref<1x640xf32, #tpu.memory_space<vmem_shared>> -> memref<640xf32, #tpu.memory_space<vmem_shared>>
      %dma_wait3A_304 = tpu.memref_slice %arg12[%run_scoped3A_154, %mul3A_153] : memref<16x10240xf32, #tpu.memory_space<vmem_shared>> -> memref<1x640xf32, #tpu.memory_space<vmem_shared>>
      %dma_wait3A_305 = tpu.memref_squeeze %dma_wait3A_304 : memref<1x640xf32, #tpu.memory_space<vmem_shared>> -> memref<640xf32, #tpu.memory_space<vmem_shared>>
      tpu.wait_dma2 semaphore(%run_scoped3A_299 : memref<!tpu.dma_semaphore, #tpu.memory_space<semaphore_mem>>) src(%dma_wait3A_305 : memref<640xf32, #tpu.memory_space<vmem_shared>>) dst(%arg10 : memref<640xf32, #tpu.memory_space<vmem>>)
      tpu.yield
    }) : () -> ()
    %scan3A_155 = arith.constant 0 : i32
    %scan3A_156 = arith.constant 0 : i32
    %scan3A_157 = arith.constant 40 : i32
    %scan3A_158 = arith.addi %scan3A_156, %scan3A_157 : i32
    %scan3A_159 = arith.constant 1 : i32
    scf.for %scan3A_299 = %scan3A_156 to %scan3A_158 step %scan3A_159  : i32 {
      %mul3A_300 = arith.constant 16 : i32
      %mul3A_301 = arith.muli %scan3A_299, %mul3A_300 : i32
      %get3A = arith.index_cast %mul3A_301 : i32 to index
      %get3A_302 = tpu.vector_load %arg11[%get3A] {strides = array<i32>} : memref<640xf32, #tpu.memory_space<vmem>>, vector<16xf32>,
      %mul3A_303 = arith.constant 16 : i32
      %mul3A_304 = arith.muli %scan3A_299, %mul3A_303 : i32
      %get3A_305 = arith.index_cast %mul3A_304 : i32 to index
      %get3A_306 = tpu.vector_load %arg10[%get3A_305] {strides = array<i32>} : memref<640xf32, #tpu.memory_space<vmem>>, vector<16xf32>,
      %add3A_307 = arith.addf %get3A_302, %get3A_306 : vector<16xf32>
      %mul3A_308 = arith.constant 16 : i32
      %mul3A_309 = arith.muli %scan3A_299, %mul3A_308 : i32
      %swap3A = arith.index_cast %mul3A_309 : i32 to index
      %swap3A_310 = tpu.vector_load %arg11[%swap3A] {strides = array<i32>} : memref<640xf32, #tpu.memory_space<vmem>>, vector<16xf32>,
      tpu.vector_store %arg11[%swap3A], %add3A_307 {strides = array<i32>} : memref<640xf32, #tpu.memory_space<vmem>>, vector<16xf32>,
    }
    %scan3A_160 = arith.constant 40 : i32
    "tpu.region"() ({
      %run_scoped3A_299 = tpu.sem_alloc : memref<!tpu.dma_semaphore, #tpu.memory_space<semaphore_mem>>
      %dma_start3A = tpu.memref_slice %arg4[%add3A_23] : memref<20480xf32, #tpu.memory_space<hbm>> -> memref<640xf32, #tpu.memory_space<hbm>>
      %dma_start3A_300 = tpu.memref_slice %arg4[%add3A_23] : memref<20480xf32, #tpu.memory_space<hbm>> -> memref<640xf32, #tpu.memory_space<hbm>>
      tpu.enqueue_dma source(%arg11 : memref<640xf32, #tpu.memory_space<vmem>>) target(%dma_start3A_300 : memref<640xf32, #tpu.memory_space<hbm>>) target_semaphore(%run_scoped3A_299 : memref<!tpu.dma_semaphore, #tpu.memory_space<semaphore_mem>>)
      %dma_wait3A = tpu.memref_slice %arg4[%add3A_23] : memref<20480xf32, #tpu.memory_space<hbm>> -> memref<640xf32, #tpu.memory_space<hbm>>
      %dma_wait3A_301 = tpu.memref_slice %arg4[%add3A_23] : memref<20480xf32, #tpu.memory_space<hbm>> -> memref<640xf32, #tpu.memory_space<hbm>>
      tpu.wait_dma2 semaphore(%run_scoped3A_299 : memref<!tpu.dma_semaphore, #tpu.memory_space<semaphore_mem>>) src(%arg11 : memref<640xf32, #tpu.memory_space<vmem>>) dst(%dma_wait3A_301 : memref<640xf32, #tpu.memory_space<hbm>>)
      tpu.yield
    }) : () -> ()
    %mul3A_161 = arith.constant 640 : i32
    %mul3A_162 = arith.muli %arg1, %mul3A_161 : i32
    %run_scoped3A_163 = arith.constant 0 : i32
    "tpu.region"() ({
      %run_scoped3A_299 = tpu.sem_alloc : memref<!tpu.dma_semaphore, #tpu.memory_space<semaphore_mem>>
      %dma_start3A = tpu.memref_slice %arg13[%run_scoped3A_163, %mul3A_162] : memref<16x10240xf32, #tpu.memory_space<vmem_shared>> -> memref<1x640xf32, #tpu.memory_space<vmem_shared>>
      %dma_start3A_300 = tpu.memref_squeeze %dma_start3A : memref<1x640xf32, #tpu.memory_space<vmem_shared>> -> memref<640xf32, #tpu.memory_space<vmem_shared>>
      %dma_start3A_301 = tpu.memref_slice %arg13[%run_scoped3A_163, %mul3A_162] : memref<16x10240xf32, #tpu.memory_space<vmem_shared>> -> memref<1x640xf32, #tpu.memory_space<vmem_shared>>
      %dma_start3A_302 = tpu.memref_squeeze %dma_start3A_301 : memref<1x640xf32, #tpu.memory_space<vmem_shared>> -> memref<640xf32, #tpu.memory_space<vmem_shared>>
      tpu.enqueue_dma source(%dma_start3A_302 : memref<640xf32, #tpu.memory_space<vmem_shared>>) target(%arg11 : memref<640xf32, #tpu.memory_space<vmem>>) target_semaphore(%run_scoped3A_299 : memref<!tpu.dma_semaphore, #tpu.memory_space<semaphore_mem>>)
      %dma_wait3A = tpu.memref_slice %arg13[%run_scoped3A_163, %mul3A_162] : memref<16x10240xf32, #tpu.memory_space<vmem_shared>> -> memref<1x640xf32, #tpu.memory_space<vmem_shared>>
      %dma_wait3A_303 = tpu.memref_squeeze %dma_wait3A : memref<1x640xf32, #tpu.memory_space<vmem_shared>> -> memref<640xf32, #tpu.memory_space<vmem_shared>>
      %dma_wait3A_304 = tpu.memref_slice %arg13[%run_scoped3A_163, %mul3A_162] : memref<16x10240xf32, #tpu.memory_space<vmem_shared>> -> memref<1x640xf32, #tpu.memory_space<vmem_shared>>
      %dma_wait3A_305 = tpu.memref_squeeze %dma_wait3A_304 : memref<1x640xf32, #tpu.memory_space<vmem_shared>> -> memref<640xf32, #tpu.memory_space<vmem_shared>>
      tpu.wait_dma2 semaphore(%run_scoped3A_299 : memref<!tpu.dma_semaphore, #tpu.memory_space<semaphore_mem>>) src(%dma_wait3A_305 : memref<640xf32, #tpu.memory_space<vmem_shared>>) dst(%arg11 : memref<640xf32, #tpu.memory_space<vmem>>)
      tpu.yield
    }) : () -> ()
    %mul3A_164 = arith.constant 640 : i32
    %mul3A_165 = arith.muli %arg1, %mul3A_164 : i32
    %run_scoped3A_166 = arith.constant 1 : i32
    "tpu.region"() ({
      %run_scoped3A_299 = tpu.sem_alloc : memref<!tpu.dma_semaphore, #tpu.memory_space<semaphore_mem>>
      %dma_start3A = tpu.memref_slice %arg13[%run_scoped3A_166, %mul3A_165] : memref<16x10240xf32, #tpu.memory_space<vmem_shared>> -> memref<1x640xf32, #tpu.memory_space<vmem_shared>>
      %dma_start3A_300 = tpu.memref_squeeze %dma_start3A : memref<1x640xf32, #tpu.memory_space<vmem_shared>> -> memref<640xf32, #tpu.memory_space<vmem_shared>>
      %dma_start3A_301 = tpu.memref_slice %arg13[%run_scoped3A_166, %mul3A_165] : memref<16x10240xf32, #tpu.memory_space<vmem_shared>> -> memref<1x640xf32, #tpu.memory_space<vmem_shared>>
      %dma_start3A_302 = tpu.memref_squeeze %dma_start3A_301 : memref<1x640xf32, #tpu.memory_space<vmem_shared>> -> memref<640xf32, #tpu.memory_space<vmem_shared>>
      tpu.enqueue_dma source(%dma_start3A_302 : memref<640xf32, #tpu.memory_space<vmem_shared>>) target(%arg10 : memref<640xf32, #tpu.memory_space<vmem>>) target_semaphore(%run_scoped3A_299 : memref<!tpu.dma_semaphore, #tpu.memory_space<semaphore_mem>>)
      %dma_wait3A = tpu.memref_slice %arg13[%run_scoped3A_166, %mul3A_165] : memref<16x10240xf32, #tpu.memory_space<vmem_shared>> -> memref<1x640xf32, #tpu.memory_space<vmem_shared>>
      %dma_wait3A_303 = tpu.memref_squeeze %dma_wait3A : memref<1x640xf32, #tpu.memory_space<vmem_shared>> -> memref<640xf32, #tpu.memory_space<vmem_shared>>
      %dma_wait3A_304 = tpu.memref_slice %arg13[%run_scoped3A_166, %mul3A_165] : memref<16x10240xf32, #tpu.memory_space<vmem_shared>> -> memref<1x640xf32, #tpu.memory_space<vmem_shared>>
      %dma_wait3A_305 = tpu.memref_squeeze %dma_wait3A_304 : memref<1x640xf32, #tpu.memory_space<vmem_shared>> -> memref<640xf32, #tpu.memory_space<vmem_shared>>
      tpu.wait_dma2 semaphore(%run_scoped3A_299 : memref<!tpu.dma_semaphore, #tpu.memory_space<semaphore_mem>>) src(%dma_wait3A_305 : memref<640xf32, #tpu.memory_space<vmem_shared>>) dst(%arg10 : memref<640xf32, #tpu.memory_space<vmem>>)
      tpu.yield
    }) : () -> ()
    %scan3A_167 = arith.constant 0 : i32
    %scan3A_168 = arith.constant 0 : i32
    %scan3A_169 = arith.constant 40 : i32
    %scan3A_170 = arith.addi %scan3A_168, %scan3A_169 : i32
    %scan3A_171 = arith.constant 1 : i32
    scf.for %scan3A_299 = %scan3A_168 to %scan3A_170 step %scan3A_171  : i32 {
      %mul3A_300 = arith.constant 16 : i32
      %mul3A_301 = arith.muli %scan3A_299, %mul3A_300 : i32
      %get3A = arith.index_cast %mul3A_301 : i32 to index
      %get3A_302 = tpu.vector_load %arg11[%get3A] {strides = array<i32>} : memref<640xf32, #tpu.memory_space<vmem>>, vector<16xf32>,
      %mul3A_303 = arith.constant 16 : i32
      %mul3A_304 = arith.muli %scan3A_299, %mul3A_303 : i32
      %get3A_305 = arith.index_cast %mul3A_304 : i32 to index
      %get3A_306 = tpu.vector_load %arg10[%get3A_305] {strides = array<i32>} : memref<640xf32, #tpu.memory_space<vmem>>, vector<16xf32>,
      %add3A_307 = arith.addf %get3A_302, %get3A_306 : vector<16xf32>
      %mul3A_308 = arith.constant 16 : i32
      %mul3A_309 = arith.muli %scan3A_299, %mul3A_308 : i32
      %swap3A = arith.index_cast %mul3A_309 : i32 to index
      %swap3A_310 = tpu.vector_load %arg11[%swap3A] {strides = array<i32>} : memref<640xf32, #tpu.memory_space<vmem>>, vector<16xf32>,
      tpu.vector_store %arg11[%swap3A], %add3A_307 {strides = array<i32>} : memref<640xf32, #tpu.memory_space<vmem>>, vector<16xf32>,
    }
    %scan3A_172 = arith.constant 40 : i32
    %mul3A_173 = arith.constant 640 : i32
    %mul3A_174 = arith.muli %arg1, %mul3A_173 : i32
    %run_scoped3A_175 = arith.constant 2 : i32
    "tpu.region"() ({
      %run_scoped3A_299 = tpu.sem_alloc : memref<!tpu.dma_semaphore, #tpu.memory_space<semaphore_mem>>
      %dma_start3A = tpu.memref_slice %arg13[%run_scoped3A_175, %mul3A_174] : memref<16x10240xf32, #tpu.memory_space<vmem_shared>> -> memref<1x640xf32, #tpu.memory_space<vmem_shared>>
      %dma_start3A_300 = tpu.memref_squeeze %dma_start3A : memref<1x640xf32, #tpu.memory_space<vmem_shared>> -> memref<640xf32, #tpu.memory_space<vmem_shared>>
      %dma_start3A_301 = tpu.memref_slice %arg13[%run_scoped3A_175, %mul3A_174] : memref<16x10240xf32, #tpu.memory_space<vmem_shared>> -> memref<1x640xf32, #tpu.memory_space<vmem_shared>>
      %dma_start3A_302 = tpu.memref_squeeze %dma_start3A_301 : memref<1x640xf32, #tpu.memory_space<vmem_shared>> -> memref<640xf32, #tpu.memory_space<vmem_shared>>
      tpu.enqueue_dma source(%dma_start3A_302 : memref<640xf32, #tpu.memory_space<vmem_shared>>) target(%arg10 : memref<640xf32, #tpu.memory_space<vmem>>) target_semaphore(%run_scoped3A_299 : memref<!tpu.dma_semaphore, #tpu.memory_space<semaphore_mem>>)
      %dma_wait3A = tpu.memref_slice %arg13[%run_scoped3A_175, %mul3A_174] : memref<16x10240xf32, #tpu.memory_space<vmem_shared>> -> memref<1x640xf32, #tpu.memory_space<vmem_shared>>
      %dma_wait3A_303 = tpu.memref_squeeze %dma_wait3A : memref<1x640xf32, #tpu.memory_space<vmem_shared>> -> memref<640xf32, #tpu.memory_space<vmem_shared>>
      %dma_wait3A_304 = tpu.memref_slice %arg13[%run_scoped3A_175, %mul3A_174] : memref<16x10240xf32, #tpu.memory_space<vmem_shared>> -> memref<1x640xf32, #tpu.memory_space<vmem_shared>>
      %dma_wait3A_305 = tpu.memref_squeeze %dma_wait3A_304 : memref<1x640xf32, #tpu.memory_space<vmem_shared>> -> memref<640xf32, #tpu.memory_space<vmem_shared>>
      tpu.wait_dma2 semaphore(%run_scoped3A_299 : memref<!tpu.dma_semaphore, #tpu.memory_space<semaphore_mem>>) src(%dma_wait3A_305 : memref<640xf32, #tpu.memory_space<vmem_shared>>) dst(%arg10 : memref<640xf32, #tpu.memory_space<vmem>>)
      tpu.yield
    }) : () -> ()
    %scan3A_176 = arith.constant 0 : i32
    %scan3A_177 = arith.constant 0 : i32
    %scan3A_178 = arith.constant 40 : i32
    %scan3A_179 = arith.addi %scan3A_177, %scan3A_178 : i32
    %scan3A_180 = arith.constant 1 : i32
    scf.for %scan3A_299 = %scan3A_177 to %scan3A_179 step %scan3A_180  : i32 {
      %mul3A_300 = arith.constant 16 : i32
      %mul3A_301 = arith.muli %scan3A_299, %mul3A_300 : i32
      %get3A = arith.index_cast %mul3A_301 : i32 to index
      %get3A_302 = tpu.vector_load %arg11[%get3A] {strides = array<i32>} : memref<640xf32, #tpu.memory_space<vmem>>, vector<16xf32>,
      %mul3A_303 = arith.constant 16 : i32
      %mul3A_304 = arith.muli %scan3A_299, %mul3A_303 : i32
      %get3A_305 = arith.index_cast %mul3A_304 : i32 to index
      %get3A_306 = tpu.vector_load %arg10[%get3A_305] {strides = array<i32>} : memref<640xf32, #tpu.memory_space<vmem>>, vector<16xf32>,
      %add3A_307 = arith.addf %get3A_302, %get3A_306 : vector<16xf32>
      %mul3A_308 = arith.constant 16 : i32
      %mul3A_309 = arith.muli %scan3A_299, %mul3A_308 : i32
      %swap3A = arith.index_cast %mul3A_309 : i32 to index
      %swap3A_310 = tpu.vector_load %arg11[%swap3A] {strides = array<i32>} : memref<640xf32, #tpu.memory_space<vmem>>, vector<16xf32>,
      tpu.vector_store %arg11[%swap3A], %add3A_307 {strides = array<i32>} : memref<640xf32, #tpu.memory_space<vmem>>, vector<16xf32>,
    }
    %scan3A_181 = arith.constant 40 : i32
    %mul3A_182 = arith.constant 640 : i32
    %mul3A_183 = arith.muli %arg1, %mul3A_182 : i32
    %run_scoped3A_184 = arith.constant 3 : i32
    "tpu.region"() ({
      %run_scoped3A_299 = tpu.sem_alloc : memref<!tpu.dma_semaphore, #tpu.memory_space<semaphore_mem>>
      %dma_start3A = tpu.memref_slice %arg13[%run_scoped3A_184, %mul3A_183] : memref<16x10240xf32, #tpu.memory_space<vmem_shared>> -> memref<1x640xf32, #tpu.memory_space<vmem_shared>>
      %dma_start3A_300 = tpu.memref_squeeze %dma_start3A : memref<1x640xf32, #tpu.memory_space<vmem_shared>> -> memref<640xf32, #tpu.memory_space<vmem_shared>>
      %dma_start3A_301 = tpu.memref_slice %arg13[%run_scoped3A_184, %mul3A_183] : memref<16x10240xf32, #tpu.memory_space<vmem_shared>> -> memref<1x640xf32, #tpu.memory_space<vmem_shared>>
      %dma_start3A_302 = tpu.memref_squeeze %dma_start3A_301 : memref<1x640xf32, #tpu.memory_space<vmem_shared>> -> memref<640xf32, #tpu.memory_space<vmem_shared>>
      tpu.enqueue_dma source(%dma_start3A_302 : memref<640xf32, #tpu.memory_space<vmem_shared>>) target(%arg10 : memref<640xf32, #tpu.memory_space<vmem>>) target_semaphore(%run_scoped3A_299 : memref<!tpu.dma_semaphore, #tpu.memory_space<semaphore_mem>>)
      %dma_wait3A = tpu.memref_slice %arg13[%run_scoped3A_184, %mul3A_183] : memref<16x10240xf32, #tpu.memory_space<vmem_shared>> -> memref<1x640xf32, #tpu.memory_space<vmem_shared>>
      %dma_wait3A_303 = tpu.memref_squeeze %dma_wait3A : memref<1x640xf32, #tpu.memory_space<vmem_shared>> -> memref<640xf32, #tpu.memory_space<vmem_shared>>
      %dma_wait3A_304 = tpu.memref_slice %arg13[%run_scoped3A_184, %mul3A_183] : memref<16x10240xf32, #tpu.memory_space<vmem_shared>> -> memref<1x640xf32, #tpu.memory_space<vmem_shared>>
      %dma_wait3A_305 = tpu.memref_squeeze %dma_wait3A_304 : memref<1x640xf32, #tpu.memory_space<vmem_shared>> -> memref<640xf32, #tpu.memory_space<vmem_shared>>
      tpu.wait_dma2 semaphore(%run_scoped3A_299 : memref<!tpu.dma_semaphore, #tpu.memory_space<semaphore_mem>>) src(%dma_wait3A_305 : memref<640xf32, #tpu.memory_space<vmem_shared>>) dst(%arg10 : memref<640xf32, #tpu.memory_space<vmem>>)
      tpu.yield
    }) : () -> ()
    %scan3A_185 = arith.constant 0 : i32
    %scan3A_186 = arith.constant 0 : i32
    %scan3A_187 = arith.constant 40 : i32
    %scan3A_188 = arith.addi %scan3A_186, %scan3A_187 : i32
    %scan3A_189 = arith.constant 1 : i32
    scf.for %scan3A_299 = %scan3A_186 to %scan3A_188 step %scan3A_189  : i32 {
      %mul3A_300 = arith.constant 16 : i32
      %mul3A_301 = arith.muli %scan3A_299, %mul3A_300 : i32
      %get3A = arith.index_cast %mul3A_301 : i32 to index
      %get3A_302 = tpu.vector_load %arg11[%get3A] {strides = array<i32>} : memref<640xf32, #tpu.memory_space<vmem>>, vector<16xf32>,
      %mul3A_303 = arith.constant 16 : i32
      %mul3A_304 = arith.muli %scan3A_299, %mul3A_303 : i32
      %get3A_305 = arith.index_cast %mul3A_304 : i32 to index
      %get3A_306 = tpu.vector_load %arg10[%get3A_305] {strides = array<i32>} : memref<640xf32, #tpu.memory_space<vmem>>, vector<16xf32>,
      %add3A_307 = arith.addf %get3A_302, %get3A_306 : vector<16xf32>
      %mul3A_308 = arith.constant 16 : i32
      %mul3A_309 = arith.muli %scan3A_299, %mul3A_308 : i32
      %swap3A = arith.index_cast %mul3A_309 : i32 to index
      %swap3A_310 = tpu.vector_load %arg11[%swap3A] {strides = array<i32>} : memref<640xf32, #tpu.memory_space<vmem>>, vector<16xf32>,
      tpu.vector_store %arg11[%swap3A], %add3A_307 {strides = array<i32>} : memref<640xf32, #tpu.memory_space<vmem>>, vector<16xf32>,
    }
    %scan3A_190 = arith.constant 40 : i32
    %mul3A_191 = arith.constant 640 : i32
    %mul3A_192 = arith.muli %arg1, %mul3A_191 : i32
    %run_scoped3A_193 = arith.constant 4 : i32
    "tpu.region"() ({
      %run_scoped3A_299 = tpu.sem_alloc : memref<!tpu.dma_semaphore, #tpu.memory_space<semaphore_mem>>
      %dma_start3A = tpu.memref_slice %arg13[%run_scoped3A_193, %mul3A_192] : memref<16x10240xf32, #tpu.memory_space<vmem_shared>> -> memref<1x640xf32, #tpu.memory_space<vmem_shared>>
      %dma_start3A_300 = tpu.memref_squeeze %dma_start3A : memref<1x640xf32, #tpu.memory_space<vmem_shared>> -> memref<640xf32, #tpu.memory_space<vmem_shared>>
      %dma_start3A_301 = tpu.memref_slice %arg13[%run_scoped3A_193, %mul3A_192] : memref<16x10240xf32, #tpu.memory_space<vmem_shared>> -> memref<1x640xf32, #tpu.memory_space<vmem_shared>>
      %dma_start3A_302 = tpu.memref_squeeze %dma_start3A_301 : memref<1x640xf32, #tpu.memory_space<vmem_shared>> -> memref<640xf32, #tpu.memory_space<vmem_shared>>
      tpu.enqueue_dma source(%dma_start3A_302 : memref<640xf32, #tpu.memory_space<vmem_shared>>) target(%arg10 : memref<640xf32, #tpu.memory_space<vmem>>) target_semaphore(%run_scoped3A_299 : memref<!tpu.dma_semaphore, #tpu.memory_space<semaphore_mem>>)
      %dma_wait3A = tpu.memref_slice %arg13[%run_scoped3A_193, %mul3A_192] : memref<16x10240xf32, #tpu.memory_space<vmem_shared>> -> memref<1x640xf32, #tpu.memory_space<vmem_shared>>
      %dma_wait3A_303 = tpu.memref_squeeze %dma_wait3A : memref<1x640xf32, #tpu.memory_space<vmem_shared>> -> memref<640xf32, #tpu.memory_space<vmem_shared>>
      %dma_wait3A_304 = tpu.memref_slice %arg13[%run_scoped3A_193, %mul3A_192] : memref<16x10240xf32, #tpu.memory_space<vmem_shared>> -> memref<1x640xf32, #tpu.memory_space<vmem_shared>>
      %dma_wait3A_305 = tpu.memref_squeeze %dma_wait3A_304 : memref<1x640xf32, #tpu.memory_space<vmem_shared>> -> memref<640xf32, #tpu.memory_space<vmem_shared>>
      tpu.wait_dma2 semaphore(%run_scoped3A_299 : memref<!tpu.dma_semaphore, #tpu.memory_space<semaphore_mem>>) src(%dma_wait3A_305 : memref<640xf32, #tpu.memory_space<vmem_shared>>) dst(%arg10 : memref<640xf32, #tpu.memory_space<vmem>>)
      tpu.yield
    }) : () -> ()
    %scan3A_194 = arith.constant 0 : i32
    %scan3A_195 = arith.constant 0 : i32
    %scan3A_196 = arith.constant 40 : i32
    %scan3A_197 = arith.addi %scan3A_195, %scan3A_196 : i32
    %scan3A_198 = arith.constant 1 : i32
    scf.for %scan3A_299 = %scan3A_195 to %scan3A_197 step %scan3A_198  : i32 {
      %mul3A_300 = arith.constant 16 : i32
      %mul3A_301 = arith.muli %scan3A_299, %mul3A_300 : i32
      %get3A = arith.index_cast %mul3A_301 : i32 to index
      %get3A_302 = tpu.vector_load %arg11[%get3A] {strides = array<i32>} : memref<640xf32, #tpu.memory_space<vmem>>, vector<16xf32>,
      %mul3A_303 = arith.constant 16 : i32
      %mul3A_304 = arith.muli %scan3A_299, %mul3A_303 : i32
      %get3A_305 = arith.index_cast %mul3A_304 : i32 to index
      %get3A_306 = tpu.vector_load %arg10[%get3A_305] {strides = array<i32>} : memref<640xf32, #tpu.memory_space<vmem>>, vector<16xf32>,
      %add3A_307 = arith.addf %get3A_302, %get3A_306 : vector<16xf32>
      %mul3A_308 = arith.constant 16 : i32
      %mul3A_309 = arith.muli %scan3A_299, %mul3A_308 : i32
      %swap3A = arith.index_cast %mul3A_309 : i32 to index
      %swap3A_310 = tpu.vector_load %arg11[%swap3A] {strides = array<i32>} : memref<640xf32, #tpu.memory_space<vmem>>, vector<16xf32>,
      tpu.vector_store %arg11[%swap3A], %add3A_307 {strides = array<i32>} : memref<640xf32, #tpu.memory_space<vmem>>, vector<16xf32>,
    }
    %scan3A_199 = arith.constant 40 : i32
    %mul3A_200 = arith.constant 640 : i32
    %mul3A_201 = arith.muli %arg1, %mul3A_200 : i32
    %run_scoped3A_202 = arith.constant 5 : i32
    "tpu.region"() ({
      %run_scoped3A_299 = tpu.sem_alloc : memref<!tpu.dma_semaphore, #tpu.memory_space<semaphore_mem>>
      %dma_start3A = tpu.memref_slice %arg13[%run_scoped3A_202, %mul3A_201] : memref<16x10240xf32, #tpu.memory_space<vmem_shared>> -> memref<1x640xf32, #tpu.memory_space<vmem_shared>>
      %dma_start3A_300 = tpu.memref_squeeze %dma_start3A : memref<1x640xf32, #tpu.memory_space<vmem_shared>> -> memref<640xf32, #tpu.memory_space<vmem_shared>>
      %dma_start3A_301 = tpu.memref_slice %arg13[%run_scoped3A_202, %mul3A_201] : memref<16x10240xf32, #tpu.memory_space<vmem_shared>> -> memref<1x640xf32, #tpu.memory_space<vmem_shared>>
      %dma_start3A_302 = tpu.memref_squeeze %dma_start3A_301 : memref<1x640xf32, #tpu.memory_space<vmem_shared>> -> memref<640xf32, #tpu.memory_space<vmem_shared>>
      tpu.enqueue_dma source(%dma_start3A_302 : memref<640xf32, #tpu.memory_space<vmem_shared>>) target(%arg10 : memref<640xf32, #tpu.memory_space<vmem>>) target_semaphore(%run_scoped3A_299 : memref<!tpu.dma_semaphore, #tpu.memory_space<semaphore_mem>>)
      %dma_wait3A = tpu.memref_slice %arg13[%run_scoped3A_202, %mul3A_201] : memref<16x10240xf32, #tpu.memory_space<vmem_shared>> -> memref<1x640xf32, #tpu.memory_space<vmem_shared>>
      %dma_wait3A_303 = tpu.memref_squeeze %dma_wait3A : memref<1x640xf32, #tpu.memory_space<vmem_shared>> -> memref<640xf32, #tpu.memory_space<vmem_shared>>
      %dma_wait3A_304 = tpu.memref_slice %arg13[%run_scoped3A_202, %mul3A_201] : memref<16x10240xf32, #tpu.memory_space<vmem_shared>> -> memref<1x640xf32, #tpu.memory_space<vmem_shared>>
      %dma_wait3A_305 = tpu.memref_squeeze %dma_wait3A_304 : memref<1x640xf32, #tpu.memory_space<vmem_shared>> -> memref<640xf32, #tpu.memory_space<vmem_shared>>
      tpu.wait_dma2 semaphore(%run_scoped3A_299 : memref<!tpu.dma_semaphore, #tpu.memory_space<semaphore_mem>>) src(%dma_wait3A_305 : memref<640xf32, #tpu.memory_space<vmem_shared>>) dst(%arg10 : memref<640xf32, #tpu.memory_space<vmem>>)
      tpu.yield
    }) : () -> ()
    %scan3A_203 = arith.constant 0 : i32
    %scan3A_204 = arith.constant 0 : i32
    %scan3A_205 = arith.constant 40 : i32
    %scan3A_206 = arith.addi %scan3A_204, %scan3A_205 : i32
    %scan3A_207 = arith.constant 1 : i32
    scf.for %scan3A_299 = %scan3A_204 to %scan3A_206 step %scan3A_207  : i32 {
      %mul3A_300 = arith.constant 16 : i32
      %mul3A_301 = arith.muli %scan3A_299, %mul3A_300 : i32
      %get3A = arith.index_cast %mul3A_301 : i32 to index
      %get3A_302 = tpu.vector_load %arg11[%get3A] {strides = array<i32>} : memref<640xf32, #tpu.memory_space<vmem>>, vector<16xf32>,
      %mul3A_303 = arith.constant 16 : i32
      %mul3A_304 = arith.muli %scan3A_299, %mul3A_303 : i32
      %get3A_305 = arith.index_cast %mul3A_304 : i32 to index
      %get3A_306 = tpu.vector_load %arg10[%get3A_305] {strides = array<i32>} : memref<640xf32, #tpu.memory_space<vmem>>, vector<16xf32>,
      %add3A_307 = arith.addf %get3A_302, %get3A_306 : vector<16xf32>
      %mul3A_308 = arith.constant 16 : i32
      %mul3A_309 = arith.muli %scan3A_299, %mul3A_308 : i32
      %swap3A = arith.index_cast %mul3A_309 : i32 to index
      %swap3A_310 = tpu.vector_load %arg11[%swap3A] {strides = array<i32>} : memref<640xf32, #tpu.memory_space<vmem>>, vector<16xf32>,
      tpu.vector_store %arg11[%swap3A], %add3A_307 {strides = array<i32>} : memref<640xf32, #tpu.memory_space<vmem>>, vector<16xf32>,
    }
    %scan3A_208 = arith.constant 40 : i32
    %mul3A_209 = arith.constant 640 : i32
    %mul3A_210 = arith.muli %arg1, %mul3A_209 : i32
    %run_scoped3A_211 = arith.constant 6 : i32
    "tpu.region"() ({
      %run_scoped3A_299 = tpu.sem_alloc : memref<!tpu.dma_semaphore, #tpu.memory_space<semaphore_mem>>
      %dma_start3A = tpu.memref_slice %arg13[%run_scoped3A_211, %mul3A_210] : memref<16x10240xf32, #tpu.memory_space<vmem_shared>> -> memref<1x640xf32, #tpu.memory_space<vmem_shared>>
      %dma_start3A_300 = tpu.memref_squeeze %dma_start3A : memref<1x640xf32, #tpu.memory_space<vmem_shared>> -> memref<640xf32, #tpu.memory_space<vmem_shared>>
      %dma_start3A_301 = tpu.memref_slice %arg13[%run_scoped3A_211, %mul3A_210] : memref<16x10240xf32, #tpu.memory_space<vmem_shared>> -> memref<1x640xf32, #tpu.memory_space<vmem_shared>>
      %dma_start3A_302 = tpu.memref_squeeze %dma_start3A_301 : memref<1x640xf32, #tpu.memory_space<vmem_shared>> -> memref<640xf32, #tpu.memory_space<vmem_shared>>
      tpu.enqueue_dma source(%dma_start3A_302 : memref<640xf32, #tpu.memory_space<vmem_shared>>) target(%arg10 : memref<640xf32, #tpu.memory_space<vmem>>) target_semaphore(%run_scoped3A_299 : memref<!tpu.dma_semaphore, #tpu.memory_space<semaphore_mem>>)
      %dma_wait3A = tpu.memref_slice %arg13[%run_scoped3A_211, %mul3A_210] : memref<16x10240xf32, #tpu.memory_space<vmem_shared>> -> memref<1x640xf32, #tpu.memory_space<vmem_shared>>
      %dma_wait3A_303 = tpu.memref_squeeze %dma_wait3A : memref<1x640xf32, #tpu.memory_space<vmem_shared>> -> memref<640xf32, #tpu.memory_space<vmem_shared>>
      %dma_wait3A_304 = tpu.memref_slice %arg13[%run_scoped3A_211, %mul3A_210] : memref<16x10240xf32, #tpu.memory_space<vmem_shared>> -> memref<1x640xf32, #tpu.memory_space<vmem_shared>>
      %dma_wait3A_305 = tpu.memref_squeeze %dma_wait3A_304 : memref<1x640xf32, #tpu.memory_space<vmem_shared>> -> memref<640xf32, #tpu.memory_space<vmem_shared>>
      tpu.wait_dma2 semaphore(%run_scoped3A_299 : memref<!tpu.dma_semaphore, #tpu.memory_space<semaphore_mem>>) src(%dma_wait3A_305 : memref<640xf32, #tpu.memory_space<vmem_shared>>) dst(%arg10 : memref<640xf32, #tpu.memory_space<vmem>>)
      tpu.yield
    }) : () -> ()
    %scan3A_212 = arith.constant 0 : i32
    %scan3A_213 = arith.constant 0 : i32
    %scan3A_214 = arith.constant 40 : i32
    %scan3A_215 = arith.addi %scan3A_213, %scan3A_214 : i32
    %scan3A_216 = arith.constant 1 : i32
    scf.for %scan3A_299 = %scan3A_213 to %scan3A_215 step %scan3A_216  : i32 {
      %mul3A_300 = arith.constant 16 : i32
      %mul3A_301 = arith.muli %scan3A_299, %mul3A_300 : i32
      %get3A = arith.index_cast %mul3A_301 : i32 to index
      %get3A_302 = tpu.vector_load %arg11[%get3A] {strides = array<i32>} : memref<640xf32, #tpu.memory_space<vmem>>, vector<16xf32>,
      %mul3A_303 = arith.constant 16 : i32
      %mul3A_304 = arith.muli %scan3A_299, %mul3A_303 : i32
      %get3A_305 = arith.index_cast %mul3A_304 : i32 to index
      %get3A_306 = tpu.vector_load %arg10[%get3A_305] {strides = array<i32>} : memref<640xf32, #tpu.memory_space<vmem>>, vector<16xf32>,
      %add3A_307 = arith.addf %get3A_302, %get3A_306 : vector<16xf32>
      %mul3A_308 = arith.constant 16 : i32
      %mul3A_309 = arith.muli %scan3A_299, %mul3A_308 : i32
      %swap3A = arith.index_cast %mul3A_309 : i32 to index
      %swap3A_310 = tpu.vector_load %arg11[%swap3A] {strides = array<i32>} : memref<640xf32, #tpu.memory_space<vmem>>, vector<16xf32>,
      tpu.vector_store %arg11[%swap3A], %add3A_307 {strides = array<i32>} : memref<640xf32, #tpu.memory_space<vmem>>, vector<16xf32>,
    }
    %scan3A_217 = arith.constant 40 : i32
    %mul3A_218 = arith.constant 640 : i32
    %mul3A_219 = arith.muli %arg1, %mul3A_218 : i32
    %run_scoped3A_220 = arith.constant 7 : i32
    "tpu.region"() ({
      %run_scoped3A_299 = tpu.sem_alloc : memref<!tpu.dma_semaphore, #tpu.memory_space<semaphore_mem>>
      %dma_start3A = tpu.memref_slice %arg13[%run_scoped3A_220, %mul3A_219] : memref<16x10240xf32, #tpu.memory_space<vmem_shared>> -> memref<1x640xf32, #tpu.memory_space<vmem_shared>>
      %dma_start3A_300 = tpu.memref_squeeze %dma_start3A : memref<1x640xf32, #tpu.memory_space<vmem_shared>> -> memref<640xf32, #tpu.memory_space<vmem_shared>>
      %dma_start3A_301 = tpu.memref_slice %arg13[%run_scoped3A_220, %mul3A_219] : memref<16x10240xf32, #tpu.memory_space<vmem_shared>> -> memref<1x640xf32, #tpu.memory_space<vmem_shared>>
      %dma_start3A_302 = tpu.memref_squeeze %dma_start3A_301 : memref<1x640xf32, #tpu.memory_space<vmem_shared>> -> memref<640xf32, #tpu.memory_space<vmem_shared>>
      tpu.enqueue_dma source(%dma_start3A_302 : memref<640xf32, #tpu.memory_space<vmem_shared>>) target(%arg10 : memref<640xf32, #tpu.memory_space<vmem>>) target_semaphore(%run_scoped3A_299 : memref<!tpu.dma_semaphore, #tpu.memory_space<semaphore_mem>>)
      %dma_wait3A = tpu.memref_slice %arg13[%run_scoped3A_220, %mul3A_219] : memref<16x10240xf32, #tpu.memory_space<vmem_shared>> -> memref<1x640xf32, #tpu.memory_space<vmem_shared>>
      %dma_wait3A_303 = tpu.memref_squeeze %dma_wait3A : memref<1x640xf32, #tpu.memory_space<vmem_shared>> -> memref<640xf32, #tpu.memory_space<vmem_shared>>
      %dma_wait3A_304 = tpu.memref_slice %arg13[%run_scoped3A_220, %mul3A_219] : memref<16x10240xf32, #tpu.memory_space<vmem_shared>> -> memref<1x640xf32, #tpu.memory_space<vmem_shared>>
      %dma_wait3A_305 = tpu.memref_squeeze %dma_wait3A_304 : memref<1x640xf32, #tpu.memory_space<vmem_shared>> -> memref<640xf32, #tpu.memory_space<vmem_shared>>
      tpu.wait_dma2 semaphore(%run_scoped3A_299 : memref<!tpu.dma_semaphore, #tpu.memory_space<semaphore_mem>>) src(%dma_wait3A_305 : memref<640xf32, #tpu.memory_space<vmem_shared>>) dst(%arg10 : memref<640xf32, #tpu.memory_space<vmem>>)
      tpu.yield
    }) : () -> ()
    %scan3A_221 = arith.constant 0 : i32
    %scan3A_222 = arith.constant 0 : i32
    %scan3A_223 = arith.constant 40 : i32
    %scan3A_224 = arith.addi %scan3A_222, %scan3A_223 : i32
    %scan3A_225 = arith.constant 1 : i32
    scf.for %scan3A_299 = %scan3A_222 to %scan3A_224 step %scan3A_225  : i32 {
      %mul3A_300 = arith.constant 16 : i32
      %mul3A_301 = arith.muli %scan3A_299, %mul3A_300 : i32
      %get3A = arith.index_cast %mul3A_301 : i32 to index
      %get3A_302 = tpu.vector_load %arg11[%get3A] {strides = array<i32>} : memref<640xf32, #tpu.memory_space<vmem>>, vector<16xf32>,
      %mul3A_303 = arith.constant 16 : i32
      %mul3A_304 = arith.muli %scan3A_299, %mul3A_303 : i32
      %get3A_305 = arith.index_cast %mul3A_304 : i32 to index
      %get3A_306 = tpu.vector_load %arg10[%get3A_305] {strides = array<i32>} : memref<640xf32, #tpu.memory_space<vmem>>, vector<16xf32>,
      %add3A_307 = arith.addf %get3A_302, %get3A_306 : vector<16xf32>
      %mul3A_308 = arith.constant 16 : i32
      %mul3A_309 = arith.muli %scan3A_299, %mul3A_308 : i32
      %swap3A = arith.index_cast %mul3A_309 : i32 to index
      %swap3A_310 = tpu.vector_load %arg11[%swap3A] {strides = array<i32>} : memref<640xf32, #tpu.memory_space<vmem>>, vector<16xf32>,
      tpu.vector_store %arg11[%swap3A], %add3A_307 {strides = array<i32>} : memref<640xf32, #tpu.memory_space<vmem>>, vector<16xf32>,
    }
    %scan3A_226 = arith.constant 40 : i32
    %mul3A_227 = arith.constant 640 : i32
    %mul3A_228 = arith.muli %arg1, %mul3A_227 : i32
    %run_scoped3A_229 = arith.constant 8 : i32
    "tpu.region"() ({
      %run_scoped3A_299 = tpu.sem_alloc : memref<!tpu.dma_semaphore, #tpu.memory_space<semaphore_mem>>
      %dma_start3A = tpu.memref_slice %arg13[%run_scoped3A_229, %mul3A_228] : memref<16x10240xf32, #tpu.memory_space<vmem_shared>> -> memref<1x640xf32, #tpu.memory_space<vmem_shared>>
      %dma_start3A_300 = tpu.memref_squeeze %dma_start3A : memref<1x640xf32, #tpu.memory_space<vmem_shared>> -> memref<640xf32, #tpu.memory_space<vmem_shared>>
      %dma_start3A_301 = tpu.memref_slice %arg13[%run_scoped3A_229, %mul3A_228] : memref<16x10240xf32, #tpu.memory_space<vmem_shared>> -> memref<1x640xf32, #tpu.memory_space<vmem_shared>>
      %dma_start3A_302 = tpu.memref_squeeze %dma_start3A_301 : memref<1x640xf32, #tpu.memory_space<vmem_shared>> -> memref<640xf32, #tpu.memory_space<vmem_shared>>
      tpu.enqueue_dma source(%dma_start3A_302 : memref<640xf32, #tpu.memory_space<vmem_shared>>) target(%arg10 : memref<640xf32, #tpu.memory_space<vmem>>) target_semaphore(%run_scoped3A_299 : memref<!tpu.dma_semaphore, #tpu.memory_space<semaphore_mem>>)
      %dma_wait3A = tpu.memref_slice %arg13[%run_scoped3A_229, %mul3A_228] : memref<16x10240xf32, #tpu.memory_space<vmem_shared>> -> memref<1x640xf32, #tpu.memory_space<vmem_shared>>
      %dma_wait3A_303 = tpu.memref_squeeze %dma_wait3A : memref<1x640xf32, #tpu.memory_space<vmem_shared>> -> memref<640xf32, #tpu.memory_space<vmem_shared>>
      %dma_wait3A_304 = tpu.memref_slice %arg13[%run_scoped3A_229, %mul3A_228] : memref<16x10240xf32, #tpu.memory_space<vmem_shared>> -> memref<1x640xf32, #tpu.memory_space<vmem_shared>>
      %dma_wait3A_305 = tpu.memref_squeeze %dma_wait3A_304 : memref<1x640xf32, #tpu.memory_space<vmem_shared>> -> memref<640xf32, #tpu.memory_space<vmem_shared>>
      tpu.wait_dma2 semaphore(%run_scoped3A_299 : memref<!tpu.dma_semaphore, #tpu.memory_space<semaphore_mem>>) src(%dma_wait3A_305 : memref<640xf32, #tpu.memory_space<vmem_shared>>) dst(%arg10 : memref<640xf32, #tpu.memory_space<vmem>>)
      tpu.yield
    }) : () -> ()
    %scan3A_230 = arith.constant 0 : i32
    %scan3A_231 = arith.constant 0 : i32
    %scan3A_232 = arith.constant 40 : i32
    %scan3A_233 = arith.addi %scan3A_231, %scan3A_232 : i32
    %scan3A_234 = arith.constant 1 : i32
    scf.for %scan3A_299 = %scan3A_231 to %scan3A_233 step %scan3A_234  : i32 {
      %mul3A_300 = arith.constant 16 : i32
      %mul3A_301 = arith.muli %scan3A_299, %mul3A_300 : i32
      %get3A = arith.index_cast %mul3A_301 : i32 to index
      %get3A_302 = tpu.vector_load %arg11[%get3A] {strides = array<i32>} : memref<640xf32, #tpu.memory_space<vmem>>, vector<16xf32>,
      %mul3A_303 = arith.constant 16 : i32
      %mul3A_304 = arith.muli %scan3A_299, %mul3A_303 : i32
      %get3A_305 = arith.index_cast %mul3A_304 : i32 to index
      %get3A_306 = tpu.vector_load %arg10[%get3A_305] {strides = array<i32>} : memref<640xf32, #tpu.memory_space<vmem>>, vector<16xf32>,
      %add3A_307 = arith.addf %get3A_302, %get3A_306 : vector<16xf32>
      %mul3A_308 = arith.constant 16 : i32
      %mul3A_309 = arith.muli %scan3A_299, %mul3A_308 : i32
      %swap3A = arith.index_cast %mul3A_309 : i32 to index
      %swap3A_310 = tpu.vector_load %arg11[%swap3A] {strides = array<i32>} : memref<640xf32, #tpu.memory_space<vmem>>, vector<16xf32>,
      tpu.vector_store %arg11[%swap3A], %add3A_307 {strides = array<i32>} : memref<640xf32, #tpu.memory_space<vmem>>, vector<16xf32>,
    }
    %scan3A_235 = arith.constant 40 : i32
    %mul3A_236 = arith.constant 640 : i32
    %mul3A_237 = arith.muli %arg1, %mul3A_236 : i32
    %run_scoped3A_238 = arith.constant 9 : i32
    "tpu.region"() ({
      %run_scoped3A_299 = tpu.sem_alloc : memref<!tpu.dma_semaphore, #tpu.memory_space<semaphore_mem>>
      %dma_start3A = tpu.memref_slice %arg13[%run_scoped3A_238, %mul3A_237] : memref<16x10240xf32, #tpu.memory_space<vmem_shared>> -> memref<1x640xf32, #tpu.memory_space<vmem_shared>>
      %dma_start3A_300 = tpu.memref_squeeze %dma_start3A : memref<1x640xf32, #tpu.memory_space<vmem_shared>> -> memref<640xf32, #tpu.memory_space<vmem_shared>>
      %dma_start3A_301 = tpu.memref_slice %arg13[%run_scoped3A_238, %mul3A_237] : memref<16x10240xf32, #tpu.memory_space<vmem_shared>> -> memref<1x640xf32, #tpu.memory_space<vmem_shared>>
      %dma_start3A_302 = tpu.memref_squeeze %dma_start3A_301 : memref<1x640xf32, #tpu.memory_space<vmem_shared>> -> memref<640xf32, #tpu.memory_space<vmem_shared>>
      tpu.enqueue_dma source(%dma_start3A_302 : memref<640xf32, #tpu.memory_space<vmem_shared>>) target(%arg10 : memref<640xf32, #tpu.memory_space<vmem>>) target_semaphore(%run_scoped3A_299 : memref<!tpu.dma_semaphore, #tpu.memory_space<semaphore_mem>>)
      %dma_wait3A = tpu.memref_slice %arg13[%run_scoped3A_238, %mul3A_237] : memref<16x10240xf32, #tpu.memory_space<vmem_shared>> -> memref<1x640xf32, #tpu.memory_space<vmem_shared>>
      %dma_wait3A_303 = tpu.memref_squeeze %dma_wait3A : memref<1x640xf32, #tpu.memory_space<vmem_shared>> -> memref<640xf32, #tpu.memory_space<vmem_shared>>
      %dma_wait3A_304 = tpu.memref_slice %arg13[%run_scoped3A_238, %mul3A_237] : memref<16x10240xf32, #tpu.memory_space<vmem_shared>> -> memref<1x640xf32, #tpu.memory_space<vmem_shared>>
      %dma_wait3A_305 = tpu.memref_squeeze %dma_wait3A_304 : memref<1x640xf32, #tpu.memory_space<vmem_shared>> -> memref<640xf32, #tpu.memory_space<vmem_shared>>
      tpu.wait_dma2 semaphore(%run_scoped3A_299 : memref<!tpu.dma_semaphore, #tpu.memory_space<semaphore_mem>>) src(%dma_wait3A_305 : memref<640xf32, #tpu.memory_space<vmem_shared>>) dst(%arg10 : memref<640xf32, #tpu.memory_space<vmem>>)
      tpu.yield
    }) : () -> ()
    %scan3A_239 = arith.constant 0 : i32
    %scan3A_240 = arith.constant 0 : i32
    %scan3A_241 = arith.constant 40 : i32
    %scan3A_242 = arith.addi %scan3A_240, %scan3A_241 : i32
    %scan3A_243 = arith.constant 1 : i32
    scf.for %scan3A_299 = %scan3A_240 to %scan3A_242 step %scan3A_243  : i32 {
      %mul3A_300 = arith.constant 16 : i32
      %mul3A_301 = arith.muli %scan3A_299, %mul3A_300 : i32
      %get3A = arith.index_cast %mul3A_301 : i32 to index
      %get3A_302 = tpu.vector_load %arg11[%get3A] {strides = array<i32>} : memref<640xf32, #tpu.memory_space<vmem>>, vector<16xf32>,
      %mul3A_303 = arith.constant 16 : i32
      %mul3A_304 = arith.muli %scan3A_299, %mul3A_303 : i32
      %get3A_305 = arith.index_cast %mul3A_304 : i32 to index
      %get3A_306 = tpu.vector_load %arg10[%get3A_305] {strides = array<i32>} : memref<640xf32, #tpu.memory_space<vmem>>, vector<16xf32>,
      %add3A_307 = arith.addf %get3A_302, %get3A_306 : vector<16xf32>
      %mul3A_308 = arith.constant 16 : i32
      %mul3A_309 = arith.muli %scan3A_299, %mul3A_308 : i32
      %swap3A = arith.index_cast %mul3A_309 : i32 to index
      %swap3A_310 = tpu.vector_load %arg11[%swap3A] {strides = array<i32>} : memref<640xf32, #tpu.memory_space<vmem>>, vector<16xf32>,
      tpu.vector_store %arg11[%swap3A], %add3A_307 {strides = array<i32>} : memref<640xf32, #tpu.memory_space<vmem>>, vector<16xf32>,
    }
    %scan3A_244 = arith.constant 40 : i32
    %mul3A_245 = arith.constant 640 : i32
    %mul3A_246 = arith.muli %arg1, %mul3A_245 : i32
    %run_scoped3A_247 = arith.constant 10 : i32
    "tpu.region"() ({
      %run_scoped3A_299 = tpu.sem_alloc : memref<!tpu.dma_semaphore, #tpu.memory_space<semaphore_mem>>
      %dma_start3A = tpu.memref_slice %arg13[%run_scoped3A_247, %mul3A_246] : memref<16x10240xf32, #tpu.memory_space<vmem_shared>> -> memref<1x640xf32, #tpu.memory_space<vmem_shared>>
      %dma_start3A_300 = tpu.memref_squeeze %dma_start3A : memref<1x640xf32, #tpu.memory_space<vmem_shared>> -> memref<640xf32, #tpu.memory_space<vmem_shared>>
      %dma_start3A_301 = tpu.memref_slice %arg13[%run_scoped3A_247, %mul3A_246] : memref<16x10240xf32, #tpu.memory_space<vmem_shared>> -> memref<1x640xf32, #tpu.memory_space<vmem_shared>>
      %dma_start3A_302 = tpu.memref_squeeze %dma_start3A_301 : memref<1x640xf32, #tpu.memory_space<vmem_shared>> -> memref<640xf32, #tpu.memory_space<vmem_shared>>
      tpu.enqueue_dma source(%dma_start3A_302 : memref<640xf32, #tpu.memory_space<vmem_shared>>) target(%arg10 : memref<640xf32, #tpu.memory_space<vmem>>) target_semaphore(%run_scoped3A_299 : memref<!tpu.dma_semaphore, #tpu.memory_space<semaphore_mem>>)
      %dma_wait3A = tpu.memref_slice %arg13[%run_scoped3A_247, %mul3A_246] : memref<16x10240xf32, #tpu.memory_space<vmem_shared>> -> memref<1x640xf32, #tpu.memory_space<vmem_shared>>
      %dma_wait3A_303 = tpu.memref_squeeze %dma_wait3A : memref<1x640xf32, #tpu.memory_space<vmem_shared>> -> memref<640xf32, #tpu.memory_space<vmem_shared>>
      %dma_wait3A_304 = tpu.memref_slice %arg13[%run_scoped3A_247, %mul3A_246] : memref<16x10240xf32, #tpu.memory_space<vmem_shared>> -> memref<1x640xf32, #tpu.memory_space<vmem_shared>>
      %dma_wait3A_305 = tpu.memref_squeeze %dma_wait3A_304 : memref<1x640xf32, #tpu.memory_space<vmem_shared>> -> memref<640xf32, #tpu.memory_space<vmem_shared>>
      tpu.wait_dma2 semaphore(%run_scoped3A_299 : memref<!tpu.dma_semaphore, #tpu.memory_space<semaphore_mem>>) src(%dma_wait3A_305 : memref<640xf32, #tpu.memory_space<vmem_shared>>) dst(%arg10 : memref<640xf32, #tpu.memory_space<vmem>>)
      tpu.yield
    }) : () -> ()
    %scan3A_248 = arith.constant 0 : i32
    %scan3A_249 = arith.constant 0 : i32
    %scan3A_250 = arith.constant 40 : i32
    %scan3A_251 = arith.addi %scan3A_249, %scan3A_250 : i32
    %scan3A_252 = arith.constant 1 : i32
    scf.for %scan3A_299 = %scan3A_249 to %scan3A_251 step %scan3A_252  : i32 {
      %mul3A_300 = arith.constant 16 : i32
      %mul3A_301 = arith.muli %scan3A_299, %mul3A_300 : i32
      %get3A = arith.index_cast %mul3A_301 : i32 to index
      %get3A_302 = tpu.vector_load %arg11[%get3A] {strides = array<i32>} : memref<640xf32, #tpu.memory_space<vmem>>, vector<16xf32>,
      %mul3A_303 = arith.constant 16 : i32
      %mul3A_304 = arith.muli %scan3A_299, %mul3A_303 : i32
      %get3A_305 = arith.index_cast %mul3A_304 : i32 to index
      %get3A_306 = tpu.vector_load %arg10[%get3A_305] {strides = array<i32>} : memref<640xf32, #tpu.memory_space<vmem>>, vector<16xf32>,
      %add3A_307 = arith.addf %get3A_302, %get3A_306 : vector<16xf32>
      %mul3A_308 = arith.constant 16 : i32
      %mul3A_309 = arith.muli %scan3A_299, %mul3A_308 : i32
      %swap3A = arith.index_cast %mul3A_309 : i32 to index
      %swap3A_310 = tpu.vector_load %arg11[%swap3A] {strides = array<i32>} : memref<640xf32, #tpu.memory_space<vmem>>, vector<16xf32>,
      tpu.vector_store %arg11[%swap3A], %add3A_307 {strides = array<i32>} : memref<640xf32, #tpu.memory_space<vmem>>, vector<16xf32>,
    }
    %scan3A_253 = arith.constant 40 : i32
    %mul3A_254 = arith.constant 640 : i32
    %mul3A_255 = arith.muli %arg1, %mul3A_254 : i32
    %run_scoped3A_256 = arith.constant 11 : i32
    "tpu.region"() ({
      %run_scoped3A_299 = tpu.sem_alloc : memref<!tpu.dma_semaphore, #tpu.memory_space<semaphore_mem>>
      %dma_start3A = tpu.memref_slice %arg13[%run_scoped3A_256, %mul3A_255] : memref<16x10240xf32, #tpu.memory_space<vmem_shared>> -> memref<1x640xf32, #tpu.memory_space<vmem_shared>>
      %dma_start3A_300 = tpu.memref_squeeze %dma_start3A : memref<1x640xf32, #tpu.memory_space<vmem_shared>> -> memref<640xf32, #tpu.memory_space<vmem_shared>>
      %dma_start3A_301 = tpu.memref_slice %arg13[%run_scoped3A_256, %mul3A_255] : memref<16x10240xf32, #tpu.memory_space<vmem_shared>> -> memref<1x640xf32, #tpu.memory_space<vmem_shared>>
      %dma_start3A_302 = tpu.memref_squeeze %dma_start3A_301 : memref<1x640xf32, #tpu.memory_space<vmem_shared>> -> memref<640xf32, #tpu.memory_space<vmem_shared>>
      tpu.enqueue_dma source(%dma_start3A_302 : memref<640xf32, #tpu.memory_space<vmem_shared>>) target(%arg10 : memref<640xf32, #tpu.memory_space<vmem>>) target_semaphore(%run_scoped3A_299 : memref<!tpu.dma_semaphore, #tpu.memory_space<semaphore_mem>>)
      %dma_wait3A = tpu.memref_slice %arg13[%run_scoped3A_256, %mul3A_255] : memref<16x10240xf32, #tpu.memory_space<vmem_shared>> -> memref<1x640xf32, #tpu.memory_space<vmem_shared>>
      %dma_wait3A_303 = tpu.memref_squeeze %dma_wait3A : memref<1x640xf32, #tpu.memory_space<vmem_shared>> -> memref<640xf32, #tpu.memory_space<vmem_shared>>
      %dma_wait3A_304 = tpu.memref_slice %arg13[%run_scoped3A_256, %mul3A_255] : memref<16x10240xf32, #tpu.memory_space<vmem_shared>> -> memref<1x640xf32, #tpu.memory_space<vmem_shared>>
      %dma_wait3A_305 = tpu.memref_squeeze %dma_wait3A_304 : memref<1x640xf32, #tpu.memory_space<vmem_shared>> -> memref<640xf32, #tpu.memory_space<vmem_shared>>
      tpu.wait_dma2 semaphore(%run_scoped3A_299 : memref<!tpu.dma_semaphore, #tpu.memory_space<semaphore_mem>>) src(%dma_wait3A_305 : memref<640xf32, #tpu.memory_space<vmem_shared>>) dst(%arg10 : memref<640xf32, #tpu.memory_space<vmem>>)
      tpu.yield
    }) : () -> ()
    %scan3A_257 = arith.constant 0 : i32
    %scan3A_258 = arith.constant 0 : i32
    %scan3A_259 = arith.constant 40 : i32
    %scan3A_260 = arith.addi %scan3A_258, %scan3A_259 : i32
    %scan3A_261 = arith.constant 1 : i32
    scf.for %scan3A_299 = %scan3A_258 to %scan3A_260 step %scan3A_261  : i32 {
      %mul3A_300 = arith.constant 16 : i32
      %mul3A_301 = arith.muli %scan3A_299, %mul3A_300 : i32
      %get3A = arith.index_cast %mul3A_301 : i32 to index
      %get3A_302 = tpu.vector_load %arg11[%get3A] {strides = array<i32>} : memref<640xf32, #tpu.memory_space<vmem>>, vector<16xf32>,
      %mul3A_303 = arith.constant 16 : i32
      %mul3A_304 = arith.muli %scan3A_299, %mul3A_303 : i32
      %get3A_305 = arith.index_cast %mul3A_304 : i32 to index
      %get3A_306 = tpu.vector_load %arg10[%get3A_305] {strides = array<i32>} : memref<640xf32, #tpu.memory_space<vmem>>, vector<16xf32>,
      %add3A_307 = arith.addf %get3A_302, %get3A_306 : vector<16xf32>
      %mul3A_308 = arith.constant 16 : i32
      %mul3A_309 = arith.muli %scan3A_299, %mul3A_308 : i32
      %swap3A = arith.index_cast %mul3A_309 : i32 to index
      %swap3A_310 = tpu.vector_load %arg11[%swap3A] {strides = array<i32>} : memref<640xf32, #tpu.memory_space<vmem>>, vector<16xf32>,
      tpu.vector_store %arg11[%swap3A], %add3A_307 {strides = array<i32>} : memref<640xf32, #tpu.memory_space<vmem>>, vector<16xf32>,
    }
    %scan3A_262 = arith.constant 40 : i32
    %mul3A_263 = arith.constant 640 : i32
    %mul3A_264 = arith.muli %arg1, %mul3A_263 : i32
    %run_scoped3A_265 = arith.constant 12 : i32
    "tpu.region"() ({
      %run_scoped3A_299 = tpu.sem_alloc : memref<!tpu.dma_semaphore, #tpu.memory_space<semaphore_mem>>
      %dma_start3A = tpu.memref_slice %arg13[%run_scoped3A_265, %mul3A_264] : memref<16x10240xf32, #tpu.memory_space<vmem_shared>> -> memref<1x640xf32, #tpu.memory_space<vmem_shared>>
      %dma_start3A_300 = tpu.memref_squeeze %dma_start3A : memref<1x640xf32, #tpu.memory_space<vmem_shared>> -> memref<640xf32, #tpu.memory_space<vmem_shared>>
      %dma_start3A_301 = tpu.memref_slice %arg13[%run_scoped3A_265, %mul3A_264] : memref<16x10240xf32, #tpu.memory_space<vmem_shared>> -> memref<1x640xf32, #tpu.memory_space<vmem_shared>>
      %dma_start3A_302 = tpu.memref_squeeze %dma_start3A_301 : memref<1x640xf32, #tpu.memory_space<vmem_shared>> -> memref<640xf32, #tpu.memory_space<vmem_shared>>
      tpu.enqueue_dma source(%dma_start3A_302 : memref<640xf32, #tpu.memory_space<vmem_shared>>) target(%arg10 : memref<640xf32, #tpu.memory_space<vmem>>) target_semaphore(%run_scoped3A_299 : memref<!tpu.dma_semaphore, #tpu.memory_space<semaphore_mem>>)
      %dma_wait3A = tpu.memref_slice %arg13[%run_scoped3A_265, %mul3A_264] : memref<16x10240xf32, #tpu.memory_space<vmem_shared>> -> memref<1x640xf32, #tpu.memory_space<vmem_shared>>
      %dma_wait3A_303 = tpu.memref_squeeze %dma_wait3A : memref<1x640xf32, #tpu.memory_space<vmem_shared>> -> memref<640xf32, #tpu.memory_space<vmem_shared>>
      %dma_wait3A_304 = tpu.memref_slice %arg13[%run_scoped3A_265, %mul3A_264] : memref<16x10240xf32, #tpu.memory_space<vmem_shared>> -> memref<1x640xf32, #tpu.memory_space<vmem_shared>>
      %dma_wait3A_305 = tpu.memref_squeeze %dma_wait3A_304 : memref<1x640xf32, #tpu.memory_space<vmem_shared>> -> memref<640xf32, #tpu.memory_space<vmem_shared>>
      tpu.wait_dma2 semaphore(%run_scoped3A_299 : memref<!tpu.dma_semaphore, #tpu.memory_space<semaphore_mem>>) src(%dma_wait3A_305 : memref<640xf32, #tpu.memory_space<vmem_shared>>) dst(%arg10 : memref<640xf32, #tpu.memory_space<vmem>>)
      tpu.yield
    }) : () -> ()
    %scan3A_266 = arith.constant 0 : i32
    %scan3A_267 = arith.constant 0 : i32
    %scan3A_268 = arith.constant 40 : i32
    %scan3A_269 = arith.addi %scan3A_267, %scan3A_268 : i32
    %scan3A_270 = arith.constant 1 : i32
    scf.for %scan3A_299 = %scan3A_267 to %scan3A_269 step %scan3A_270  : i32 {
      %mul3A_300 = arith.constant 16 : i32
      %mul3A_301 = arith.muli %scan3A_299, %mul3A_300 : i32
      %get3A = arith.index_cast %mul3A_301 : i32 to index
      %get3A_302 = tpu.vector_load %arg11[%get3A] {strides = array<i32>} : memref<640xf32, #tpu.memory_space<vmem>>, vector<16xf32>,
      %mul3A_303 = arith.constant 16 : i32
      %mul3A_304 = arith.muli %scan3A_299, %mul3A_303 : i32
      %get3A_305 = arith.index_cast %mul3A_304 : i32 to index
      %get3A_306 = tpu.vector_load %arg10[%get3A_305] {strides = array<i32>} : memref<640xf32, #tpu.memory_space<vmem>>, vector<16xf32>,
      %add3A_307 = arith.addf %get3A_302, %get3A_306 : vector<16xf32>
      %mul3A_308 = arith.constant 16 : i32
      %mul3A_309 = arith.muli %scan3A_299, %mul3A_308 : i32
      %swap3A = arith.index_cast %mul3A_309 : i32 to index
      %swap3A_310 = tpu.vector_load %arg11[%swap3A] {strides = array<i32>} : memref<640xf32, #tpu.memory_space<vmem>>, vector<16xf32>,
      tpu.vector_store %arg11[%swap3A], %add3A_307 {strides = array<i32>} : memref<640xf32, #tpu.memory_space<vmem>>, vector<16xf32>,
    }
    %scan3A_271 = arith.constant 40 : i32
    %mul3A_272 = arith.constant 640 : i32
    %mul3A_273 = arith.muli %arg1, %mul3A_272 : i32
    %run_scoped3A_274 = arith.constant 13 : i32
    "tpu.region"() ({
      %run_scoped3A_299 = tpu.sem_alloc : memref<!tpu.dma_semaphore, #tpu.memory_space<semaphore_mem>>
      %dma_start3A = tpu.memref_slice %arg13[%run_scoped3A_274, %mul3A_273] : memref<16x10240xf32, #tpu.memory_space<vmem_shared>> -> memref<1x640xf32, #tpu.memory_space<vmem_shared>>
      %dma_start3A_300 = tpu.memref_squeeze %dma_start3A : memref<1x640xf32, #tpu.memory_space<vmem_shared>> -> memref<640xf32, #tpu.memory_space<vmem_shared>>
      %dma_start3A_301 = tpu.memref_slice %arg13[%run_scoped3A_274, %mul3A_273] : memref<16x10240xf32, #tpu.memory_space<vmem_shared>> -> memref<1x640xf32, #tpu.memory_space<vmem_shared>>
      %dma_start3A_302 = tpu.memref_squeeze %dma_start3A_301 : memref<1x640xf32, #tpu.memory_space<vmem_shared>> -> memref<640xf32, #tpu.memory_space<vmem_shared>>
      tpu.enqueue_dma source(%dma_start3A_302 : memref<640xf32, #tpu.memory_space<vmem_shared>>) target(%arg10 : memref<640xf32, #tpu.memory_space<vmem>>) target_semaphore(%run_scoped3A_299 : memref<!tpu.dma_semaphore, #tpu.memory_space<semaphore_mem>>)
      %dma_wait3A = tpu.memref_slice %arg13[%run_scoped3A_274, %mul3A_273] : memref<16x10240xf32, #tpu.memory_space<vmem_shared>> -> memref<1x640xf32, #tpu.memory_space<vmem_shared>>
      %dma_wait3A_303 = tpu.memref_squeeze %dma_wait3A : memref<1x640xf32, #tpu.memory_space<vmem_shared>> -> memref<640xf32, #tpu.memory_space<vmem_shared>>
      %dma_wait3A_304 = tpu.memref_slice %arg13[%run_scoped3A_274, %mul3A_273] : memref<16x10240xf32, #tpu.memory_space<vmem_shared>> -> memref<1x640xf32, #tpu.memory_space<vmem_shared>>
      %dma_wait3A_305 = tpu.memref_squeeze %dma_wait3A_304 : memref<1x640xf32, #tpu.memory_space<vmem_shared>> -> memref<640xf32, #tpu.memory_space<vmem_shared>>
      tpu.wait_dma2 semaphore(%run_scoped3A_299 : memref<!tpu.dma_semaphore, #tpu.memory_space<semaphore_mem>>) src(%dma_wait3A_305 : memref<640xf32, #tpu.memory_space<vmem_shared>>) dst(%arg10 : memref<640xf32, #tpu.memory_space<vmem>>)
      tpu.yield
    }) : () -> ()
    %scan3A_275 = arith.constant 0 : i32
    %scan3A_276 = arith.constant 0 : i32
    %scan3A_277 = arith.constant 40 : i32
    %scan3A_278 = arith.addi %scan3A_276, %scan3A_277 : i32
    %scan3A_279 = arith.constant 1 : i32
    scf.for %scan3A_299 = %scan3A_276 to %scan3A_278 step %scan3A_279  : i32 {
      %mul3A_300 = arith.constant 16 : i32
      %mul3A_301 = arith.muli %scan3A_299, %mul3A_300 : i32
      %get3A = arith.index_cast %mul3A_301 : i32 to index
      %get3A_302 = tpu.vector_load %arg11[%get3A] {strides = array<i32>} : memref<640xf32, #tpu.memory_space<vmem>>, vector<16xf32>,
      %mul3A_303 = arith.constant 16 : i32
      %mul3A_304 = arith.muli %scan3A_299, %mul3A_303 : i32
      %get3A_305 = arith.index_cast %mul3A_304 : i32 to index
      %get3A_306 = tpu.vector_load %arg10[%get3A_305] {strides = array<i32>} : memref<640xf32, #tpu.memory_space<vmem>>, vector<16xf32>,
      %add3A_307 = arith.addf %get3A_302, %get3A_306 : vector<16xf32>
      %mul3A_308 = arith.constant 16 : i32
      %mul3A_309 = arith.muli %scan3A_299, %mul3A_308 : i32
      %swap3A = arith.index_cast %mul3A_309 : i32 to index
      %swap3A_310 = tpu.vector_load %arg11[%swap3A] {strides = array<i32>} : memref<640xf32, #tpu.memory_space<vmem>>, vector<16xf32>,
      tpu.vector_store %arg11[%swap3A], %add3A_307 {strides = array<i32>} : memref<640xf32, #tpu.memory_space<vmem>>, vector<16xf32>,
    }
    %scan3A_280 = arith.constant 40 : i32
    %mul3A_281 = arith.constant 640 : i32
    %mul3A_282 = arith.muli %arg1, %mul3A_281 : i32
    %run_scoped3A_283 = arith.constant 14 : i32
    "tpu.region"() ({
      %run_scoped3A_299 = tpu.sem_alloc : memref<!tpu.dma_semaphore, #tpu.memory_space<semaphore_mem>>
      %dma_start3A = tpu.memref_slice %arg13[%run_scoped3A_283, %mul3A_282] : memref<16x10240xf32, #tpu.memory_space<vmem_shared>> -> memref<1x640xf32, #tpu.memory_space<vmem_shared>>
      %dma_start3A_300 = tpu.memref_squeeze %dma_start3A : memref<1x640xf32, #tpu.memory_space<vmem_shared>> -> memref<640xf32, #tpu.memory_space<vmem_shared>>
      %dma_start3A_301 = tpu.memref_slice %arg13[%run_scoped3A_283, %mul3A_282] : memref<16x10240xf32, #tpu.memory_space<vmem_shared>> -> memref<1x640xf32, #tpu.memory_space<vmem_shared>>
      %dma_start3A_302 = tpu.memref_squeeze %dma_start3A_301 : memref<1x640xf32, #tpu.memory_space<vmem_shared>> -> memref<640xf32, #tpu.memory_space<vmem_shared>>
      tpu.enqueue_dma source(%dma_start3A_302 : memref<640xf32, #tpu.memory_space<vmem_shared>>) target(%arg10 : memref<640xf32, #tpu.memory_space<vmem>>) target_semaphore(%run_scoped3A_299 : memref<!tpu.dma_semaphore, #tpu.memory_space<semaphore_mem>>)
      %dma_wait3A = tpu.memref_slice %arg13[%run_scoped3A_283, %mul3A_282] : memref<16x10240xf32, #tpu.memory_space<vmem_shared>> -> memref<1x640xf32, #tpu.memory_space<vmem_shared>>
      %dma_wait3A_303 = tpu.memref_squeeze %dma_wait3A : memref<1x640xf32, #tpu.memory_space<vmem_shared>> -> memref<640xf32, #tpu.memory_space<vmem_shared>>
      %dma_wait3A_304 = tpu.memref_slice %arg13[%run_scoped3A_283, %mul3A_282] : memref<16x10240xf32, #tpu.memory_space<vmem_shared>> -> memref<1x640xf32, #tpu.memory_space<vmem_shared>>
      %dma_wait3A_305 = tpu.memref_squeeze %dma_wait3A_304 : memref<1x640xf32, #tpu.memory_space<vmem_shared>> -> memref<640xf32, #tpu.memory_space<vmem_shared>>
      tpu.wait_dma2 semaphore(%run_scoped3A_299 : memref<!tpu.dma_semaphore, #tpu.memory_space<semaphore_mem>>) src(%dma_wait3A_305 : memref<640xf32, #tpu.memory_space<vmem_shared>>) dst(%arg10 : memref<640xf32, #tpu.memory_space<vmem>>)
      tpu.yield
    }) : () -> ()
    %scan3A_284 = arith.constant 0 : i32
    %scan3A_285 = arith.constant 0 : i32
    %scan3A_286 = arith.constant 40 : i32
    %scan3A_287 = arith.addi %scan3A_285, %scan3A_286 : i32
    %scan3A_288 = arith.constant 1 : i32
    scf.for %scan3A_299 = %scan3A_285 to %scan3A_287 step %scan3A_288  : i32 {
      %mul3A_300 = arith.constant 16 : i32
      %mul3A_301 = arith.muli %scan3A_299, %mul3A_300 : i32
      %get3A = arith.index_cast %mul3A_301 : i32 to index
      %get3A_302 = tpu.vector_load %arg11[%get3A] {strides = array<i32>} : memref<640xf32, #tpu.memory_space<vmem>>, vector<16xf32>,
      %mul3A_303 = arith.constant 16 : i32
      %mul3A_304 = arith.muli %scan3A_299, %mul3A_303 : i32
      %get3A_305 = arith.index_cast %mul3A_304 : i32 to index
      %get3A_306 = tpu.vector_load %arg10[%get3A_305] {strides = array<i32>} : memref<640xf32, #tpu.memory_space<vmem>>, vector<16xf32>,
      %add3A_307 = arith.addf %get3A_302, %get3A_306 : vector<16xf32>
      %mul3A_308 = arith.constant 16 : i32
      %mul3A_309 = arith.muli %scan3A_299, %mul3A_308 : i32
      %swap3A = arith.index_cast %mul3A_309 : i32 to index
      %swap3A_310 = tpu.vector_load %arg11[%swap3A] {strides = array<i32>} : memref<640xf32, #tpu.memory_space<vmem>>, vector<16xf32>,
      tpu.vector_store %arg11[%swap3A], %add3A_307 {strides = array<i32>} : memref<640xf32, #tpu.memory_space<vmem>>, vector<16xf32>,
    }
    %scan3A_289 = arith.constant 40 : i32
    %mul3A_290 = arith.constant 640 : i32
    %mul3A_291 = arith.muli %arg1, %mul3A_290 : i32
    %run_scoped3A_292 = arith.constant 15 : i32
    "tpu.region"() ({
      %run_scoped3A_299 = tpu.sem_alloc : memref<!tpu.dma_semaphore, #tpu.memory_space<semaphore_mem>>
      %dma_start3A = tpu.memref_slice %arg13[%run_scoped3A_292, %mul3A_291] : memref<16x10240xf32, #tpu.memory_space<vmem_shared>> -> memref<1x640xf32, #tpu.memory_space<vmem_shared>>
      %dma_start3A_300 = tpu.memref_squeeze %dma_start3A : memref<1x640xf32, #tpu.memory_space<vmem_shared>> -> memref<640xf32, #tpu.memory_space<vmem_shared>>
      %dma_start3A_301 = tpu.memref_slice %arg13[%run_scoped3A_292, %mul3A_291] : memref<16x10240xf32, #tpu.memory_space<vmem_shared>> -> memref<1x640xf32, #tpu.memory_space<vmem_shared>>
      %dma_start3A_302 = tpu.memref_squeeze %dma_start3A_301 : memref<1x640xf32, #tpu.memory_space<vmem_shared>> -> memref<640xf32, #tpu.memory_space<vmem_shared>>
      tpu.enqueue_dma source(%dma_start3A_302 : memref<640xf32, #tpu.memory_space<vmem_shared>>) target(%arg10 : memref<640xf32, #tpu.memory_space<vmem>>) target_semaphore(%run_scoped3A_299 : memref<!tpu.dma_semaphore, #tpu.memory_space<semaphore_mem>>)
      %dma_wait3A = tpu.memref_slice %arg13[%run_scoped3A_292, %mul3A_291] : memref<16x10240xf32, #tpu.memory_space<vmem_shared>> -> memref<1x640xf32, #tpu.memory_space<vmem_shared>>
      %dma_wait3A_303 = tpu.memref_squeeze %dma_wait3A : memref<1x640xf32, #tpu.memory_space<vmem_shared>> -> memref<640xf32, #tpu.memory_space<vmem_shared>>
      %dma_wait3A_304 = tpu.memref_slice %arg13[%run_scoped3A_292, %mul3A_291] : memref<16x10240xf32, #tpu.memory_space<vmem_shared>> -> memref<1x640xf32, #tpu.memory_space<vmem_shared>>
      %dma_wait3A_305 = tpu.memref_squeeze %dma_wait3A_304 : memref<1x640xf32, #tpu.memory_space<vmem_shared>> -> memref<640xf32, #tpu.memory_space<vmem_shared>>
      tpu.wait_dma2 semaphore(%run_scoped3A_299 : memref<!tpu.dma_semaphore, #tpu.memory_space<semaphore_mem>>) src(%dma_wait3A_305 : memref<640xf32, #tpu.memory_space<vmem_shared>>) dst(%arg10 : memref<640xf32, #tpu.memory_space<vmem>>)
      tpu.yield
    }) : () -> ()
    %scan3A_293 = arith.constant 0 : i32
    %scan3A_294 = arith.constant 0 : i32
    %scan3A_295 = arith.constant 40 : i32
    %scan3A_296 = arith.addi %scan3A_294, %scan3A_295 : i32
    %scan3A_297 = arith.constant 1 : i32
    scf.for %scan3A_299 = %scan3A_294 to %scan3A_296 step %scan3A_297  : i32 {
      %mul3A_300 = arith.constant 16 : i32
      %mul3A_301 = arith.muli %scan3A_299, %mul3A_300 : i32
      %get3A = arith.index_cast %mul3A_301 : i32 to index
      %get3A_302 = tpu.vector_load %arg11[%get3A] {strides = array<i32>} : memref<640xf32, #tpu.memory_space<vmem>>, vector<16xf32>,
      %mul3A_303 = arith.constant 16 : i32
      %mul3A_304 = arith.muli %scan3A_299, %mul3A_303 : i32
      %get3A_305 = arith.index_cast %mul3A_304 : i32 to index
      %get3A_306 = tpu.vector_load %arg10[%get3A_305] {strides = array<i32>} : memref<640xf32, #tpu.memory_space<vmem>>, vector<16xf32>,
      %add3A_307 = arith.addf %get3A_302, %get3A_306 : vector<16xf32>
      %mul3A_308 = arith.constant 16 : i32
      %mul3A_309 = arith.muli %scan3A_299, %mul3A_308 : i32
      %swap3A = arith.index_cast %mul3A_309 : i32 to index
      %swap3A_310 = tpu.vector_load %arg11[%swap3A] {strides = array<i32>} : memref<640xf32, #tpu.memory_space<vmem>>, vector<16xf32>,
      tpu.vector_store %arg11[%swap3A], %add3A_307 {strides = array<i32>} : memref<640xf32, #tpu.memory_space<vmem>>, vector<16xf32>,
    }
    %scan3A_298 = arith.constant 40 : i32
    "tpu.region"() ({
      %run_scoped3A_299 = tpu.sem_alloc : memref<!tpu.dma_semaphore, #tpu.memory_space<semaphore_mem>>
      %dma_start3A = tpu.memref_slice %arg5[%add3A_23] : memref<20480xf32, #tpu.memory_space<hbm>> -> memref<640xf32, #tpu.memory_space<hbm>>
      %dma_start3A_300 = tpu.memref_slice %arg5[%add3A_23] : memref<20480xf32, #tpu.memory_space<hbm>> -> memref<640xf32, #tpu.memory_space<hbm>>
      tpu.enqueue_dma source(%arg11 : memref<640xf32, #tpu.memory_space<vmem>>) target(%dma_start3A_300 : memref<640xf32, #tpu.memory_space<hbm>>) target_semaphore(%run_scoped3A_299 : memref<!tpu.dma_semaphore, #tpu.memory_space<semaphore_mem>>)
      %dma_wait3A = tpu.memref_slice %arg5[%add3A_23] : memref<20480xf32, #tpu.memory_space<hbm>> -> memref<640xf32, #tpu.memory_space<hbm>>
      %dma_wait3A_301 = tpu.memref_slice %arg5[%add3A_23] : memref<20480xf32, #tpu.memory_space<hbm>> -> memref<640xf32, #tpu.memory_space<hbm>>
      tpu.wait_dma2 semaphore(%run_scoped3A_299 : memref<!tpu.dma_semaphore, #tpu.memory_space<semaphore_mem>>) src(%arg11 : memref<640xf32, #tpu.memory_space<vmem>>) dst(%dma_wait3A_301 : memref<640xf32, #tpu.memory_space<hbm>>)
      tpu.yield
    }) : () -> ()
    return
  }
}

#map = affine_map<(d0, d1) -> (0, 0)>
#map1 = affine_map<(d0, d1) -> (0)>
#map2 = affine_map<(d0, d1) -> (0, 0, 0)>
module attributes {stable_mosaic.version = 14 : i64} {
  func.func @_sc_spmm(%arg0: i32, %arg1: i32, %arg2: memref<10000x128xf32, #tpu.memory_space<hbm>>, %arg3: memref<320000xi32, #tpu.memory_space<hbm>>, %arg4: memref<32x125x80xi32, #tpu.memory_space<hbm>>, %arg5: memref<10240x128xf32, #tpu.memory_space<hbm>>, %arg6: memref<20480x128xf32, #tpu.memory_space<hbm>>, %arg7: memref<10000xi32, #tpu.memory_space<vmem>>, %arg8: memref<125x80xi32, #tpu.memory_space<vmem>>, %arg9: memref<80x128xf32, #tpu.memory_space<vmem>>, %arg10: memref<80x128xf32, #tpu.memory_space<vmem>>, %arg11: memref<10240x128xf32, #tpu.memory_space<vmem_shared>>, %arg12: memref<!tpu.dma_semaphore, #tpu.memory_space<semaphore_mem>>, %arg13: memref<!tpu.dma_semaphore, #tpu.memory_space<semaphore_mem>>) attributes {dimension_semantics = [#tpu.dimension_semantics<core_parallel>, #tpu.dimension_semantics<subcore_parallel>], iteration_bounds = array<i64: 2, 16>, scalar_prefetch = 0 : i64, scratch_operands = 7 : i64, tpu.core_type = #tpu.core_type<sc_vector_subcore>, window_params = [{transform_indices = #map}, {transform_indices = #map1}, {transform_indices = #map2}, {transform_indices = #map}, {transform_indices = #map}]} {
    %mul3A = arith.constant 16 : i32
    %mul3A_0 = arith.muli %arg0, %mul3A : i32
    %add3A = arith.addi %mul3A_0, %arg1 : i32
    %mul3A_1 = arith.constant 640 : i32
    %mul3A_2 = arith.muli %arg1, %mul3A_1 : i32
    %mul3A_3 = arith.constant 640 : i32
    %mul3A_4 = arith.muli %arg1, %mul3A_3 : i32
    "tpu.region"() ({
      %run_scoped3A_28 = tpu.sem_alloc : memref<!tpu.dma_semaphore, #tpu.memory_space<semaphore_mem>>
      %dma_start3A_29 = arith.constant 0 : i32
      %dma_start3A_30 = tpu.memref_slice %arg11[%mul3A_4, %dma_start3A_29] : memref<10240x128xf32, #tpu.memory_space<vmem_shared>> -> memref<640x128xf32, #tpu.memory_space<vmem_shared>>
      %dma_start3A_31 = arith.constant 0 : i32
      %dma_start3A_32 = tpu.memref_slice %arg5[%mul3A_2, %dma_start3A_31] : memref<10240x128xf32, #tpu.memory_space<hbm>> -> memref<640x128xf32, #tpu.memory_space<hbm>>
      tpu.enqueue_dma source(%dma_start3A_32 : memref<640x128xf32, #tpu.memory_space<hbm>>) target(%dma_start3A_30 : memref<640x128xf32, #tpu.memory_space<vmem_shared>>) target_semaphore(%run_scoped3A_28 : memref<!tpu.dma_semaphore, #tpu.memory_space<semaphore_mem>>)
      %dma_wait3A_33 = arith.constant 0 : i32
      %dma_wait3A_34 = tpu.memref_slice %arg11[%mul3A_4, %dma_wait3A_33] : memref<10240x128xf32, #tpu.memory_space<vmem_shared>> -> memref<640x128xf32, #tpu.memory_space<vmem_shared>>
      %dma_wait3A_35 = arith.constant 0 : i32
      %dma_wait3A_36 = tpu.memref_slice %arg5[%mul3A_2, %dma_wait3A_35] : memref<10240x128xf32, #tpu.memory_space<hbm>> -> memref<640x128xf32, #tpu.memory_space<hbm>>
      tpu.wait_dma2 semaphore(%run_scoped3A_28 : memref<!tpu.dma_semaphore, #tpu.memory_space<semaphore_mem>>) src(%dma_wait3A_36 : memref<640x128xf32, #tpu.memory_space<hbm>>) dst(%dma_wait3A_34 : memref<640x128xf32, #tpu.memory_space<vmem_shared>>)
      tpu.yield
    }) : () -> ()
    %mul3A_5 = arith.constant 10000 : i32
    %mul3A_6 = arith.muli %add3A, %mul3A_5 : i32
    "tpu.region"() ({
      %run_scoped3A_28 = tpu.sem_alloc : memref<!tpu.dma_semaphore, #tpu.memory_space<semaphore_mem>>
      %dma_start3A_29 = tpu.memref_slice %arg3[%mul3A_6] : memref<320000xi32, #tpu.memory_space<hbm>> -> memref<10000xi32, #tpu.memory_space<hbm>>
      %dma_start3A_30 = tpu.memref_slice %arg3[%mul3A_6] : memref<320000xi32, #tpu.memory_space<hbm>> -> memref<10000xi32, #tpu.memory_space<hbm>>
      tpu.enqueue_dma source(%dma_start3A_30 : memref<10000xi32, #tpu.memory_space<hbm>>) target(%arg7 : memref<10000xi32, #tpu.memory_space<vmem>>) target_semaphore(%run_scoped3A_28 : memref<!tpu.dma_semaphore, #tpu.memory_space<semaphore_mem>>)
      %dma_wait3A_31 = tpu.memref_slice %arg3[%mul3A_6] : memref<320000xi32, #tpu.memory_space<hbm>> -> memref<10000xi32, #tpu.memory_space<hbm>>
      %dma_wait3A_32 = tpu.memref_slice %arg3[%mul3A_6] : memref<320000xi32, #tpu.memory_space<hbm>> -> memref<10000xi32, #tpu.memory_space<hbm>>
      tpu.wait_dma2 semaphore(%run_scoped3A_28 : memref<!tpu.dma_semaphore, #tpu.memory_space<semaphore_mem>>) src(%dma_wait3A_32 : memref<10000xi32, #tpu.memory_space<hbm>>) dst(%arg7 : memref<10000xi32, #tpu.memory_space<vmem>>)
      tpu.yield
    }) : () -> ()
    "tpu.region"() ({
      %run_scoped3A_28 = tpu.sem_alloc : memref<!tpu.dma_semaphore, #tpu.memory_space<semaphore_mem>>
      %dma_start3A_29 = arith.constant 0 : i32
      %dma_start3A_30 = arith.constant 0 : i32
      %dma_start3A_31 = tpu.memref_slice %arg4[%add3A, %dma_start3A_29, %dma_start3A_30] : memref<32x125x80xi32, #tpu.memory_space<hbm>> -> memref<1x125x80xi32, #tpu.memory_space<hbm>>
      %dma_start3A_32 = tpu.memref_squeeze %dma_start3A_31 : memref<1x125x80xi32, #tpu.memory_space<hbm>> -> memref<125x80xi32, #tpu.memory_space<hbm>>
      %dma_start3A_33 = arith.constant 0 : i32
      %dma_start3A_34 = arith.constant 0 : i32
      %dma_start3A_35 = tpu.memref_slice %arg4[%add3A, %dma_start3A_33, %dma_start3A_34] : memref<32x125x80xi32, #tpu.memory_space<hbm>> -> memref<1x125x80xi32, #tpu.memory_space<hbm>>
      %dma_start3A_36 = tpu.memref_squeeze %dma_start3A_35 : memref<1x125x80xi32, #tpu.memory_space<hbm>> -> memref<125x80xi32, #tpu.memory_space<hbm>>
      tpu.enqueue_dma source(%dma_start3A_36 : memref<125x80xi32, #tpu.memory_space<hbm>>) target(%arg8 : memref<125x80xi32, #tpu.memory_space<vmem>>) target_semaphore(%run_scoped3A_28 : memref<!tpu.dma_semaphore, #tpu.memory_space<semaphore_mem>>)
      %dma_wait3A_37 = arith.constant 0 : i32
      %dma_wait3A_38 = arith.constant 0 : i32
      %dma_wait3A_39 = tpu.memref_slice %arg4[%add3A, %dma_wait3A_37, %dma_wait3A_38] : memref<32x125x80xi32, #tpu.memory_space<hbm>> -> memref<1x125x80xi32, #tpu.memory_space<hbm>>
      %dma_wait3A_40 = tpu.memref_squeeze %dma_wait3A_39 : memref<1x125x80xi32, #tpu.memory_space<hbm>> -> memref<125x80xi32, #tpu.memory_space<hbm>>
      %dma_wait3A_41 = arith.constant 0 : i32
      %dma_wait3A_42 = arith.constant 0 : i32
      %dma_wait3A_43 = tpu.memref_slice %arg4[%add3A, %dma_wait3A_41, %dma_wait3A_42] : memref<32x125x80xi32, #tpu.memory_space<hbm>> -> memref<1x125x80xi32, #tpu.memory_space<hbm>>
      %dma_wait3A_44 = tpu.memref_squeeze %dma_wait3A_43 : memref<1x125x80xi32, #tpu.memory_space<hbm>> -> memref<125x80xi32, #tpu.memory_space<hbm>>
      tpu.wait_dma2 semaphore(%run_scoped3A_28 : memref<!tpu.dma_semaphore, #tpu.memory_space<semaphore_mem>>) src(%dma_wait3A_44 : memref<125x80xi32, #tpu.memory_space<hbm>>) dst(%arg8 : memref<125x80xi32, #tpu.memory_space<vmem>>)
      tpu.yield
    }) : () -> ()
    %barrier3A = arith.constant 0 : index
    tpu.barrier barrier_id(%barrier3A)
    %dma_start3A = arith.constant 0 : i32
    %dma_start3A_7 = tpu.memref_slice %arg7[%dma_start3A] : memref<10000xi32, #tpu.memory_space<vmem>> -> memref<80xi32, #tpu.memory_space<vmem>>
    %dma_start3A_8 = arith.constant 0 : i32
    %dma_start3A_9 = arith.constant 0 : i32
    %dma_start3A_10 = tpu.memref_slice %arg2[%dma_start3A_8, %dma_start3A_9] : memref<10000x128xf32, #tpu.memory_space<hbm>> -> memref<10000x128xf32, #tpu.memory_space<hbm>>
    tpu.enqueue_indirect_dma source(%dma_start3A_10 : memref<10000x128xf32, #tpu.memory_space<hbm>>) target(%arg9 : memref<80x128xf32, #tpu.memory_space<vmem>>) offsets(%dma_start3A_7 : memref<80xi32, #tpu.memory_space<vmem>>) semaphore(%arg12 : memref<!tpu.dma_semaphore, #tpu.memory_space<semaphore_mem>>)
    %scan3A = arith.constant 0 : i32
    %scan3A_11 = arith.constant 0 : i32
    %scan3A_12 = arith.constant 62 : i32
    %scan3A_13 = arith.addi %scan3A_11, %scan3A_12 : i32
    %scan3A_14 = arith.constant 1 : i32
    scf.for %scan3A_28 = %scan3A_11 to %scan3A_13 step %scan3A_14  : i32 {
      %mul3A_29 = arith.constant 2 : i32
      %mul3A_30 = arith.muli %mul3A_29, %scan3A_28 : i32
      %add3A_31 = arith.constant 1 : i32
      %add3A_32 = arith.addi %mul3A_30, %add3A_31 : i32
      %mul3A_33 = arith.constant 80 : i32
      %mul3A_34 = arith.muli %add3A_32, %mul3A_33 : i32
      %dma_start3A_35 = tpu.memref_slice %arg7[%mul3A_34] : memref<10000xi32, #tpu.memory_space<vmem>> -> memref<80xi32, #tpu.memory_space<vmem>>
      %dma_start3A_36 = arith.constant 0 : i32
      %dma_start3A_37 = arith.constant 0 : i32
      %dma_start3A_38 = tpu.memref_slice %arg2[%dma_start3A_36, %dma_start3A_37] : memref<10000x128xf32, #tpu.memory_space<hbm>> -> memref<10000x128xf32, #tpu.memory_space<hbm>>
      tpu.enqueue_indirect_dma source(%dma_start3A_38 : memref<10000x128xf32, #tpu.memory_space<hbm>>) target(%arg10 : memref<80x128xf32, #tpu.memory_space<vmem>>) offsets(%dma_start3A_35 : memref<80xi32, #tpu.memory_space<vmem>>) semaphore(%arg13 : memref<!tpu.dma_semaphore, #tpu.memory_space<semaphore_mem>>)
      %mul3A_39 = arith.constant 80 : i32
      %mul3A_40 = arith.muli %mul3A_30, %mul3A_39 : i32
      %dma_wait3A_41 = tpu.memref_slice %arg7[%mul3A_40] : memref<10000xi32, #tpu.memory_space<vmem>> -> memref<80xi32, #tpu.memory_space<vmem>>
      %dma_wait3A_42 = arith.constant 0 : i32
      %dma_wait3A_43 = arith.constant 0 : i32
      %dma_wait3A_44 = tpu.memref_slice %arg2[%dma_wait3A_42, %dma_wait3A_43] : memref<10000x128xf32, #tpu.memory_space<hbm>> -> memref<10000x128xf32, #tpu.memory_space<hbm>>
      tpu.wait_indirect_dma semaphore(%arg12 : memref<!tpu.dma_semaphore, #tpu.memory_space<semaphore_mem>>) src(%dma_wait3A_44 : memref<10000x128xf32, #tpu.memory_space<hbm>>) dst(%arg9 : memref<80x128xf32, #tpu.memory_space<vmem>>)
      "tpu.region"() ({
        %run_scoped3A_59 = tpu.sem_alloc : memref<!tpu.dma_semaphore, #tpu.memory_space<semaphore_mem>>
        %dma_start3A_60 = arith.constant 0 : i32
        %dma_start3A_61 = tpu.memref_slice %arg8[%mul3A_30, %dma_start3A_60] : memref<125x80xi32, #tpu.memory_space<vmem>> -> memref<1x80xi32, #tpu.memory_space<vmem>>
        %dma_start3A_62 = tpu.memref_squeeze %dma_start3A_61 : memref<1x80xi32, #tpu.memory_space<vmem>> -> memref<80xi32, #tpu.memory_space<vmem>>
        %dma_start3A_63 = arith.constant 0 : i32
        %dma_start3A_64 = arith.constant 0 : i32
        %dma_start3A_65 = tpu.memref_slice %arg11[%dma_start3A_63, %dma_start3A_64] : memref<10240x128xf32, #tpu.memory_space<vmem_shared>> -> memref<10240x128xf32, #tpu.memory_space<vmem_shared>>
        tpu.enqueue_indirect_dma source(%arg9 : memref<80x128xf32, #tpu.memory_space<vmem>>) target(%dma_start3A_65 : memref<10240x128xf32, #tpu.memory_space<vmem_shared>>) offsets(%dma_start3A_62 : memref<80xi32, #tpu.memory_space<vmem>>) semaphore(%run_scoped3A_59 : memref<!tpu.dma_semaphore, #tpu.memory_space<semaphore_mem>>) {add = true}
        %dma_wait3A_66 = arith.constant 0 : i32
        %dma_wait3A_67 = tpu.memref_slice %arg8[%mul3A_30, %dma_wait3A_66] : memref<125x80xi32, #tpu.memory_space<vmem>> -> memref<1x80xi32, #tpu.memory_space<vmem>>
        %dma_wait3A_68 = tpu.memref_squeeze %dma_wait3A_67 : memref<1x80xi32, #tpu.memory_space<vmem>> -> memref<80xi32, #tpu.memory_space<vmem>>
        %dma_wait3A_69 = arith.constant 0 : i32
        %dma_wait3A_70 = arith.constant 0 : i32
        %dma_wait3A_71 = tpu.memref_slice %arg11[%dma_wait3A_69, %dma_wait3A_70] : memref<10240x128xf32, #tpu.memory_space<vmem_shared>> -> memref<10240x128xf32, #tpu.memory_space<vmem_shared>>
        tpu.wait_indirect_dma semaphore(%run_scoped3A_59 : memref<!tpu.dma_semaphore, #tpu.memory_space<semaphore_mem>>) src(%arg9 : memref<80x128xf32, #tpu.memory_space<vmem>>) dst(%dma_wait3A_71 : memref<10240x128xf32, #tpu.memory_space<vmem_shared>>)
        tpu.yield
      }) : () -> ()
      %add3A_45 = arith.constant 2 : i32
      %add3A_46 = arith.addi %mul3A_30, %add3A_45 : i32
      %lt3A = arith.constant 125 : i32
      %lt3A_47 = arith.cmpi slt, %add3A_46, %lt3A : i32
      %convert_element_type3A = arith.extui %lt3A_47 : i1 to i32
      %cond3A = arith.constant 0 : i32
      %cond3A_48 = arith.cmpi ne, %convert_element_type3A, %cond3A : i32
      scf.if %cond3A_48 {
        %add3A_59 = arith.constant 2 : i32
        %add3A_60 = arith.addi %mul3A_30, %add3A_59 : i32
        %mul3A_61 = arith.constant 80 : i32
        %mul3A_62 = arith.muli %add3A_60, %mul3A_61 : i32
        %dma_start3A_63 = tpu.memref_slice %arg7[%mul3A_62] : memref<10000xi32, #tpu.memory_space<vmem>> -> memref<80xi32, #tpu.memory_space<vmem>>
        %dma_start3A_64 = arith.constant 0 : i32
        %dma_start3A_65 = arith.constant 0 : i32
        %dma_start3A_66 = tpu.memref_slice %arg2[%dma_start3A_64, %dma_start3A_65] : memref<10000x128xf32, #tpu.memory_space<hbm>> -> memref<10000x128xf32, #tpu.memory_space<hbm>>
        tpu.enqueue_indirect_dma source(%dma_start3A_66 : memref<10000x128xf32, #tpu.memory_space<hbm>>) target(%arg9 : memref<80x128xf32, #tpu.memory_space<vmem>>) offsets(%dma_start3A_63 : memref<80xi32, #tpu.memory_space<vmem>>) semaphore(%arg12 : memref<!tpu.dma_semaphore, #tpu.memory_space<semaphore_mem>>)
      } else {
      }
      %add3A_49 = arith.constant 1 : i32
      %add3A_50 = arith.addi %mul3A_30, %add3A_49 : i32
      %mul3A_51 = arith.constant 80 : i32
      %mul3A_52 = arith.muli %add3A_50, %mul3A_51 : i32
      %dma_wait3A_53 = tpu.memref_slice %arg7[%mul3A_52] : memref<10000xi32, #tpu.memory_space<vmem>> -> memref<80xi32, #tpu.memory_space<vmem>>
      %dma_wait3A_54 = arith.constant 0 : i32
      %dma_wait3A_55 = arith.constant 0 : i32
      %dma_wait3A_56 = tpu.memref_slice %arg2[%dma_wait3A_54, %dma_wait3A_55] : memref<10000x128xf32, #tpu.memory_space<hbm>> -> memref<10000x128xf32, #tpu.memory_space<hbm>>
      tpu.wait_indirect_dma semaphore(%arg13 : memref<!tpu.dma_semaphore, #tpu.memory_space<semaphore_mem>>) src(%dma_wait3A_56 : memref<10000x128xf32, #tpu.memory_space<hbm>>) dst(%arg10 : memref<80x128xf32, #tpu.memory_space<vmem>>)
      %add3A_57 = arith.constant 1 : i32
      %add3A_58 = arith.addi %mul3A_30, %add3A_57 : i32
      "tpu.region"() ({
        %run_scoped3A_59 = tpu.sem_alloc : memref<!tpu.dma_semaphore, #tpu.memory_space<semaphore_mem>>
        %dma_start3A_60 = arith.constant 0 : i32
        %dma_start3A_61 = tpu.memref_slice %arg8[%add3A_58, %dma_start3A_60] : memref<125x80xi32, #tpu.memory_space<vmem>> -> memref<1x80xi32, #tpu.memory_space<vmem>>
        %dma_start3A_62 = tpu.memref_squeeze %dma_start3A_61 : memref<1x80xi32, #tpu.memory_space<vmem>> -> memref<80xi32, #tpu.memory_space<vmem>>
        %dma_start3A_63 = arith.constant 0 : i32
        %dma_start3A_64 = arith.constant 0 : i32
        %dma_start3A_65 = tpu.memref_slice %arg11[%dma_start3A_63, %dma_start3A_64] : memref<10240x128xf32, #tpu.memory_space<vmem_shared>> -> memref<10240x128xf32, #tpu.memory_space<vmem_shared>>
        tpu.enqueue_indirect_dma source(%arg10 : memref<80x128xf32, #tpu.memory_space<vmem>>) target(%dma_start3A_65 : memref<10240x128xf32, #tpu.memory_space<vmem_shared>>) offsets(%dma_start3A_62 : memref<80xi32, #tpu.memory_space<vmem>>) semaphore(%run_scoped3A_59 : memref<!tpu.dma_semaphore, #tpu.memory_space<semaphore_mem>>) {add = true}
        %dma_wait3A_66 = arith.constant 0 : i32
        %dma_wait3A_67 = tpu.memref_slice %arg8[%add3A_58, %dma_wait3A_66] : memref<125x80xi32, #tpu.memory_space<vmem>> -> memref<1x80xi32, #tpu.memory_space<vmem>>
        %dma_wait3A_68 = tpu.memref_squeeze %dma_wait3A_67 : memref<1x80xi32, #tpu.memory_space<vmem>> -> memref<80xi32, #tpu.memory_space<vmem>>
        %dma_wait3A_69 = arith.constant 0 : i32
        %dma_wait3A_70 = arith.constant 0 : i32
        %dma_wait3A_71 = tpu.memref_slice %arg11[%dma_wait3A_69, %dma_wait3A_70] : memref<10240x128xf32, #tpu.memory_space<vmem_shared>> -> memref<10240x128xf32, #tpu.memory_space<vmem_shared>>
        tpu.wait_indirect_dma semaphore(%run_scoped3A_59 : memref<!tpu.dma_semaphore, #tpu.memory_space<semaphore_mem>>) src(%arg10 : memref<80x128xf32, #tpu.memory_space<vmem>>) dst(%dma_wait3A_71 : memref<10240x128xf32, #tpu.memory_space<vmem_shared>>)
        tpu.yield
      }) : () -> ()
    }
    %scan3A_15 = arith.constant 62 : i32
    %dma_wait3A = arith.constant 9920 : i32
    %dma_wait3A_16 = tpu.memref_slice %arg7[%dma_wait3A] : memref<10000xi32, #tpu.memory_space<vmem>> -> memref<80xi32, #tpu.memory_space<vmem>>
    %dma_wait3A_17 = arith.constant 0 : i32
    %dma_wait3A_18 = arith.constant 0 : i32
    %dma_wait3A_19 = tpu.memref_slice %arg2[%dma_wait3A_17, %dma_wait3A_18] : memref<10000x128xf32, #tpu.memory_space<hbm>> -> memref<10000x128xf32, #tpu.memory_space<hbm>>
    tpu.wait_indirect_dma semaphore(%arg12 : memref<!tpu.dma_semaphore, #tpu.memory_space<semaphore_mem>>) src(%dma_wait3A_19 : memref<10000x128xf32, #tpu.memory_space<hbm>>) dst(%arg9 : memref<80x128xf32, #tpu.memory_space<vmem>>)
    %run_scoped3A = arith.constant 124 : i32
    "tpu.region"() ({
      %run_scoped3A_28 = tpu.sem_alloc : memref<!tpu.dma_semaphore, #tpu.memory_space<semaphore_mem>>
      %dma_start3A_29 = arith.constant 0 : i32
      %dma_start3A_30 = tpu.memref_slice %arg8[%run_scoped3A, %dma_start3A_29] : memref<125x80xi32, #tpu.memory_space<vmem>> -> memref<1x80xi32, #tpu.memory_space<vmem>>
      %dma_start3A_31 = tpu.memref_squeeze %dma_start3A_30 : memref<1x80xi32, #tpu.memory_space<vmem>> -> memref<80xi32, #tpu.memory_space<vmem>>
      %dma_start3A_32 = arith.constant 0 : i32
      %dma_start3A_33 = arith.constant 0 : i32
      %dma_start3A_34 = tpu.memref_slice %arg11[%dma_start3A_32, %dma_start3A_33] : memref<10240x128xf32, #tpu.memory_space<vmem_shared>> -> memref<10240x128xf32, #tpu.memory_space<vmem_shared>>
      tpu.enqueue_indirect_dma source(%arg9 : memref<80x128xf32, #tpu.memory_space<vmem>>) target(%dma_start3A_34 : memref<10240x128xf32, #tpu.memory_space<vmem_shared>>) offsets(%dma_start3A_31 : memref<80xi32, #tpu.memory_space<vmem>>) semaphore(%run_scoped3A_28 : memref<!tpu.dma_semaphore, #tpu.memory_space<semaphore_mem>>) {add = true}
      %dma_wait3A_35 = arith.constant 0 : i32
      %dma_wait3A_36 = tpu.memref_slice %arg8[%run_scoped3A, %dma_wait3A_35] : memref<125x80xi32, #tpu.memory_space<vmem>> -> memref<1x80xi32, #tpu.memory_space<vmem>>
      %dma_wait3A_37 = tpu.memref_squeeze %dma_wait3A_36 : memref<1x80xi32, #tpu.memory_space<vmem>> -> memref<80xi32, #tpu.memory_space<vmem>>
      %dma_wait3A_38 = arith.constant 0 : i32
      %dma_wait3A_39 = arith.constant 0 : i32
      %dma_wait3A_40 = tpu.memref_slice %arg11[%dma_wait3A_38, %dma_wait3A_39] : memref<10240x128xf32, #tpu.memory_space<vmem_shared>> -> memref<10240x128xf32, #tpu.memory_space<vmem_shared>>
      tpu.wait_indirect_dma semaphore(%run_scoped3A_28 : memref<!tpu.dma_semaphore, #tpu.memory_space<semaphore_mem>>) src(%arg9 : memref<80x128xf32, #tpu.memory_space<vmem>>) dst(%dma_wait3A_40 : memref<10240x128xf32, #tpu.memory_space<vmem_shared>>)
      tpu.yield
    }) : () -> ()
    %barrier3A_20 = arith.constant 0 : index
    tpu.barrier barrier_id(%barrier3A_20)
    %mul3A_21 = arith.constant 10240 : i32
    %mul3A_22 = arith.muli %arg0, %mul3A_21 : i32
    %mul3A_23 = arith.constant 640 : i32
    %mul3A_24 = arith.muli %arg1, %mul3A_23 : i32
    %add3A_25 = arith.addi %mul3A_22, %mul3A_24 : i32
    %mul3A_26 = arith.constant 640 : i32
    %mul3A_27 = arith.muli %arg1, %mul3A_26 : i32
    "tpu.region"() ({
      %run_scoped3A_28 = tpu.sem_alloc : memref<!tpu.dma_semaphore, #tpu.memory_space<semaphore_mem>>
      %dma_start3A_29 = arith.constant 0 : i32
      %dma_start3A_30 = tpu.memref_slice %arg6[%add3A_25, %dma_start3A_29] : memref<20480x128xf32, #tpu.memory_space<hbm>> -> memref<640x128xf32, #tpu.memory_space<hbm>>
      %dma_start3A_31 = arith.constant 0 : i32
      %dma_start3A_32 = tpu.memref_slice %arg11[%mul3A_27, %dma_start3A_31] : memref<10240x128xf32, #tpu.memory_space<vmem_shared>> -> memref<640x128xf32, #tpu.memory_space<vmem_shared>>
      tpu.enqueue_dma source(%dma_start3A_32 : memref<640x128xf32, #tpu.memory_space<vmem_shared>>) target(%dma_start3A_30 : memref<640x128xf32, #tpu.memory_space<hbm>>) target_semaphore(%run_scoped3A_28 : memref<!tpu.dma_semaphore, #tpu.memory_space<semaphore_mem>>)
      %dma_wait3A_33 = arith.constant 0 : i32
      %dma_wait3A_34 = tpu.memref_slice %arg6[%add3A_25, %dma_wait3A_33] : memref<20480x128xf32, #tpu.memory_space<hbm>> -> memref<640x128xf32, #tpu.memory_space<hbm>>
      %dma_wait3A_35 = arith.constant 0 : i32
      %dma_wait3A_36 = tpu.memref_slice %arg11[%mul3A_27, %dma_wait3A_35] : memref<10240x128xf32, #tpu.memory_space<vmem_shared>> -> memref<640x128xf32, #tpu.memory_space<vmem_shared>>
      tpu.wait_dma2 semaphore(%run_scoped3A_28 : memref<!tpu.dma_semaphore, #tpu.memory_space<semaphore_mem>>) src(%dma_wait3A_36 : memref<640x128xf32, #tpu.memory_space<vmem_shared>>) dst(%dma_wait3A_34 : memref<640x128xf32, #tpu.memory_space<hbm>>)
      tpu.yield
    }) : () -> ()
    return
  }
}

module attributes {stable_mosaic.version = 14 : i64} {
  func.func @_tc_prescale_body(%arg0: i32, %arg1: memref<1000x128xf32, #tpu.memory_space<vmem>>, %arg2: memref<1000x1xf32, #tpu.memory_space<vmem>>, %arg3: memref<1000x1xf32, #tpu.memory_space<vmem>>, %arg4: memref<1000x128xf32, #tpu.memory_space<vmem>>) attributes {dimension_semantics = [#tpu.dimension_semantics<arbitrary>], iteration_bounds = array<i64: 10>, scalar_prefetch = 0 : i64, scratch_operands = 0 : i64, tpu.core_type = #tpu.core_type<tc>, window_params = [{transform_indices = @transform_0, window_bounds = array<i64: 1000, 128>}, {transform_indices = @transform_1, window_bounds = array<i64: 1000, 1>}, {transform_indices = @transform_2, window_bounds = array<i64: 1000, 1>}, {transform_indices = @transform_3, window_bounds = array<i64: 1000, 128>}]} {
    %get3A = arith.constant 0 : index
    %get3A_0 = arith.constant 0 : index
    %get3A_1 = vector.load %arg2[%get3A, %get3A_0] : memref<1000x1xf32, #tpu.memory_space<vmem>>, vector<1000x1xf32>
    %get3A_2 = arith.constant 0 : index
    %get3A_3 = arith.constant 0 : index
    %get3A_4 = vector.load %arg3[%get3A_2, %get3A_3] : memref<1000x1xf32, #tpu.memory_space<vmem>>, vector<1000x1xf32>
    %add3A = arith.addf %get3A_1, %get3A_4 : vector<1000x1xf32>
    %max3A = arith.constant 1.000000e+00 : f32
    %max3A_5 = vector.broadcast %max3A : f32 to vector<1000x1xf32>
    %max3A_6 = arith.maximumf %add3A, %max3A_5 : vector<1000x1xf32>
    %rsqrt3A = math.rsqrt %max3A_6 : vector<1000x1xf32>
    %get3A_7 = arith.constant 0 : index
    %get3A_8 = arith.constant 0 : index
    %get3A_9 = vector.load %arg1[%get3A_7, %get3A_8] : memref<1000x128xf32, #tpu.memory_space<vmem>>, vector<1000x128xf32>
    %mul3A = vector.broadcast %rsqrt3A : vector<1000x1xf32> to vector<1000x128xf32>
    %mul3A_10 = arith.mulf %get3A_9, %mul3A : vector<1000x128xf32>
    %swap3A = arith.constant 0 : index
    %swap3A_11 = arith.constant 0 : index
    %swap3A_12 = vector.load %arg4[%swap3A, %swap3A_11] : memref<1000x128xf32, #tpu.memory_space<vmem>>, vector<1000x128xf32>
    tpu.vector_store %arg4[%swap3A, %swap3A_11], %mul3A_10 {strides = array<i32>} : memref<1000x128xf32, #tpu.memory_space<vmem>>, vector<1000x128xf32>,
    return
  }
  func.func @transform_0(%arg0: i32) -> (i32, i32) {
    %c0_i32 = arith.constant 0 : i32
    %c0_i32_0 = arith.constant 0 : i32
    return %arg0, %c0_i32 : i32, i32
  }
  func.func @transform_1(%arg0: i32) -> (i32, i32) {
    %c0_i32 = arith.constant 0 : i32
    %c0_i32_0 = arith.constant 0 : i32
    return %arg0, %c0_i32 : i32, i32
  }
  func.func @transform_2(%arg0: i32) -> (i32, i32) {
    %c0_i32 = arith.constant 0 : i32
    %c0_i32_0 = arith.constant 0 : i32
    return %arg0, %c0_i32 : i32, i32
  }
  func.func @transform_3(%arg0: i32) -> (i32, i32) {
    %c0_i32 = arith.constant 0 : i32
    %c0_i32_0 = arith.constant 0 : i32
    return %arg0, %c0_i32 : i32, i32
  }
}

module attributes {stable_mosaic.version = 14 : i64} {
  func.func @_tc_finish_body(%arg0: i32, %arg1: memref<1000x128xf32, #tpu.memory_space<vmem>>, %arg2: memref<1000x128xf32, #tpu.memory_space<vmem>>, %arg3: memref<1000x1xf32, #tpu.memory_space<vmem>>, %arg4: memref<1000x1xf32, #tpu.memory_space<vmem>>, %arg5: memref<128x128xf32, #tpu.memory_space<vmem>>, %arg6: memref<1000x128xf32, #tpu.memory_space<vmem>>) attributes {dimension_semantics = [#tpu.dimension_semantics<arbitrary>], iteration_bounds = array<i64: 10>, scalar_prefetch = 0 : i64, scratch_operands = 0 : i64, tpu.core_type = #tpu.core_type<tc>, window_params = [{transform_indices = @transform_0, window_bounds = array<i64: 1000, 128>}, {transform_indices = @transform_1, window_bounds = array<i64: 1000, 128>}, {transform_indices = @transform_2, window_bounds = array<i64: 1000, 1>}, {transform_indices = @transform_3, window_bounds = array<i64: 1000, 1>}, {pipeline_mode = #tpu.pipeline_mode<synchronous>, transform_indices = @transform_4, window_bounds = array<i64: 128, 128>}, {transform_indices = @transform_5, window_bounds = array<i64: 1000, 128>}]} {
    %get3A = arith.constant 0 : index
    %get3A_0 = arith.constant 0 : index
    %get3A_1 = vector.load %arg3[%get3A, %get3A_0] : memref<1000x1xf32, #tpu.memory_space<vmem>>, vector<1000x1xf32>
    %get3A_2 = arith.constant 0 : index
    %get3A_3 = arith.constant 0 : index
    %get3A_4 = vector.load %arg4[%get3A_2, %get3A_3] : memref<1000x1xf32, #tpu.memory_space<vmem>>, vector<1000x1xf32>
    %add3A = arith.addf %get3A_1, %get3A_4 : vector<1000x1xf32>
    %max3A = arith.constant 1.000000e+00 : f32
    %max3A_5 = vector.broadcast %max3A : f32 to vector<1000x1xf32>
    %max3A_6 = arith.maximumf %add3A, %max3A_5 : vector<1000x1xf32>
    %rsqrt3A = math.rsqrt %max3A_6 : vector<1000x1xf32>
    %get3A_7 = arith.constant 0 : index
    %get3A_8 = arith.constant 0 : index
    %get3A_9 = vector.load %arg1[%get3A_7, %get3A_8] : memref<1000x128xf32, #tpu.memory_space<vmem>>, vector<1000x128xf32>
    %get3A_10 = arith.constant 0 : index
    %get3A_11 = arith.constant 0 : index
    %get3A_12 = vector.load %arg2[%get3A_10, %get3A_11] : memref<1000x128xf32, #tpu.memory_space<vmem>>, vector<1000x128xf32>
    %add3A_13 = arith.addf %get3A_9, %get3A_12 : vector<1000x128xf32>
    %mul3A = vector.broadcast %rsqrt3A : vector<1000x1xf32> to vector<1000x128xf32>
    %mul3A_14 = arith.mulf %add3A_13, %mul3A : vector<1000x128xf32>
    %get3A_15 = arith.constant 0 : index
    %get3A_16 = arith.constant 0 : index
    %get3A_17 = vector.load %arg5[%get3A_15, %get3A_16] : memref<128x128xf32, #tpu.memory_space<vmem>>, vector<128x128xf32>
    %dot_general3A = arith.constant dense<0.000000e+00> : vector<1000x128xf32>
    %dot_general3A_18 = tpu.matmul %mul3A_14, %get3A_17, %dot_general3A {dimension_numbers = #tpu.dot_dimension_numbers<[1], [0], [0], [1], [0, 0, 1, 1], [], []>, transpose_lhs_hint = false} : vector<1000x128xf32>, vector<128x128xf32>, vector<1000x128xf32> -> vector<1000x128xf32>
    %tanh3A = math.tanh %dot_general3A_18 : vector<1000x128xf32>
    %swap3A = arith.constant 0 : index
    %swap3A_19 = arith.constant 0 : index
    %swap3A_20 = vector.load %arg6[%swap3A, %swap3A_19] : memref<1000x128xf32, #tpu.memory_space<vmem>>, vector<1000x128xf32>
    tpu.vector_store %arg6[%swap3A, %swap3A_19], %tanh3A {strides = array<i32>} : memref<1000x128xf32, #tpu.memory_space<vmem>>, vector<1000x128xf32>,
    return
  }
  func.func @transform_0(%arg0: i32) -> (i32, i32) {
    %c0_i32 = arith.constant 0 : i32
    %c0_i32_0 = arith.constant 0 : i32
    return %arg0, %c0_i32 : i32, i32
  }
  func.func @transform_1(%arg0: i32) -> (i32, i32) {
    %c0_i32 = arith.constant 0 : i32
    %c0_i32_0 = arith.constant 0 : i32
    return %arg0, %c0_i32 : i32, i32
  }
  func.func @transform_2(%arg0: i32) -> (i32, i32) {
    %c0_i32 = arith.constant 0 : i32
    %c0_i32_0 = arith.constant 0 : i32
    return %arg0, %c0_i32 : i32, i32
  }
  func.func @transform_3(%arg0: i32) -> (i32, i32) {
    %c0_i32 = arith.constant 0 : i32
    %c0_i32_0 = arith.constant 0 : i32
    return %arg0, %c0_i32 : i32, i32
  }
  func.func @transform_4(%arg0: i32) -> (i32, i32) {
    %c0_i32 = arith.constant 0 : i32
    %c0_i32_0 = arith.constant 0 : i32
    %c0_i32_1 = arith.constant 0 : i32
    return %c0_i32, %c0_i32_0 : i32, i32
  }
  func.func @transform_5(%arg0: i32) -> (i32, i32) {
    %c0_i32 = arith.constant 0 : i32
    %c0_i32_0 = arith.constant 0 : i32
    return %arg0, %c0_i32 : i32, i32
  }
}

</mosaic_0001>

<sc_bundles>
// kernel: kernel.6.cloned.1.call-start
scs
__scs_entry_jumppad:
0x0: {  	(pc) =	sbr.rel $0x88, $3  }
0x1: {  	(tag) =	ssettag $0x0;
	lr =	simm.s32 $0x1  }
0x2: {  	[smem:$0x3F9E] =	sst lr;
	_ =	strace $0xD0000000  }
0x3: {  	_ = 	snop  }
0x4: {  	_ = 	snop  }
0x5: {  	_ = 	snop  }
0x6: {  	_ = 	snop  }
0x7: {  	_ = 	snop  }
__scs_overlays_trampoline_lowered:
0x8: {  	[smem:$0x3FAD] =	sst s0  }
0x9: {  	[smem:$0x3FAE] =	sst s1  }
0xa: {  	[smem:$0x3FAF] =	sst s2  }
0xb: {  	[smem:$0x3FB0] =	sst s3  }
0xc: {  	[smem:$0x3FB1] =	sst s4  }
0xd: {  	[smem:$0x3FB2] =	sst s5  }
0xe: {  	[smem:$0x3FB3] =	sst s6  }
0xf: {  	[smem:$0x3FB4] =	sst s7  }
0x10: {  	[smem:$0x3FB5] =	sst s8  }
0x11: {  	[smem:$0x3FB6] =	sst s9;
	s0 =	simm.s32 @!p0 $0x0  }
0x12: {  	s1 =	sld [smem:$0x3F9C];
	s0 =	simm.s32 @p0 $0x1  }
0x13: {  	[smem:$0x3FB7] =	sst s0;
	s0 =	simm.s32 @!p1 $0x0  }
0x14: {  	s2 =	sld [smem:$0x3F9B];
	s0 =	simm.s32 @p1 $0x1  }
0x15: {  	[smem:$0x3FB8] =	sst s0;
	s0 =	simm.s32 @!p2 $0x0  }
0x16: {  	s3 =	sld [smem:$0x3FDB];
	s0 =	simm.s32 @p2 $0x1  }
0x17: {  	s4 =	simm.s32 $0x1BF5;
	[smem:$0x3FBA] =	sst s0  }
0x18: {  	s0 =	sld [smem:$0x3F9D];
	_ =	swait.ge [sflag:s4], $0x0  }
0x19: {  	s7 =	sld [smem:$0x3F9E]  }
0x1a: {  	s8 =	sadd.s32 $0xFFFFE003, lr  }
0x1b: {  	s9 =	sadd.s32 $0xFFFFFEF7, lr;
	s5 =	simm.s32 $0xFFFFFFFF;
	p2 =	slt.u32 s8, $0xFFFFF086  }
0x1c: {  	p1 =	slt.u32 s9, $0xF7A;
	s5 =	simm.s32 @!p2 $0x0  }
0x1d: {  	s5 =	simm.s32 @p1 $0x1;
	p0 =	seq.s32 s7, s2  }
0x1e: {  	s7 =	smul.u32 @!p0 $0xF7A, s2;
	p2 =	seq.s32 @!p0 s5, $0x0  }
0x1f: {  	s9 =	smul.u32 $0xF7A, s1;
	s8 =	simm.s32 @!p0 $0x1BF5;
	p2 =	por !p2, p0  }
0x20: {  	[sflag:s8] =	ssyncset.s32 @!p0 $0xFFFFF086;
	s6 =	sadd.s32 @!p0 s3, s7;
	s7 =	simm.s32 @!p0 $0x108  }
0x21: {  	s3 =	sadd.s32 s3, s9;
	s6 =	sadd.s32 @!p0 $0x88, s6;
	s7 =	simm.s32 @p2 $0x1082  }
0x22: {  	[simem:s7], [sflag:s8] =	dma.local @!p0 [hbm:s6], $0xF7A  }
0x23: {  	s9 =	sor.u32 $0xD0000000, s2;
	s6 =	simm.s32 $0x108;
	_ =	swait.ge @!p0 [sflag:s8], $0x0  }
0x24: {  	s3 =	sadd.s32 $0x88, s3;
	s6 =	simm.s32 @!p1 $0x1082;
	[sflag:s4] =	ssyncset.s32 $0xFFFFF086  }
0x25: {  	[simem:s6], [sflag:s4] =	dma.local [hbm:s3], $0xF7A  }
0x26: {  	[smem:$0x3F9E] =	sst s1;
	(tag) =	ssettag s2;
	_ =	strace s9  }
0x27: {  	s1 =	sld [smem:$0x3FAE]  }
0x28: {  	s2 =	sld [smem:$0x3FAF]  }
0x29: {  	s4 =	sld [smem:$0x3FB1]  }
0x2a: {  	p0 =	seq.s32 s5, $0x0;
	s5 =	sld [smem:$0x3FB2]  }
0x2b: {  	s6 =	sld [smem:$0x3FB3]  }
0x2c: {  	s7 =	sld [smem:$0x3FB4]  }
0x2d: {  	s3 =	simm.s32 $0x108;
	s8 =	sld [smem:$0x3FB5]  }
0x2e: {  	s3 =	simm.s32 @!p0 $0x1082;
	s9 =	sld [smem:$0x3FB6]  }
0x2f: {  	lr =	sadd.s32 s0, s3;
	s0 =	sld [smem:$0x3FAD]  }
0x30: {  	s3 =	sld [smem:$0x3FB0]  }
0x31: {  	[smem:$0x3FB9] =	sst s10  }
0x32: {  	s10 =	sld [smem:$0x3FB7];
	_ =	sdelay $0x3  }
0x33: {  	p0 =	seq.s32 s10, $0x1;
	s10 =	sld [smem:$0x3FB9];
	_ =	sdelay $0x3  }
0x34: {  	[smem:$0x3FB9] =	sst s10  }
0x35: {  	s10 =	sld [smem:$0x3FB8];
	_ =	sdelay $0x3  }
0x36: {  	p1 =	seq.s32 s10, $0x1;
	s10 =	sld [smem:$0x3FB9];
	_ =	sdelay $0x3  }
0x37: {  	[smem:$0x3FB9] =	sst s10  }
0x38: {  	s10 =	sld [smem:$0x3FBA]  }
0x39: {  	_ = 	snop;
	(pc) =	sbr.ind lr, $3  }
0x3a: {  	_ = 	snop  }
0x3b: {  	_ = 	snop  }
0x3c: {  	p2 =	seq.s32 s10, $0x1;
	s10 =	sld [smem:$0x3FB9]  }
0x3d: {  	_ =	shalt  }
0x3e: {  	_ =	shalt  }
0x3f: {  	_ =	shalt  }
0x40: {  	_ =	shalt  }
0x41: {  	_ =	shalt  }
0x42: {  	_ =	shalt  }
0x43: {  	_ =	shalt  }
0x44: {  	_ =	shalt  }
0x45: {  	_ =	shalt  }
0x46: {  	_ =	shalt  }
0x47: {  	_ =	shalt  }
0x48: {  	_ =	shalt  }
0x49: {  	_ =	shalt  }
0x4a: {  	_ =	shalt  }
0x4b: {  	_ =	shalt  }
0x4c: {  	_ =	shalt  }
0x4d: {  	_ =	shalt  }
0x4e: {  	_ =	shalt  }
0x4f: {  	_ =	shalt  }
0x50: {  	_ =	shalt  }
0x51: {  	_ =	shalt  }
0x52: {  	_ =	shalt  }
0x53: {  	_ =	shalt  }
0x54: {  	_ =	shalt  }
0x55: {  	_ =	shalt  }
0x56: {  	_ =	shalt  }
0x57: {  	_ =	shalt  }
0x58: {  	_ =	shalt  }
0x59: {  	_ =	shalt  }
0x5a: {  	_ =	shalt  }
0x5b: {  	_ =	shalt  }
0x5c: {  	_ =	shalt  }
0x5d: {  	_ =	shalt  }
0x5e: {  	_ =	shalt  }
0x5f: {  	_ =	shalt  }
0x60: {  	_ =	shalt  }
0x61: {  	_ =	shalt  }
0x62: {  	_ =	shalt  }
0x63: {  	_ =	shalt  }
0x64: {  	_ =	shalt  }
0x65: {  	_ =	shalt  }
0x66: {  	_ =	shalt  }
0x67: {  	_ =	shalt  }
0x68: {  	_ =	shalt  }
0x69: {  	_ =	shalt  }
0x6a: {  	_ =	shalt  }
0x6b: {  	_ =	shalt  }
0x6c: {  	_ =	shalt  }
0x6d: {  	_ =	shalt  }
0x6e: {  	_ =	shalt  }
0x6f: {  	_ =	shalt  }
0x70: {  	_ =	shalt  }
0x71: {  	_ =	shalt  }
0x72: {  	_ =	shalt  }
0x73: {  	_ =	shalt  }
0x74: {  	_ =	shalt  }
0x75: {  	_ =	shalt  }
0x76: {  	_ =	shalt  }
0x77: {  	_ =	shalt  }
0x78: {  	_ =	shalt  }
0x79: {  	_ =	shalt  }
0x7a: {  	_ =	shalt  }
0x7b: {  	_ =	shalt  }
0x7c: {  	_ =	shalt  }
0x7d: {  	_ =	shalt  }
0x7e: {  	_ =	shalt  }
0x7f: {  	_ =	shalt  }
0x80: {  	_ =	shalt  }
0x81: {  	_ =	shalt  }
0x82: {  	_ =	shalt  }
0x83: {  	_ =	shalt  }
0x84: {  	_ =	shalt  }
0x85: {  	_ =	shalt  }
0x86: {  	_ =	shalt  }
0x87: {  	_ =	shalt  }
.Lfunc_end0:
.L_simem_size_0:
called_computation_lowered:
.L_overlay_start_0:
0x88: {  	s2 =	sld [smem:$0x3FD9]  }
0x89: {  	s3 =	sld [smem:$0x3FFE];
	_ =	sdelay $0x1  }
0x8a: {  	s1 =	srdreg.scid  }
0x8b: {  	s0 =	sand.u32 $0x1, s1  }
0x8c: {  	s17 =	sshll.u32 s0, $0xA;
	s2 =	sadd.s32 s3, s2  }
0x8d: {  	s2 =	sadd.s32 s2, s17  }
0x8e: {  	[smem:$0x3FC5] =	sst s2  }
0x8f: {  	_ = 	snop  }
0x90: {  	s2 =	sld [smem:$0x3FD0];
	(tm) =	ssettm $0x1  }
0x91: {  	s18 =	sld [smem:$0x3FFB];
	_ =	sdelay $0x3  }
0x92: {  	_ =	strace s18  }
0x93: {  	s3 =	sld [smem:$0x3FFC];
	_ =	sdelay $0x3  }
0x94: {  	_ =	strace s3  }
0x95: {  	s3 =	sld [smem:$0x3FFD];
	_ =	sdelay $0x3  }
0x96: {  	_ =	strace s3  }
0x97: {  	_ =	strace $0x8FFFFFFF  }
0x98: {  	s19 =	sld [smem:$0x3FDB];
	_ =	sdelay $0x1  }
0x99: {  	s4 =	simm.s32 $_scs_section_size  }
0x9a: {  	s5 =	simm.s32 $_size__tile_overlayer_lowered;
	s6 =	simm.s32 $_tile_overlayer_lowered  }
0x9b: {  	s22 =	simm.s32 $0x1BFF;
	s21 =	sshll.u32 s6, $0x1;
	s3 =	sadd.s32 s4, s19  }
0x9c: {  	s7 =	simm.s32 $0x0;
	s20 =	sshll.u32 s5, $0x1;
	s5 =	sadd.s32 s21, s3  }
0x9d: {  	[timem:s7], [sflag:s22] =	dma.local [hbm:s5], s20  }
0x9e: {  	_ =	swait.ge [sflag:s22], s20  }
0x9f: {  	s4 =	ssub.s32 $0x0, s20;
	[sflag:s22] =	ssyncset.done $0x0  }
0xa0: {  	[sflag:s22] =	ssyncadd.s32 s4;
	_ =	sdelay $0x1  }
0xa1: {  	s23 =	simm.s32 $0x1B8B  }
0xa2: {  	_ =	swait.ge [sflag:s23], $0x1  }
0xa3: {  	[sflag:s23] =	ssyncset.done $0x0  }
0xa4: {  	s25 =	simm.s32 $0x1B8E;
	s24 =	sld [smem:$0x3FFE];
	[sflag:s23] =	ssyncadd.s32 $0xFFFFFFFF  }
0xa5: {  	s26 =	simm.s32 $execute0_lowered;
	[smem:$0x3FD2] =	sst s25  }
0xa6: {  	s5 =	sshll.u32 s26, $0x1;
	_ =	strace $0x80000046;
	[dreg:$0x1] =	wrdreg $0xFFFFFFFF  }
0xa7: {  	s28 =	simm.s32 $_size_execute0_lowered;
	s3 =	sadd.s32 s3, s5;
	[dreg:$0x0] =	wrdreg $0x0  }
0xa8: {  	s5 =	sshll.u32 s28, $0x1;
	[dreg:$0x2] =	wrdreg s3  }
0xa9: {  	[dreg:$0x3] =	wrdreg s5  }
0xaa: {  	[dreg:$0x4] =	wrdreg $0xC0  }
0xab: {  	_ =	task [dreg:s7], $0x5FFFF  }
0xac: {  	[dreg:$0x1] =	wrdreg $0xFFFFFFFF  }
0xad: {  	[dreg:$0x0] =	wrdreg $0x60  }
0xae: {  	[dreg:$0x2] =	wrdreg s24  }
0xaf: {  	[dreg:$0x3] =	wrdreg s2  }
0xb0: {  	[dreg:$0x4] =	wrdreg $0xA4000  }
0xb1: {  	[dreg:$0x5] =	wrdreg $0xCC000  }
0xb2: {  	[dreg:$0x6] =	wrdreg $0x9  }
0xb3: {  	_ =	task.clear_ibuf [dreg:s7], $0x7FFFF;
	_ =	strace $0x90000046  }
0xb4: {  	s29 =	simm.s32 $0x9;
	_ =	strace $0x80000048  }
0xb5: {  	_ =	swait.ge [sflag:s29], $0x1  }
0xb6: {  	[sflag:s29] =	ssyncadd.s32 $0xFFFFFFFF  }
0xb7: {  	_ =	strace $0x90000048  }
0xb8: {  	_ =	sfence  }
0xb9: {  	s30 =	sld [smem:$0x0];
	_ =	sdelay $0x2  }
0xba: {  	s31 =	sshll.u32 s1, $0xD;
	s1 =	sshrl.u32 s1, $0x2  }
0xbb: {  	s3 =	sand.u32 $0x4000, s31;
	s1 =	sadd.s32 s1, s30  }
0xbc: {  	s0 =	sor.u32 s3, s0;
	s1 =	sshll.u32 s1, $0x11  }
0xbd: {  	s0 =	sor.u32 s1, s0  }
0xbe: {  	s0 =	sadd.s32 $0x8F2B, s0  }
0xbf: {  	[sflag:s0] =	ssyncadd.remote.s32 $0x1  }
0xc0: {  	_ =	sfence.sel $0xFFFF  }
0xc1: {  	[dreg:$0x0] =	wrdreg $0xFFFFFFFF;
	(pc) =	sbr.abs _section_cstart, $3  }
0xc2: {  	[dreg:$0x1] =	wrdreg $0xFFFFFFFF  }
0xc3: {  	_ =	task.clear_ibuf [dreg:s7], $0x2FFFF;
	_ =	strace $0x9FFFFFFF  }
0xc4: {  	(tm) =	ssettm $0x7FFFFFFF  }
0xc5: {  	_ =	shalt  }
tec
execute0_lowered:
.L_overlay_start_1:
0x0: {  	(tag) =	ssettag $0x1  }
0x1: {  	s2 =	rddreg [dreg:$0x0]  }
0x2: {  	s0 =	srdreg.scid;
	s3 =	rddreg [dreg:$0x1]  }
0x3: {  	s12 =	stileid.u32;
	s5 =	rddreg [dreg:$0x2]  }
0x4: {  	s6 =	rddreg [dreg:$0x3];
	s0 =	sand.u32 $0x1, s0;
	s9 =	smul.u32 $0x280, s12  }
0x5: {  	s23 =	sshrl.u32 s12, $0x3;
	s10 =	sshll.u32 s12, $0x7;
	s26 =	smul.u32 $0x1400, s12  }
0x6: {  	s1 =	sshll.u32 s0, $0x4;
	s8 =	smul.u32 $0x2800, s0;
	s0 =	ssub.s32 $0x2, s0  }
0x7: {  	s24 =	sand.u32 $0x380, s10;
	s1 =	sor.u32 s12, s1;
	s25 =	sshrl.u32 s0, $0x1  }
0x8: {  	s18 =	sadd.s32 s26, s5;
	s12 =	sor.u32 $0x300, s26;
	s4 =	smul.u32 $0x4E2, s1  }
0x9: {  	s1 =	simm.s32 $0x0;
	s8 =	sadd.s32 s9, s8;
	s9 =	smul.u32 $0x14000, s23  }
0xa: {  	s10 =	ssub.s32 s0, s25;
	[dreg:$0x8] =	wrdreg s18;
	s0 =	sor.u32 $0x80, s26  }
0xb: {  	s23 =	sadd.s32 s12, s5;
	s18 =	sadd.s32 $0x14200, s26;
	s28 =	sadd.s32 s12, s6  }
0xc: {  	s12 =	simm.s32 $0x4F00;
	[smem:$0x7FF] =	sst s1;
	s8 =	sshrl.u32 s8, $0x3  }
0xd: {  	s19 =	sadd.s32 s0, s5;
	[dreg:$0xe] =	wrdreg s23;
	s25 =	sadd.s32 s18, s5  }
0xe: {  	s10 =	smax.u32 s10, $0x1;
	s7 =	sadd.s32 s4, s2;
	s11 =	sadd.s32 s8, s2  }
0xf: {  	s2 =	sor.u32 s24, s9;
	s15 =	sadd.s32 s3, s4;
	[dreg:$0x9] =	wrdreg s19  }
0x10: {  	s3 =	sor.u32 $0x180, s26;
	s4 =	sor.u32 $0x200, s26;
	[dreg:$0x14] =	wrdreg s25  }
0x11: {  	s8 =	sor.u32 $0x280, s26;
	[dreg:$0x5] =	wrdreg s15;
	s16 =	sadd.s32 s2, s5  }
0x12: {  	s17 =	sadd.s32 s2, s6;
	s2 =	sor.u32 $0x100, s26;
	[dreg:$0x6] =	wrdreg s16  }
0x13: {  	s21 =	sadd.s32 s3, s5;
	s22 =	sadd.s32 s4, s5;
	[dreg:$0x7] =	wrdreg s17  }
0x14: {  	s13 =	sadd.s32 s8, s5;
	s15 =	sadd.s32 $0x14080, s26;
	[dreg:$0xb] =	wrdreg s21  }
0x15: {  	s25 =	sadd.s32 s4, s6;
	s7 =	sadd.s32 $0x1600, s7;
	[dreg:$0xc] =	wrdreg s22  }
0x16: {  	s9 =	sadd.s32 $0xBE00, s11;
	s20 =	sadd.s32 s2, s5;
	[dreg:$0xd] =	wrdreg s13  }
0x17: {  	s13 =	sor.u32 $0x380, s26;
	s24 =	sadd.s32 s15, s5;
	s21 =	sadd.s32 $0x14380, s26  }
0x18: {  	s23 =	sadd.s32 s2, s6;
	[dreg:$0xa] =	wrdreg s20;
	s14 =	sadd.s32 s13, s5  }
0x19: {  	s31 =	sadd.s32 s15, s6;
	[dreg:$0xf] =	wrdreg s14;
	s14 =	sadd.s32 $0x14000, s26  }
0x1a: {  	s15 =	simm.s32 $0x400;
	[dreg:$0x11] =	wrdreg s24;
	s16 =	sadd.s32 s14, s5  }
0x1b: {  	s24 =	sadd.s32 s3, s6;
	[dreg:$0x10] =	wrdreg s16;
	s16 =	sadd.s32 $0x14100, s26  }
0x1c: {  	s29 =	sadd.s32 s13, s6;
	s3 =	sadd.s32 s18, s6;
	s17 =	sadd.s32 s16, s5  }
0x1d: {  	s13 =	simm.s32 $0x7700;
	[dreg:$0x12] =	wrdreg s17;
	s17 =	sadd.s32 $0x14180, s26  }
0x1e: {  	s18 =	simm.s32 $0x0;
	s30 =	sadd.s32 s14, s6;
	s19 =	sadd.s32 s17, s5  }
0x1f: {  	s14 =	simm.s32 $0x80;
	[dreg:$0x13] =	wrdreg s19;
	s19 =	sadd.s32 $0x14280, s26  }
0x20: {  	s2 =	sadd.s32 s17, s6;
	s17 =	simm.s32 $0x9F00;
	s20 =	sadd.s32 s19, s5  }
0x21: {  	[dreg:$0x15] =	wrdreg s20;
	s20 =	sadd.s32 $0x14300, s26;
	s26 =	sadd.s32 s26, s6  }
0x22: {  	s4 =	sadd.s32 s19, s6;
	s22 =	sadd.s32 s20, s5;
	[dreg:$0x18] =	wrdreg s26  }
0x23: {  	s5 =	sadd.s32 s21, s5;
	s26 =	sadd.s32 s8, s6;
	[dreg:$0x16] =	wrdreg s22  }
0x24: {  	s8 =	sadd.s32 $0xB400, s11;
	s11 =	simm.s32 $0x1;
	[dreg:$0x17] =	wrdreg s5  }
0x25: {  	s22 =	sadd.s32 s0, s6;
	s0 =	sadd.s32 s16, s6;
	s5 =	sadd.s32 s20, s6  }
0x26: {  	v0 =	vimm.f32 $0.0e+00;
	v1 =	vimm.f32 $1.000000000e+00;
	s6 =	sadd.s32 s21, s6;
	s16 =	simm.s32 $0xA180;
	_ =	strace $0x80000047  }
.LBB2_1:
0x27: {  	[tilespmem:s1], [sflag:$0x1] =	stream.linear.gather [hbm4b:s7+s1], $0x2710, $0x38;
	[tilespmem:$0xF400] =	vst v63  }
0x28: {  	_ =	swait.ge [sflag:s11], $0x2710  }
0x29: {  	[sflag:s11] =	ssyncset.done $0x0  }
0x2a: {  	s20 =	simm.s32 $0x2780;
	s19 =	rddreg [dreg:$0x5];
	[sflag:s11] =	ssyncadd.s32 $0xFFFFD8F0  }
0x2b: {  	[tilespmem:s20], [sflag:$0x1] =	stream.linear.gather [hbm4b:s19+s1], $0x2710, $0x38;
	[tilespmem:$0xF400] =	vst v63  }
0x2c: {  	_ =	swait.ge [sflag:s11], $0x2710  }
0x2d: {  	[sflag:s11] =	ssyncset.done $0x0  }
0x2e: {  	s19 =	simm.s32 $0x0;
	[sflag:s11] =	ssyncadd.s32 $0xFFFFD8F0  }
.LBB2_2:
0x2f: {  	p0 =	sne.s32 s19, $0x9FC0  }
.Ltmp0:
0x30: {  	_ = 	snop;
	(pc) =	sbr.rel @p0 .LBB2_2-.Ltmp0, $4  }
0x31: {  	_ = 	snop  }
0x32: {  	s20 =	sshra.s32 s19, $0x2  }
0x33: {  	[tilespmem:s20+$0x4F00] =	vst v0  }
0x34: {  	s19 =	sadd.s32 $0x40, s19;
	[tilespmem:s20+$0x7700] =	vst v0  }
0x35: {  	s20 =	simm.s32 $0x0;
	s19 =	simm.s32 $0x40  }
.LBB2_4:
0x36: {  	p0 =	sne.s32 s19, $0x9C00;
	v2 =	vld [tilespmem:s20+$0x0];
	_ =	sdelay $0x7  }
0x37: {  	[tilespmem:v2+s12+$0x0] =	vst.idx.add.f32.msk $0xffff, v1  }
0x38: {  	v2 =	vld [tilespmem:s20+$0x2780];
	_ =	sdelay $0x3  }
.Ltmp1:
0x39: {  	(pc) =	sbr.rel @p0 .LBB2_4-.Ltmp1, $2  }
0x3a: {  	_ =	sdelay $0x2  }
0x3b: {  	s20 =	sshra.s32 s19, $0x2;
	s19 =	sadd.s32 $0x40, s19;
	[tilespmem:v2+s13+$0x0] =	vst.idx.add.f32.msk $0xffff, v1  }
0x3c: {  	v2 =	vld [tilespmem:s20+$0x0];
	_ =	sdelay $0x7  }
0x3d: {  	[tilespmem:v2+s12+$0x0] =	vst.idx.add.f32.msk $0xffff, v1  }
0x3e: {  	v2 =	vld [tilespmem:s20+$0x2780];
	_ =	sdelay $0x7  }
0x3f: {  	s19 =	rddreg [dreg:$0x6];
	[tilespmem:v2+s13+$0x0] =	vst.idx.add.f32.msk $0xffff, v1  }
0x40: {  	[spmem:s19] =	stream.strided.scatter [tilespmem:s12], [sflag:$0x1], $0x2800, s15, s14, $0x38;
	[tilespmem:$0xF400] =	vst v63  }
0x41: {  	_ =	swait.ge [sflag:s11], $0x2800  }
0x42: {  	[sflag:s11] =	ssyncset.done $0x0  }
0x43: {  	s21 =	rddreg [dreg:$0x7];
	[sflag:s11] =	ssyncadd.s32 $0xFFFFD800  }
0x44: {  	[spmem:s21] =	stream.strided.scatter [tilespmem:s13], [sflag:$0x1], $0x2800, s15, s14, $0x38;
	[tilespmem:$0xF400] =	vst v63  }
0x45: {  	_ =	swait.ge [sflag:s11], $0x2800  }
0x46: {  	[sflag:s11] =	ssyncset.done $0x0  }
0x47: {  	[sflag:s11] =	ssyncadd.s32 $0xFFFFD800  }
0x48: {  	[bflag:$0x0] =	sbarrier.arrive $0xFFFF  }
0x49: {  	s20 =	rddreg [dreg:$0x8]  }
0x4a: {  	[tilespmem:s16], [sflag:$0x1] =	stream.strided.gather [spmem:s20], $0x280, s15, s14, $0x38;
	[tilespmem:$0xF400] =	vst v63  }
0x4b: {  	_ =	swait.ge [sflag:s11], $0x280  }
0x4c: {  	[sflag:s11] =	ssyncset.done $0x0  }
0x4d: {  	s21 =	rddreg [dreg:$0x9];
	[sflag:s11] =	ssyncadd.s32 $0xFFFFFD80  }
0x4e: {  	[tilespmem:s17], [sflag:$0x1] =	stream.strided.gather [spmem:s21], $0x280, s15, s14, $0x38;
	[tilespmem:$0xF400] =	vst v63  }
0x4f: {  	_ =	swait.ge [sflag:s11], $0x280  }
0x50: {  	[sflag:s11] =	ssyncset.done $0x0  }
0x51: {  	s19 =	simm.s32 $0x0;
	[sflag:s11] =	ssyncadd.s32 $0xFFFFFD80  }
0x52: {  	s20 =	simm.s32 $0x40;
	v2 =	vld [tilespmem:s19+$0x9F00]  }
.LBB2_6:
0x53: {  	p0 =	sne.s32 s20, $0x9C0;
	v3 =	vld [tilespmem:s19+$0xA180];
	_ =	sdelay $0x2  }
.Ltmp2:
0x54: {  	(pc) =	sbr.rel @p0 .LBB2_6-.Ltmp2, $4  }
0x55: {  	_ = 	snop  }
0x56: {  	v3 =	vadd.f32 v2, v3  }
0x57: {  	s21 =	sshra.s32 s20, $0x2  }
0x58: {  	s20 =	sadd.s32 $0x40, s20;
	v2 =	vld [tilespmem:s21+$0x9F00];
	[tilespmem:s19+$0xA180] =	vst v3;
	s19 =	smov.u32 s21  }
0x59: {  	v3 =	vld [tilespmem:s19+$0xA180];
	_ =	sdelay $0x4  }
0x5a: {  	v2 =	vadd.f32 v2, v3;
	_ =	sdelay $0x1  }
0x5b: {  	s21 =	rddreg [dreg:$0xa];
	[tilespmem:s19+$0xA180] =	vst v2  }
0x5c: {  	[tilespmem:s17], [sflag:$0x1] =	stream.strided.gather [spmem:s21], $0x280, s15, s14, $0x38;
	[tilespmem:$0xF400] =	vst v63  }
0x5d: {  	_ =	swait.ge [sflag:s11], $0x280  }
0x5e: {  	[sflag:s11] =	ssyncset.done $0x0  }
0x5f: {  	s19 =	simm.s32 $0x0;
	[sflag:s11] =	ssyncadd.s32 $0xFFFFFD80  }
0x60: {  	s20 =	simm.s32 $0x40;
	v2 =	vld [tilespmem:s19+$0x9F00]  }
.LBB2_8:
0x61: {  	p0 =	sne.s32 s20, $0x9C0;
	v3 =	vld [tilespmem:s19+$0xA180];
	_ =	sdelay $0x2  }
.Ltmp3:
0x62: {  	(pc) =	sbr.rel @p0 .LBB2_8-.Ltmp3, $4  }
0x63: {  	_ = 	snop  }
0x64: {  	v3 =	vadd.f32 v2, v3  }
0x65: {  	s21 =	sshra.s32 s20, $0x2  }
0x66: {  	s20 =	sadd.s32 $0x40, s20;
	v2 =	vld [tilespmem:s21+$0x9F00];
	[tilespmem:s19+$0xA180] =	vst v3;
	s19 =	smov.u32 s21  }
0x67: {  	v3 =	vld [tilespmem:s19+$0xA180];
	_ =	sdelay $0x4  }
0x68: {  	v2 =	vadd.f32 v2, v3;
	_ =	sdelay $0x1  }
0x69: {  	s21 =	rddreg [dreg:$0xb];
	[tilespmem:s19+$0xA180] =	vst v2  }
0x6a: {  	[tilespmem:s17], [sflag:$0x1] =	stream.strided.gather [spmem:s21], $0x280, s15, s14, $0x38;
	[tilespmem:$0xF400] =	vst v63  }
0x6b: {  	_ =	swait.ge [sflag:s11], $0x280  }
0x6c: {  	[sflag:s11] =	ssyncset.done $0x0  }
0x6d: {  	s19 =	simm.s32 $0x0;
	[sflag:s11] =	ssyncadd.s32 $0xFFFFFD80  }
0x6e: {  	s20 =	simm.s32 $0x40;
	v2 =	vld [tilespmem:s19+$0x9F00]  }
.LBB2_10:
0x6f: {  	p0 =	sne.s32 s20, $0x9C0;
	v3 =	vld [tilespmem:s19+$0xA180];
	_ =	sdelay $0x2  }
.Ltmp4:
0x70: {  	(pc) =	sbr.rel @p0 .LBB2_10-.Ltmp4, $4  }
0x71: {  	_ = 	snop  }
0x72: {  	v3 =	vadd.f32 v2, v3  }
0x73: {  	s21 =	sshra.s32 s20, $0x2  }
0x74: {  	s20 =	sadd.s32 $0x40, s20;
	v2 =	vld [tilespmem:s21+$0x9F00];
	[tilespmem:s19+$0xA180] =	vst v3;
	s19 =	smov.u32 s21  }
0x75: {  	v3 =	vld [tilespmem:s19+$0xA180];
	_ =	sdelay $0x4  }
0x76: {  	v2 =	vadd.f32 v2, v3;
	_ =	sdelay $0x1  }
0x77: {  	s21 =	rddreg [dreg:$0xc];
	[tilespmem:s19+$0xA180] =	vst v2  }
0x78: {  	[tilespmem:s17], [sflag:$0x1] =	stream.strided.gather [spmem:s21], $0x280, s15, s14, $0x38;
	[tilespmem:$0xF400] =	vst v63  }
0x79: {  	_ =	swait.ge [sflag:s11], $0x280  }
0x7a: {  	[sflag:s11] =	ssyncset.done $0x0  }
0x7b: {  	s19 =	simm.s32 $0x0;
	[sflag:s11] =	ssyncadd.s32 $0xFFFFFD80  }
0x7c: {  	s20 =	simm.s32 $0x40;
	v2 =	vld [tilespmem:s19+$0x9F00]  }
.LBB2_12:
0x7d: {  	p0 =	sne.s32 s20, $0x9C0;
	v3 =	vld [tilespmem:s19+$0xA180];
	_ =	sdelay $0x2  }
.Ltmp5:
0x7e: {  	(pc) =	sbr.rel @p0 .LBB2_12-.Ltmp5, $4  }
0x7f: {  	_ = 	snop  }
0x80: {  	v3 =	vadd.f32 v2, v3  }
0x81: {  	s21 =	sshra.s32 s20, $0x2  }
0x82: {  	s20 =	sadd.s32 $0x40, s20;
	v2 =	vld [tilespmem:s21+$0x9F00];
	[tilespmem:s19+$0xA180] =	vst v3;
	s19 =	smov.u32 s21  }
0x83: {  	v3 =	vld [tilespmem:s19+$0xA180];
	_ =	sdelay $0x4  }
0x84: {  	v2 =	vadd.f32 v2, v3;
	_ =	sdelay $0x1  }
0x85: {  	s21 =	rddreg [dreg:$0xd];
	[tilespmem:s19+$0xA180] =	vst v2  }
0x86: {  	[tilespmem:s17], [sflag:$0x1] =	stream.strided.gather [spmem:s21], $0x280, s15, s14, $0x38;
	[tilespmem:$0xF400] =	vst v63  }
0x87: {  	_ =	swait.ge [sflag:s11], $0x280  }
0x88: {  	[sflag:s11] =	ssyncset.done $0x0  }
0x89: {  	s19 =	simm.s32 $0x0;
	[sflag:s11] =	ssyncadd.s32 $0xFFFFFD80  }
0x8a: {  	s20 =	simm.s32 $0x40;
	v2 =	vld [tilespmem:s19+$0x9F00]  }
.LBB2_14:
0x8b: {  	p0 =	sne.s32 s20, $0x9C0;
	v3 =	vld [tilespmem:s19+$0xA180];
	_ =	sdelay $0x2  }
.Ltmp6:
0x8c: {  	(pc) =	sbr.rel @p0 .LBB2_14-.Ltmp6, $4  }
0x8d: {  	_ = 	snop  }
0x8e: {  	v3 =	vadd.f32 v2, v3  }
0x8f: {  	s21 =	sshra.s32 s20, $0x2  }
0x90: {  	s20 =	sadd.s32 $0x40, s20;
	v2 =	vld [tilespmem:s21+$0x9F00];
	[tilespmem:s19+$0xA180] =	vst v3;
	s19 =	smov.u32 s21  }
0x91: {  	v3 =	vld [tilespmem:s19+$0xA180];
	_ =	sdelay $0x4  }
0x92: {  	v2 =	vadd.f32 v2, v3;
	_ =	sdelay $0x1  }
0x93: {  	s21 =	rddreg [dreg:$0xe];
	[tilespmem:s19+$0xA180] =	vst v2  }
0x94: {  	[tilespmem:s17], [sflag:$0x1] =	stream.strided.gather [spmem:s21], $0x280, s15, s14, $0x38;
	[tilespmem:$0xF400] =	vst v63  }
0x95: {  	_ =	swait.ge [sflag:s11], $0x280  }
0x96: {  	[sflag:s11] =	ssyncset.done $0x0  }
0x97: {  	s19 =	simm.s32 $0x0;
	[sflag:s11] =	ssyncadd.s32 $0xFFFFFD80  }
0x98: {  	s20 =	simm.s32 $0x40;
	v2 =	vld [tilespmem:s19+$0x9F00]  }
.LBB2_16:
0x99: {  	p0 =	sne.s32 s20, $0x9C0;
	v3 =	vld [tilespmem:s19+$0xA180];
	_ =	sdelay $0x2  }
.Ltmp7:
0x9a: {  	(pc) =	sbr.rel @p0 .LBB2_16-.Ltmp7, $4  }
0x9b: {  	_ = 	snop  }
0x9c: {  	v3 =	vadd.f32 v2, v3  }
0x9d: {  	s21 =	sshra.s32 s20, $0x2  }
0x9e: {  	s20 =	sadd.s32 $0x40, s20;
	v2 =	vld [tilespmem:s21+$0x9F00];
	[tilespmem:s19+$0xA180] =	vst v3;
	s19 =	smov.u32 s21  }
0x9f: {  	v3 =	vld [tilespmem:s19+$0xA180];
	_ =	sdelay $0x4  }
0xa0: {  	v2 =	vadd.f32 v2, v3;
	_ =	sdelay $0x1  }
0xa1: {  	s21 =	rddreg [dreg:$0xf];
	[tilespmem:s19+$0xA180] =	vst v2  }
0xa2: {  	[tilespmem:s17], [sflag:$0x1] =	stream.strided.gather [spmem:s21], $0x280, s15, s14, $0x38;
	[tilespmem:$0xF400] =	vst v63  }
0xa3: {  	_ =	swait.ge [sflag:s11], $0x280  }
0xa4: {  	[sflag:s11] =	ssyncset.done $0x0  }
0xa5: {  	s19 =	simm.s32 $0x0;
	[sflag:s11] =	ssyncadd.s32 $0xFFFFFD80  }
0xa6: {  	s20 =	simm.s32 $0x40;
	v2 =	vld [tilespmem:s19+$0x9F00]  }
.LBB2_18:
0xa7: {  	p0 =	sne.s32 s20, $0x9C0;
	v3 =	vld [tilespmem:s19+$0xA180];
	_ =	sdelay $0x2  }
.Ltmp8:
0xa8: {  	(pc) =	sbr.rel @p0 .LBB2_18-.Ltmp8, $4  }
0xa9: {  	_ = 	snop  }
0xaa: {  	v3 =	vadd.f32 v2, v3  }
0xab: {  	s21 =	sshra.s32 s20, $0x2  }
0xac: {  	s20 =	sadd.s32 $0x40, s20;
	v2 =	vld [tilespmem:s21+$0x9F00];
	[tilespmem:s19+$0xA180] =	vst v3;
	s19 =	smov.u32 s21  }
0xad: {  	v3 =	vld [tilespmem:s19+$0xA180];
	_ =	sdelay $0x4  }
0xae: {  	v2 =	vadd.f32 v2, v3;
	_ =	sdelay $0x1  }
0xaf: {  	s21 =	rddreg [dreg:$0x10];
	[tilespmem:s19+$0xA180] =	vst v2  }
0xb0: {  	[tilespmem:s17], [sflag:$0x1] =	stream.strided.gather [spmem:s21], $0x280, s15, s14, $0x38;
	[tilespmem:$0xF400] =	vst v63  }
0xb1: {  	_ =	swait.ge [sflag:s11], $0x280  }
0xb2: {  	[sflag:s11] =	ssyncset.done $0x0  }
0xb3: {  	s19 =	simm.s32 $0x0;
	[sflag:s11] =	ssyncadd.s32 $0xFFFFFD80  }
0xb4: {  	s20 =	simm.s32 $0x40;
	v2 =	vld [tilespmem:s19+$0x9F00]  }
.LBB2_20:
0xb5: {  	p0 =	sne.s32 s20, $0x9C0;
	v3 =	vld [tilespmem:s19+$0xA180];
	_ =	sdelay $0x2  }
.Ltmp9:
0xb6: {  	(pc) =	sbr.rel @p0 .LBB2_20-.Ltmp9, $4  }
0xb7: {  	_ = 	snop  }
0xb8: {  	v3 =	vadd.f32 v2, v3  }
0xb9: {  	s21 =	sshra.s32 s20, $0x2  }
0xba: {  	s20 =	sadd.s32 $0x40, s20;
	v2 =	vld [tilespmem:s21+$0x9F00];
	[tilespmem:s19+$0xA180] =	vst v3;
	s19 =	smov.u32 s21  }
0xbb: {  	v3 =	vld [tilespmem:s19+$0xA180];
	_ =	sdelay $0x4  }
0xbc: {  	v2 =	vadd.f32 v2, v3;
	_ =	sdelay $0x1  }
0xbd: {  	s21 =	rddreg [dreg:$0x11];
	[tilespmem:s19+$0xA180] =	vst v2  }
0xbe: {  	[tilespmem:s17], [sflag:$0x1] =	stream.strided.gather [spmem:s21], $0x280, s15, s14, $0x38;
	[tilespmem:$0xF400] =	vst v63  }
0xbf: {  	_ =	swait.ge [sflag:s11], $0x280  }
0xc0: {  	[sflag:s11] =	ssyncset.done $0x0  }
0xc1: {  	s19 =	simm.s32 $0x0;
	[sflag:s11] =	ssyncadd.s32 $0xFFFFFD80  }
0xc2: {  	s20 =	simm.s32 $0x40;
	v2 =	vld [tilespmem:s19+$0x9F00]  }
.LBB2_22:
0xc3: {  	p0 =	sne.s32 s20, $0x9C0;
	v3 =	vld [tilespmem:s19+$0xA180];
	_ =	sdelay $0x2  }
.Ltmp10:
0xc4: {  	(pc) =	sbr.rel @p0 .LBB2_22-.Ltmp10, $4  }
0xc5: {  	_ = 	snop  }
0xc6: {  	v3 =	vadd.f32 v2, v3  }
0xc7: {  	s21 =	sshra.s32 s20, $0x2  }
0xc8: {  	s20 =	sadd.s32 $0x40, s20;
	v2 =	vld [tilespmem:s21+$0x9F00];
	[tilespmem:s19+$0xA180] =	vst v3;
	s19 =	smov.u32 s21  }
0xc9: {  	v3 =	vld [tilespmem:s19+$0xA180];
	_ =	sdelay $0x4  }
0xca: {  	v2 =	vadd.f32 v2, v3;
	_ =	sdelay $0x1  }
0xcb: {  	s21 =	rddreg [dreg:$0x12];
	[tilespmem:s19+$0xA180] =	vst v2  }
0xcc: {  	[tilespmem:s17], [sflag:$0x1] =	stream.strided.gather [spmem:s21], $0x280, s15, s14, $0x38;
	[tilespmem:$0xF400] =	vst v63  }
0xcd: {  	_ =	swait.ge [sflag:s11], $0x280  }
0xce: {  	[sflag:s11] =	ssyncset.done $0x0  }
0xcf: {  	s19 =	simm.s32 $0x0;
	[sflag:s11] =	ssyncadd.s32 $0xFFFFFD80  }
0xd0: {  	s20 =	simm.s32 $0x40;
	v2 =	vld [tilespmem:s19+$0x9F00]  }
.LBB2_24:
0xd1: {  	p0 =	sne.s32 s20, $0x9C0;
	v3 =	vld [tilespmem:s19+$0xA180];
	_ =	sdelay $0x2  }
.Ltmp11:
0xd2: {  	(pc) =	sbr.rel @p0 .LBB2_24-.Ltmp11, $4  }
0xd3: {  	_ = 	snop  }
0xd4: {  	v3 =	vadd.f32 v2, v3  }
0xd5: {  	s21 =	sshra.s32 s20, $0x2  }
0xd6: {  	s20 =	sadd.s32 $0x40, s20;
	v2 =	vld [tilespmem:s21+$0x9F00];
	[tilespmem:s19+$0xA180] =	vst v3;
	s19 =	smov.u32 s21  }
0xd7: {  	v3 =	vld [tilespmem:s19+$0xA180];
	_ =	sdelay $0x4  }
0xd8: {  	v2 =	vadd.f32 v2, v3;
	_ =	sdelay $0x1  }
0xd9: {  	s21 =	rddreg [dreg:$0x13];
	[tilespmem:s19+$0xA180] =	vst v2  }
0xda: {  	[tilespmem:s17], [sflag:$0x1] =	stream.strided.gather [spmem:s21], $0x280, s15, s14, $0x38;
	[tilespmem:$0xF400] =	vst v63  }
0xdb: {  	_ =	swait.ge [sflag:s11], $0x280  }
0xdc: {  	[sflag:s11] =	ssyncset.done $0x0  }
0xdd: {  	s19 =	simm.s32 $0x0;
	[sflag:s11] =	ssyncadd.s32 $0xFFFFFD80  }
0xde: {  	s20 =	simm.s32 $0x40;
	v2 =	vld [tilespmem:s19+$0x9F00]  }
.LBB2_26:
0xdf: {  	p0 =	sne.s32 s20, $0x9C0;
	v3 =	vld [tilespmem:s19+$0xA180];
	_ =	sdelay $0x2  }
.Ltmp12:
0xe0: {  	(pc) =	sbr.rel @p0 .LBB2_26-.Ltmp12, $4  }
0xe1: {  	_ = 	snop  }
0xe2: {  	v3 =	vadd.f32 v2, v3  }
0xe3: {  	s21 =	sshra.s32 s20, $0x2  }
0xe4: {  	s20 =	sadd.s32 $0x40, s20;
	v2 =	vld [tilespmem:s21+$0x9F00];
	[tilespmem:s19+$0xA180] =	vst v3;
	s19 =	smov.u32 s21  }
0xe5: {  	v3 =	vld [tilespmem:s19+$0xA180];
	_ =	sdelay $0x4  }
0xe6: {  	v2 =	vadd.f32 v2, v3;
	_ =	sdelay $0x1  }
0xe7: {  	s21 =	rddreg [dreg:$0x14];
	[tilespmem:s19+$0xA180] =	vst v2  }
0xe8: {  	[tilespmem:s17], [sflag:$0x1] =	stream.strided.gather [spmem:s21], $0x280, s15, s14, $0x38;
	[tilespmem:$0xF400] =	vst v63  }
0xe9: {  	_ =	swait.ge [sflag:s11], $0x280  }
0xea: {  	[sflag:s11] =	ssyncset.done $0x0  }
0xeb: {  	s19 =	simm.s32 $0x0;
	[sflag:s11] =	ssyncadd.s32 $0xFFFFFD80  }
0xec: {  	s20 =	simm.s32 $0x40;
	v2 =	vld [tilespmem:s19+$0x9F00]  }
.LBB2_28:
0xed: {  	p0 =	sne.s32 s20, $0x9C0;
	v3 =	vld [tilespmem:s19+$0xA180];
	_ =	sdelay $0x2  }
.Ltmp13:
0xee: {  	(pc) =	sbr.rel @p0 .LBB2_28-.Ltmp13, $4  }
0xef: {  	_ = 	snop  }
0xf0: {  	v3 =	vadd.f32 v2, v3  }
0xf1: {  	s21 =	sshra.s32 s20, $0x2  }
0xf2: {  	s20 =	sadd.s32 $0x40, s20;
	v2 =	vld [tilespmem:s21+$0x9F00];
	[tilespmem:s19+$0xA180] =	vst v3;
	s19 =	smov.u32 s21  }
0xf3: {  	v3 =	vld [tilespmem:s19+$0xA180];
	_ =	sdelay $0x4  }
0xf4: {  	v2 =	vadd.f32 v2, v3;
	_ =	sdelay $0x1  }
0xf5: {  	s21 =	rddreg [dreg:$0x15];
	[tilespmem:s19+$0xA180] =	vst v2  }
0xf6: {  	[tilespmem:s17], [sflag:$0x1] =	stream.strided.gather [spmem:s21], $0x280, s15, s14, $0x38;
	[tilespmem:$0xF400] =	vst v63  }
0xf7: {  	_ =	swait.ge [sflag:s11], $0x280  }
0xf8: {  	[sflag:s11] =	ssyncset.done $0x0  }
0xf9: {  	s19 =	simm.s32 $0x0;
	[sflag:s11] =	ssyncadd.s32 $0xFFFFFD80  }
0xfa: {  	s20 =	simm.s32 $0x40;
	v2 =	vld [tilespmem:s19+$0x9F00]  }
.LBB2_30:
0xfb: {  	p0 =	sne.s32 s20, $0x9C0;
	v3 =	vld [tilespmem:s19+$0xA180];
	_ =	sdelay $0x2  }
.Ltmp14:
0xfc: {  	(pc) =	sbr.rel @p0 .LBB2_30-.Ltmp14, $4  }
0xfd: {  	_ = 	snop  }
0xfe: {  	v3 =	vadd.f32 v2, v3  }
0xff: {  	s21 =	sshra.s32 s20, $0x2  }
0x100: {  	s20 =	sadd.s32 $0x40, s20;
	v2 =	vld [tilespmem:s21+$0x9F00];
	[tilespmem:s19+$0xA180] =	vst v3;
	s19 =	smov.u32 s21  }
0x101: {  	v3 =	vld [tilespmem:s19+$0xA180];
	_ =	sdelay $0x4  }
0x102: {  	v2 =	vadd.f32 v2, v3;
	_ =	sdelay $0x1  }
0x103: {  	s21 =	rddreg [dreg:$0x16];
	[tilespmem:s19+$0xA180] =	vst v2  }
0x104: {  	[tilespmem:s17], [sflag:$0x1] =	stream.strided.gather [spmem:s21], $0x280, s15, s14, $0x38;
	[tilespmem:$0xF400] =	vst v63  }
0x105: {  	_ =	swait.ge [sflag:s11], $0x280  }
0x106: {  	[sflag:s11] =	ssyncset.done $0x0  }
0x107: {  	s19 =	simm.s32 $0x0;
	[sflag:s11] =	ssyncadd.s32 $0xFFFFFD80  }
0x108: {  	s20 =	simm.s32 $0x40;
	v2 =	vld [tilespmem:s19+$0x9F00]  }
.LBB2_32:
0x109: {  	p0 =	sne.s32 s20, $0x9C0;
	v3 =	vld [tilespmem:s19+$0xA180];
	_ =	sdelay $0x2  }
.Ltmp15:
0x10a: {  	(pc) =	sbr.rel @p0 .LBB2_32-.Ltmp15, $4  }
0x10b: {  	_ = 	snop  }
0x10c: {  	v3 =	vadd.f32 v2, v3  }
0x10d: {  	s21 =	sshra.s32 s20, $0x2  }
0x10e: {  	s20 =	sadd.s32 $0x40, s20;
	v2 =	vld [tilespmem:s21+$0x9F00];
	[tilespmem:s19+$0xA180] =	vst v3;
	s19 =	smov.u32 s21  }
0x10f: {  	v3 =	vld [tilespmem:s19+$0xA180];
	_ =	sdelay $0x4  }
0x110: {  	v2 =	vadd.f32 v2, v3;
	_ =	sdelay $0x1  }
0x111: {  	s21 =	rddreg [dreg:$0x17];
	[tilespmem:s19+$0xA180] =	vst v2  }
0x112: {  	[tilespmem:s17], [sflag:$0x1] =	stream.strided.gather [spmem:s21], $0x280, s15, s14, $0x38;
	[tilespmem:$0xF400] =	vst v63  }
0x113: {  	_ =	swait.ge [sflag:s11], $0x280  }
0x114: {  	[sflag:s11] =	ssyncset.done $0x0  }
0x115: {  	s19 =	simm.s32 $0x0;
	[sflag:s11] =	ssyncadd.s32 $0xFFFFFD80  }
0x116: {  	s20 =	simm.s32 $0x40;
	v2 =	vld [tilespmem:s19+$0x9F00]  }
.LBB2_34:
0x117: {  	p0 =	sne.s32 s20, $0x9C0;
	v3 =	vld [tilespmem:s19+$0xA180];
	_ =	sdelay $0x2  }
.Ltmp16:
0x118: {  	(pc) =	sbr.rel @p0 .LBB2_34-.Ltmp16, $4  }
0x119: {  	_ = 	snop  }
0x11a: {  	v3 =	vadd.f32 v2, v3  }
0x11b: {  	s21 =	sshra.s32 s20, $0x2  }
0x11c: {  	s20 =	sadd.s32 $0x40, s20;
	v2 =	vld [tilespmem:s21+$0x9F00];
	[tilespmem:s19+$0xA180] =	vst v3;
	s19 =	smov.u32 s21  }
0x11d: {  	v3 =	vld [tilespmem:s19+$0xA180];
	_ =	sdelay $0x4  }
0x11e: {  	v2 =	vadd.f32 v2, v3;
	_ =	sdelay $0x1  }
0x11f: {  	s20 =	simm.s32 $0x0;
	[tilespmem:s19+$0xA180] =	vst v2  }
0x120: {  	[hbm4b:s8+s20] =	stream.linear.scatter [tilespmem:s16], [sflag:$0x1], $0x280, $0x38;
	[tilespmem:$0xF400] =	vst v63  }
0x121: {  	_ =	swait.ge [sflag:s11], $0x280  }
0x122: {  	[sflag:s11] =	ssyncset.done $0x0  }
0x123: {  	s21 =	rddreg [dreg:$0x18];
	[sflag:s11] =	ssyncadd.s32 $0xFFFFFD80  }
0x124: {  	[tilespmem:s16], [sflag:$0x1] =	stream.strided.gather [spmem:s21], $0x280, s15, s14, $0x38;
	[tilespmem:$0xF400] =	vst v63  }
0x125: {  	_ =	swait.ge [sflag:s11], $0x280  }
0x126: {  	[sflag:s11] =	ssyncset.done $0x0  }
0x127: {  	[sflag:s11] =	ssyncadd.s32 $0xFFFFFD80  }
0x128: {  	[tilespmem:s17], [sflag:$0x1] =	stream.strided.gather [spmem:s22], $0x280, s15, s14, $0x38;
	[tilespmem:$0xF400] =	vst v63  }
0x129: {  	_ =	swait.ge [sflag:s11], $0x280  }
0x12a: {  	[sflag:s11] =	ssyncset.done $0x0  }
0x12b: {  	s19 =	simm.s32 $0x0;
	[sflag:s11] =	ssyncadd.s32 $0xFFFFFD80  }
0x12c: {  	s20 =	simm.s32 $0x40;
	v2 =	vld [tilespmem:s19+$0x9F00]  }
.LBB2_36:
0x12d: {  	p0 =	sne.s32 s20, $0x9C0;
	v3 =	vld [tilespmem:s19+$0xA180];
	_ =	sdelay $0x2  }
.Ltmp17:
0x12e: {  	(pc) =	sbr.rel @p0 .LBB2_36-.Ltmp17, $4  }
0x12f: {  	_ = 	snop  }
0x130: {  	v3 =	vadd.f32 v2, v3  }
0x131: {  	s21 =	sshra.s32 s20, $0x2  }
0x132: {  	s20 =	sadd.s32 $0x40, s20;
	v2 =	vld [tilespmem:s21+$0x9F00];
	[tilespmem:s19+$0xA180] =	vst v3;
	s19 =	smov.u32 s21  }
0x133: {  	v3 =	vld [tilespmem:s19+$0xA180];
	_ =	sdelay $0x4  }
0x134: {  	v2 =	vadd.f32 v2, v3;
	_ =	sdelay $0x1  }
0x135: {  	[tilespmem:s19+$0xA180] =	vst v2  }
0x136: {  	[tilespmem:s17], [sflag:$0x1] =	stream.strided.gather [spmem:s23], $0x280, s15, s14, $0x38;
	[tilespmem:$0xF400] =	vst v63  }
0x137: {  	_ =	swait.ge [sflag:s11], $0x280  }
0x138: {  	[sflag:s11] =	ssyncset.done $0x0  }
0x139: {  	s19 =	simm.s32 $0x0;
	[sflag:s11] =	ssyncadd.s32 $0xFFFFFD80  }
0x13a: {  	s20 =	simm.s32 $0x40;
	v2 =	vld [tilespmem:s19+$0x9F00]  }
.LBB2_38:
0x13b: {  	p0 =	sne.s32 s20, $0x9C0;
	v3 =	vld [tilespmem:s19+$0xA180];
	_ =	sdelay $0x2  }
.Ltmp18:
0x13c: {  	(pc) =	sbr.rel @p0 .LBB2_38-.Ltmp18, $4  }
0x13d: {  	_ = 	snop  }
0x13e: {  	v3 =	vadd.f32 v2, v3  }
0x13f: {  	s21 =	sshra.s32 s20, $0x2  }
0x140: {  	s20 =	sadd.s32 $0x40, s20;
	v2 =	vld [tilespmem:s21+$0x9F00];
	[tilespmem:s19+$0xA180] =	vst v3;
	s19 =	smov.u32 s21  }
0x141: {  	v3 =	vld [tilespmem:s19+$0xA180];
	_ =	sdelay $0x4  }
0x142: {  	v2 =	vadd.f32 v2, v3;
	_ =	sdelay $0x1  }
0x143: {  	[tilespmem:s19+$0xA180] =	vst v2  }
0x144: {  	[tilespmem:s17], [sflag:$0x1] =	stream.strided.gather [spmem:s24], $0x280, s15, s14, $0x38;
	[tilespmem:$0xF400] =	vst v63  }
0x145: {  	_ =	swait.ge [sflag:s11], $0x280  }
0x146: {  	[sflag:s11] =	ssyncset.done $0x0  }
0x147: {  	s19 =	simm.s32 $0x0;
	[sflag:s11] =	ssyncadd.s32 $0xFFFFFD80  }
0x148: {  	s20 =	simm.s32 $0x40;
	v2 =	vld [tilespmem:s19+$0x9F00]  }
.LBB2_40:
0x149: {  	p0 =	sne.s32 s20, $0x9C0;
	v3 =	vld [tilespmem:s19+$0xA180];
	_ =	sdelay $0x2  }
.Ltmp19:
0x14a: {  	(pc) =	sbr.rel @p0 .LBB2_40-.Ltmp19, $4  }
0x14b: {  	_ = 	snop  }
0x14c: {  	v3 =	vadd.f32 v2, v3  }
0x14d: {  	s21 =	sshra.s32 s20, $0x2  }
0x14e: {  	s20 =	sadd.s32 $0x40, s20;
	v2 =	vld [tilespmem:s21+$0x9F00];
	[tilespmem:s19+$0xA180] =	vst v3;
	s19 =	smov.u32 s21  }
0x14f: {  	v3 =	vld [tilespmem:s19+$0xA180];
	_ =	sdelay $0x4  }
0x150: {  	v2 =	vadd.f32 v2, v3;
	_ =	sdelay $0x1  }
0x151: {  	[tilespmem:s19+$0xA180] =	vst v2  }
0x152: {  	[tilespmem:s17], [sflag:$0x1] =	stream.strided.gather [spmem:s25], $0x280, s15, s14, $0x38;
	[tilespmem:$0xF400] =	vst v63  }
0x153: {  	_ =	swait.ge [sflag:s11], $0x280  }
0x154: {  	[sflag:s11] =	ssyncset.done $0x0  }
0x155: {  	s19 =	simm.s32 $0x0;
	[sflag:s11] =	ssyncadd.s32 $0xFFFFFD80  }
0x156: {  	s20 =	simm.s32 $0x40;
	v2 =	vld [tilespmem:s19+$0x9F00]  }
.LBB2_42:
0x157: {  	p0 =	sne.s32 s20, $0x9C0;
	v3 =	vld [tilespmem:s19+$0xA180];
	_ =	sdelay $0x2  }
.Ltmp20:
0x158: {  	(pc) =	sbr.rel @p0 .LBB2_42-.Ltmp20, $4  }
0x159: {  	_ = 	snop  }
0x15a: {  	v3 =	vadd.f32 v2, v3  }
0x15b: {  	s21 =	sshra.s32 s20, $0x2  }
0x15c: {  	s20 =	sadd.s32 $0x40, s20;
	v2 =	vld [tilespmem:s21+$0x9F00];
	[tilespmem:s19+$0xA180] =	vst v3;
	s19 =	smov.u32 s21  }
0x15d: {  	v3 =	vld [tilespmem:s19+$0xA180];
	_ =	sdelay $0x4  }
0x15e: {  	v2 =	vadd.f32 v2, v3;
	_ =	sdelay $0x1  }
0x15f: {  	[tilespmem:s19+$0xA180] =	vst v2  }
0x160: {  	[tilespmem:s17], [sflag:$0x1] =	stream.strided.gather [spmem:s26], $0x280, s15, s14, $0x38;
	[tilespmem:$0xF400] =	vst v63  }
0x161: {  	_ =	swait.ge [sflag:s11], $0x280  }
0x162: {  	[sflag:s11] =	ssyncset.done $0x0  }
0x163: {  	s19 =	simm.s32 $0x0;
	[sflag:s11] =	ssyncadd.s32 $0xFFFFFD80  }
0x164: {  	s20 =	simm.s32 $0x40;
	v2 =	vld [tilespmem:s19+$0x9F00]  }
.LBB2_44:
0x165: {  	p0 =	sne.s32 s20, $0x9C0;
	v3 =	vld [tilespmem:s19+$0xA180];
	_ =	sdelay $0x2  }
.Ltmp21:
0x166: {  	(pc) =	sbr.rel @p0 .LBB2_44-.Ltmp21, $4  }
0x167: {  	_ = 	snop  }
0x168: {  	v3 =	vadd.f32 v2, v3  }
0x169: {  	s21 =	sshra.s32 s20, $0x2  }
0x16a: {  	s20 =	sadd.s32 $0x40, s20;
	v2 =	vld [tilespmem:s21+$0x9F00];
	[tilespmem:s19+$0xA180] =	vst v3;
	s19 =	smov.u32 s21  }
0x16b: {  	v3 =	vld [tilespmem:s19+$0xA180];
	_ =	sdelay $0x4  }
0x16c: {  	v2 =	vadd.f32 v2, v3;
	_ =	sdelay $0x1  }
0x16d: {  	[tilespmem:s19+$0xA180] =	vst v2  }
0x16e: {  	[tilespmem:s17], [sflag:$0x1] =	stream.strided.gather [spmem:s28], $0x280, s15, s14, $0x38;
	[tilespmem:$0xF400] =	vst v63  }
0x16f: {  	_ =	swait.ge [sflag:s11], $0x280  }
0x170: {  	[sflag:s11] =	ssyncset.done $0x0  }
0x171: {  	s19 =	simm.s32 $0x0;
	[sflag:s11] =	ssyncadd.s32 $0xFFFFFD80  }
0x172: {  	s20 =	simm.s32 $0x40;
	v2 =	vld [tilespmem:s19+$0x9F00]  }
.LBB2_46:
0x173: {  	p0 =	sne.s32 s20, $0x9C0;
	v3 =	vld [tilespmem:s19+$0xA180];
	_ =	sdelay $0x2  }
.Ltmp22:
0x174: {  	(pc) =	sbr.rel @p0 .LBB2_46-.Ltmp22, $4  }
0x175: {  	_ = 	snop  }
0x176: {  	v3 =	vadd.f32 v2, v3  }
0x177: {  	s21 =	sshra.s32 s20, $0x2  }
0x178: {  	s20 =	sadd.s32 $0x40, s20;
	v2 =	vld [tilespmem:s21+$0x9F00];
	[tilespmem:s19+$0xA180] =	vst v3;
	s19 =	smov.u32 s21  }
0x179: {  	v3 =	vld [tilespmem:s19+$0xA180];
	_ =	sdelay $0x4  }
0x17a: {  	v2 =	vadd.f32 v2, v3;
	_ =	sdelay $0x1  }
0x17b: {  	[tilespmem:s19+$0xA180] =	vst v2  }
0x17c: {  	[tilespmem:s17], [sflag:$0x1] =	stream.strided.gather [spmem:s29], $0x280, s15, s14, $0x38;
	[tilespmem:$0xF400] =	vst v63  }
0x17d: {  	_ =	swait.ge [sflag:s11], $0x280  }
0x17e: {  	[sflag:s11] =	ssyncset.done $0x0  }
0x17f: {  	s19 =	simm.s32 $0x0;
	[sflag:s11] =	ssyncadd.s32 $0xFFFFFD80  }
0x180: {  	s20 =	simm.s32 $0x40;
	v2 =	vld [tilespmem:s19+$0x9F00]  }
.LBB2_48:
0x181: {  	p0 =	sne.s32 s20, $0x9C0;
	v3 =	vld [tilespmem:s19+$0xA180];
	_ =	sdelay $0x2  }
.Ltmp23:
0x182: {  	(pc) =	sbr.rel @p0 .LBB2_48-.Ltmp23, $4  }
0x183: {  	_ = 	snop  }
0x184: {  	v3 =	vadd.f32 v2, v3  }
0x185: {  	s21 =	sshra.s32 s20, $0x2  }
0x186: {  	s20 =	sadd.s32 $0x40, s20;
	v2 =	vld [tilespmem:s21+$0x9F00];
	[tilespmem:s19+$0xA180] =	vst v3;
	s19 =	smov.u32 s21  }
0x187: {  	v3 =	vld [tilespmem:s19+$0xA180];
	_ =	sdelay $0x4  }
0x188: {  	v2 =	vadd.f32 v2, v3;
	_ =	sdelay $0x1  }
0x189: {  	[tilespmem:s19+$0xA180] =	vst v2  }
0x18a: {  	[tilespmem:s17], [sflag:$0x1] =	stream.strided.gather [spmem:s30], $0x280, s15, s14, $0x38;
	[tilespmem:$0xF400] =	vst v63  }
0x18b: {  	_ =	swait.ge [sflag:s11], $0x280  }
0x18c: {  	[sflag:s11] =	ssyncset.done $0x0  }
0x18d: {  	s19 =	simm.s32 $0x0;
	[sflag:s11] =	ssyncadd.s32 $0xFFFFFD80  }
0x18e: {  	s20 =	simm.s32 $0x40;
	v2 =	vld [tilespmem:s19+$0x9F00]  }
.LBB2_50:
0x18f: {  	p0 =	sne.s32 s20, $0x9C0;
	v3 =	vld [tilespmem:s19+$0xA180];
	_ =	sdelay $0x2  }
.Ltmp24:
0x190: {  	(pc) =	sbr.rel @p0 .LBB2_50-.Ltmp24, $4  }
0x191: {  	_ = 	snop  }
0x192: {  	v3 =	vadd.f32 v2, v3  }
0x193: {  	s21 =	sshra.s32 s20, $0x2  }
0x194: {  	s20 =	sadd.s32 $0x40, s20;
	v2 =	vld [tilespmem:s21+$0x9F00];
	[tilespmem:s19+$0xA180] =	vst v3;
	s19 =	smov.u32 s21  }
0x195: {  	v3 =	vld [tilespmem:s19+$0xA180];
	_ =	sdelay $0x4  }
0x196: {  	v2 =	vadd.f32 v2, v3;
	_ =	sdelay $0x1  }
0x197: {  	[tilespmem:s19+$0xA180] =	vst v2  }
0x198: {  	[tilespmem:s17], [sflag:$0x1] =	stream.strided.gather [spmem:s31], $0x280, s15, s14, $0x38;
	[tilespmem:$0xF400] =	vst v63  }
0x199: {  	_ =	swait.ge [sflag:s11], $0x280  }
0x19a: {  	[sflag:s11] =	ssyncset.done $0x0  }
0x19b: {  	s19 =	simm.s32 $0x0;
	[sflag:s11] =	ssyncadd.s32 $0xFFFFFD80  }
0x19c: {  	s20 =	simm.s32 $0x40;
	v2 =	vld [tilespmem:s19+$0x9F00]  }
.LBB2_52:
0x19d: {  	p0 =	sne.s32 s20, $0x9C0;
	v3 =	vld [tilespmem:s19+$0xA180];
	_ =	sdelay $0x2  }
.Ltmp25:
0x19e: {  	(pc) =	sbr.rel @p0 .LBB2_52-.Ltmp25, $4  }
0x19f: {  	_ = 	snop  }
0x1a0: {  	v3 =	vadd.f32 v2, v3  }
0x1a1: {  	s21 =	sshra.s32 s20, $0x2  }
0x1a2: {  	s20 =	sadd.s32 $0x40, s20;
	v2 =	vld [tilespmem:s21+$0x9F00];
	[tilespmem:s19+$0xA180] =	vst v3;
	s19 =	smov.u32 s21  }
0x1a3: {  	v3 =	vld [tilespmem:s19+$0xA180];
	_ =	sdelay $0x4  }
0x1a4: {  	v2 =	vadd.f32 v2, v3;
	_ =	sdelay $0x1  }
0x1a5: {  	[tilespmem:s19+$0xA180] =	vst v2  }
0x1a6: {  	[tilespmem:s17], [sflag:$0x1] =	stream.strided.gather [spmem:s0], $0x280, s15, s14, $0x38;
	[tilespmem:$0xF400] =	vst v63  }
0x1a7: {  	_ =	swait.ge [sflag:s11], $0x280  }
0x1a8: {  	[sflag:s11] =	ssyncset.done $0x0  }
0x1a9: {  	s19 =	simm.s32 $0x0;
	[sflag:s11] =	ssyncadd.s32 $0xFFFFFD80  }
0x1aa: {  	s20 =	simm.s32 $0x40;
	v2 =	vld [tilespmem:s19+$0x9F00]  }
.LBB2_54:
0x1ab: {  	p0 =	sne.s32 s20, $0x9C0;
	v3 =	vld [tilespmem:s19+$0xA180];
	_ =	sdelay $0x2  }
.Ltmp26:
0x1ac: {  	(pc) =	sbr.rel @p0 .LBB2_54-.Ltmp26, $4  }
0x1ad: {  	_ = 	snop  }
0x1ae: {  	v3 =	vadd.f32 v2, v3  }
0x1af: {  	s21 =	sshra.s32 s20, $0x2  }
0x1b0: {  	s20 =	sadd.s32 $0x40, s20;
	v2 =	vld [tilespmem:s21+$0x9F00];
	[tilespmem:s19+$0xA180] =	vst v3;
	s19 =	smov.u32 s21  }
0x1b1: {  	v3 =	vld [tilespmem:s19+$0xA180];
	_ =	sdelay $0x4  }
0x1b2: {  	v2 =	vadd.f32 v2, v3;
	_ =	sdelay $0x1  }
0x1b3: {  	[tilespmem:s19+$0xA180] =	vst v2  }
0x1b4: {  	[tilespmem:s17], [sflag:$0x1] =	stream.strided.gather [spmem:s2], $0x280, s15, s14, $0x38;
	[tilespmem:$0xF400] =	vst v63  }
0x1b5: {  	_ =	swait.ge [sflag:s11], $0x280  }
0x1b6: {  	[sflag:s11] =	ssyncset.done $0x0  }
0x1b7: {  	s19 =	simm.s32 $0x0;
	[sflag:s11] =	ssyncadd.s32 $0xFFFFFD80  }
0x1b8: {  	s20 =	simm.s32 $0x40;
	v2 =	vld [tilespmem:s19+$0x9F00]  }
.LBB2_56:
0x1b9: {  	p0 =	sne.s32 s20, $0x9C0;
	v3 =	vld [tilespmem:s19+$0xA180];
	_ =	sdelay $0x2  }
.Ltmp27:
0x1ba: {  	(pc) =	sbr.rel @p0 .LBB2_56-.Ltmp27, $4  }
0x1bb: {  	_ = 	snop  }
0x1bc: {  	v3 =	vadd.f32 v2, v3  }
0x1bd: {  	s21 =	sshra.s32 s20, $0x2  }
0x1be: {  	s20 =	sadd.s32 $0x40, s20;
	v2 =	vld [tilespmem:s21+$0x9F00];
	[tilespmem:s19+$0xA180] =	vst v3;
	s19 =	smov.u32 s21  }
0x1bf: {  	v3 =	vld [tilespmem:s19+$0xA180];
	_ =	sdelay $0x4  }
0x1c0: {  	v2 =	vadd.f32 v2, v3;
	_ =	sdelay $0x1  }
0x1c1: {  	[tilespmem:s19+$0xA180] =	vst v2  }
0x1c2: {  	[tilespmem:s17], [sflag:$0x1] =	stream.strided.gather [spmem:s3], $0x280, s15, s14, $0x38;
	[tilespmem:$0xF400] =	vst v63  }
0x1c3: {  	_ =	swait.ge [sflag:s11], $0x280  }
0x1c4: {  	[sflag:s11] =	ssyncset.done $0x0  }
0x1c5: {  	s19 =	simm.s32 $0x0;
	[sflag:s11] =	ssyncadd.s32 $0xFFFFFD80  }
0x1c6: {  	s20 =	simm.s32 $0x40;
	v2 =	vld [tilespmem:s19+$0x9F00]  }
.LBB2_58:
0x1c7: {  	p0 =	sne.s32 s20, $0x9C0;
	v3 =	vld [tilespmem:s19+$0xA180];
	_ =	sdelay $0x2  }
.Ltmp28:
0x1c8: {  	(pc) =	sbr.rel @p0 .LBB2_58-.Ltmp28, $4  }
0x1c9: {  	_ = 	snop  }
0x1ca: {  	v3 =	vadd.f32 v2, v3  }
0x1cb: {  	s21 =	sshra.s32 s20, $0x2  }
0x1cc: {  	s20 =	sadd.s32 $0x40, s20;
	v2 =	vld [tilespmem:s21+$0x9F00];
	[tilespmem:s19+$0xA180] =	vst v3;
	s19 =	smov.u32 s21  }
0x1cd: {  	v3 =	vld [tilespmem:s19+$0xA180];
	_ =	sdelay $0x4  }
0x1ce: {  	v2 =	vadd.f32 v2, v3;
	_ =	sdelay $0x1  }
0x1cf: {  	[tilespmem:s19+$0xA180] =	vst v2  }
0x1d0: {  	[tilespmem:s17], [sflag:$0x1] =	stream.strided.gather [spmem:s4], $0x280, s15, s14, $0x38;
	[tilespmem:$0xF400] =	vst v63  }
0x1d1: {  	_ =	swait.ge [sflag:s11], $0x280  }
0x1d2: {  	[sflag:s11] =	ssyncset.done $0x0  }
0x1d3: {  	s19 =	simm.s32 $0x0;
	[sflag:s11] =	ssyncadd.s32 $0xFFFFFD80  }
0x1d4: {  	s20 =	simm.s32 $0x40;
	v2 =	vld [tilespmem:s19+$0x9F00]  }
.LBB2_60:
0x1d5: {  	p0 =	sne.s32 s20, $0x9C0;
	v3 =	vld [tilespmem:s19+$0xA180];
	_ =	sdelay $0x2  }
.Ltmp29:
0x1d6: {  	(pc) =	sbr.rel @p0 .LBB2_60-.Ltmp29, $4  }
0x1d7: {  	_ = 	snop  }
0x1d8: {  	v3 =	vadd.f32 v2, v3  }
0x1d9: {  	s21 =	sshra.s32 s20, $0x2  }
0x1da: {  	s20 =	sadd.s32 $0x40, s20;
	v2 =	vld [tilespmem:s21+$0x9F00];
	[tilespmem:s19+$0xA180] =	vst v3;
	s19 =	smov.u32 s21  }
0x1db: {  	v3 =	vld [tilespmem:s19+$0xA180];
	_ =	sdelay $0x4  }
0x1dc: {  	v2 =	vadd.f32 v2, v3;
	_ =	sdelay $0x1  }
0x1dd: {  	[tilespmem:s19+$0xA180] =	vst v2  }
0x1de: {  	[tilespmem:s17], [sflag:$0x1] =	stream.strided.gather [spmem:s5], $0x280, s15, s14, $0x38;
	[tilespmem:$0xF400] =	vst v63  }
0x1df: {  	_ =	swait.ge [sflag:s11], $0x280  }
0x1e0: {  	[sflag:s11] =	ssyncset.done $0x0  }
0x1e1: {  	s19 =	simm.s32 $0x0;
	[sflag:s11] =	ssyncadd.s32 $0xFFFFFD80  }
0x1e2: {  	s20 =	simm.s32 $0x40;
	v2 =	vld [tilespmem:s19+$0x9F00]  }
.LBB2_62:
0x1e3: {  	p0 =	sne.s32 s20, $0x9C0;
	v3 =	vld [tilespmem:s19+$0xA180];
	_ =	sdelay $0x2  }
.Ltmp30:
0x1e4: {  	(pc) =	sbr.rel @p0 .LBB2_62-.Ltmp30, $4  }
0x1e5: {  	_ = 	snop  }
0x1e6: {  	v3 =	vadd.f32 v2, v3  }
0x1e7: {  	s21 =	sshra.s32 s20, $0x2  }
0x1e8: {  	s20 =	sadd.s32 $0x40, s20;
	v2 =	vld [tilespmem:s21+$0x9F00];
	[tilespmem:s19+$0xA180] =	vst v3;
	s19 =	smov.u32 s21  }
0x1e9: {  	v3 =	vld [tilespmem:s19+$0xA180];
	_ =	sdelay $0x4  }
0x1ea: {  	v2 =	vadd.f32 v2, v3;
	_ =	sdelay $0x1  }
0x1eb: {  	[tilespmem:s19+$0xA180] =	vst v2  }
0x1ec: {  	[tilespmem:s17], [sflag:$0x1] =	stream.strided.gather [spmem:s6], $0x280, s15, s14, $0x38;
	[tilespmem:$0xF400] =	vst v63  }
0x1ed: {  	_ =	swait.ge [sflag:s11], $0x280  }
0x1ee: {  	[sflag:s11] =	ssyncset.done $0x0  }
0x1ef: {  	s19 =	simm.s32 $0x0;
	[sflag:s11] =	ssyncadd.s32 $0xFFFFFD80  }
0x1f0: {  	s20 =	simm.s32 $0x40;
	v2 =	vld [tilespmem:s19+$0x9F00]  }
.LBB2_64:
0x1f1: {  	p0 =	sne.s32 s20, $0x9C0;
	v3 =	vld [tilespmem:s19+$0xA180];
	_ =	sdelay $0x2  }
.Ltmp31:
0x1f2: {  	(pc) =	sbr.rel @p0 .LBB2_64-.Ltmp31, $4  }
0x1f3: {  	_ = 	snop  }
0x1f4: {  	v3 =	vadd.f32 v2, v3  }
0x1f5: {  	s21 =	sshra.s32 s20, $0x2  }
0x1f6: {  	s20 =	sadd.s32 $0x40, s20;
	v2 =	vld [tilespmem:s21+$0x9F00];
	[tilespmem:s19+$0xA180] =	vst v3;
	s19 =	smov.u32 s21  }
0x1f7: {  	v3 =	vld [tilespmem:s19+$0xA180];
	_ =	sdelay $0x4  }
0x1f8: {  	s18 =	sadd.s32 $0x1, s18;
	v2 =	vadd.f32 v2, v3  }
0x1f9: {  	p0 =	sne.s32 s18, s10  }
.Ltmp32:
0x1fa: {  	[tilespmem:s19+$0xA180] =	vst v2;
	(pc) =	sbr.rel @p0 .LBB2_1-.Ltmp32, $4  }
0x1fb: {  	[hbm4b:s9+s1] =	stream.linear.scatter [tilespmem:s16], [sflag:$0x1], $0x280, $0x38;
	[tilespmem:$0xF400] =	vst v63  }
0x1fc: {  	_ =	swait.ge [sflag:s11], $0x280  }
0x1fd: {  	[sflag:s11] =	ssyncset.done $0x0  }
0x1fe: {  	[sflag:s11] =	ssyncadd.s32 $0xFFFFFD80  }
0x1ff: {  	_ =	sfence.sel $0x180000  }
0x200: {  	[bflag:$0x0] =	sbarrier.arrive $0xFFFF  }
0x201: {  	_ =	strace $0x90000047  }
0x202: {  	s0 =	stileid.u32;
	[bflag:$0x2] =	sbarrier.arrive $0xFFFF  }
0x203: {  	p0 =	sne.s32 s0, $0x0;
	s0 =	rddreg [dreg:$0x4]  }
0x204: {  	s0 =	sadd.s32 @!p0 $0x100000, s0  }
0x205: {  	[sflag:s0] =	ssyncadd.tile.s32 @!p0 $0x1;
	_ =	shalt  }
.Lfunc_end2:
_tile_overlayer_lowered:
.L_overlay_start_2:
0x206: {  	(tag) =	ssettag $0x2  }
0x207: {  	s0 =	rddreg [dreg:$0x0];
	s2 =	stileid.u32  }
0x208: {  	s1 =	rddreg [dreg:$0x1];
	p0 =	sne.s32 s2, $0x0  }
0x209: {  	s3 =	rddreg [dreg:$0x2];
	[bflag:$0x3] =	sbarrier.arrive $0xFFFF;
	s2 =	simm.s32 @!p0 $0x1C01  }
0x20a: {  	[timem:s3], [sflag:s2] =	dma.local @!p0 [hbm:s0], s1  }
0x20b: {  	s0 =	simm.s32 @!p0 $0x1  }
0x20c: {  	_ =	swait.ge @!p0 [sflag:s0], s1  }
0x20d: {  	s1 =	ssub.s32 @!p0 $0x0, s1;
	[sflag:s0] =	ssyncset.done @!p0 $0x0  }
0x20e: {  	[sflag:s0] =	ssyncadd.s32 @!p0 s1  }
0x20f: {  	[bflag:$0x3] =	sbarrier.arrive $0xFFFF  }
0x210: {  	_ =	shalt  }

// kernel: kernel.9.cloned.1.call-start
scs
__scs_entry_jumppad:
0x0: {  	(pc) =	sbr.rel $0x88, $3  }
0x1: {  	(tag) =	ssettag $0x0;
	lr =	simm.s32 $0x1  }
0x2: {  	[smem:$0x3F9E] =	sst lr;
	_ =	strace $0xD0000000  }
0x3: {  	_ = 	snop  }
0x4: {  	_ = 	snop  }
0x5: {  	_ = 	snop  }
0x6: {  	_ = 	snop  }
0x7: {  	_ = 	snop  }
__scs_overlays_trampoline_lowered:
0x8: {  	[smem:$0x3FAD] =	sst s0  }
0x9: {  	[smem:$0x3FAE] =	sst s1  }
0xa: {  	[smem:$0x3FAF] =	sst s2  }
0xb: {  	[smem:$0x3FB0] =	sst s3  }
0xc: {  	[smem:$0x3FB1] =	sst s4  }
0xd: {  	[smem:$0x3FB2] =	sst s5  }
0xe: {  	[smem:$0x3FB3] =	sst s6  }
0xf: {  	[smem:$0x3FB4] =	sst s7  }
0x10: {  	[smem:$0x3FB5] =	sst s8  }
0x11: {  	[smem:$0x3FB6] =	sst s9;
	s0 =	simm.s32 @!p0 $0x0  }
0x12: {  	s1 =	sld [smem:$0x3F9C];
	s0 =	simm.s32 @p0 $0x1  }
0x13: {  	[smem:$0x3FB7] =	sst s0;
	s0 =	simm.s32 @!p1 $0x0  }
0x14: {  	s2 =	sld [smem:$0x3F9B];
	s0 =	simm.s32 @p1 $0x1  }
0x15: {  	[smem:$0x3FB8] =	sst s0;
	s0 =	simm.s32 @!p2 $0x0  }
0x16: {  	s3 =	sld [smem:$0x3FDB];
	s0 =	simm.s32 @p2 $0x1  }
0x17: {  	s4 =	simm.s32 $0x1BF5;
	[smem:$0x3FBA] =	sst s0  }
0x18: {  	s0 =	sld [smem:$0x3F9D];
	_ =	swait.ge [sflag:s4], $0x0  }
0x19: {  	s7 =	sld [smem:$0x3F9E]  }
0x1a: {  	s8 =	sadd.s32 $0xFFFFE003, lr  }
0x1b: {  	s9 =	sadd.s32 $0xFFFFFEF7, lr;
	s5 =	simm.s32 $0xFFFFFFFF;
	p2 =	slt.u32 s8, $0xFFFFF086  }
0x1c: {  	p1 =	slt.u32 s9, $0xF7A;
	s5 =	simm.s32 @!p2 $0x0  }
0x1d: {  	s5 =	simm.s32 @p1 $0x1;
	p0 =	seq.s32 s7, s2  }
0x1e: {  	s7 =	smul.u32 @!p0 $0xF7A, s2;
	p2 =	seq.s32 @!p0 s5, $0x0  }
0x1f: {  	s9 =	smul.u32 $0xF7A, s1;
	s8 =	simm.s32 @!p0 $0x1BF5;
	p2 =	por !p2, p0  }
0x20: {  	[sflag:s8] =	ssyncset.s32 @!p0 $0xFFFFF086;
	s6 =	sadd.s32 @!p0 s3, s7;
	s7 =	simm.s32 @!p0 $0x108  }
0x21: {  	s3 =	sadd.s32 s3, s9;
	s6 =	sadd.s32 @!p0 $0x88, s6;
	s7 =	simm.s32 @p2 $0x1082  }
0x22: {  	[simem:s7], [sflag:s8] =	dma.local @!p0 [hbm:s6], $0xF7A  }
0x23: {  	s9 =	sor.u32 $0xD0000000, s2;
	s6 =	simm.s32 $0x108;
	_ =	swait.ge @!p0 [sflag:s8], $0x0  }
0x24: {  	s3 =	sadd.s32 $0x88, s3;
	s6 =	simm.s32 @!p1 $0x1082;
	[sflag:s4] =	ssyncset.s32 $0xFFFFF086  }
0x25: {  	[simem:s6], [sflag:s4] =	dma.local [hbm:s3], $0xF7A  }
0x26: {  	[smem:$0x3F9E] =	sst s1;
	(tag) =	ssettag s2;
	_ =	strace s9  }
0x27: {  	s1 =	sld [smem:$0x3FAE]  }
0x28: {  	s2 =	sld [smem:$0x3FAF]  }
0x29: {  	s4 =	sld [smem:$0x3FB1]  }
0x2a: {  	p0 =	seq.s32 s5, $0x0;
	s5 =	sld [smem:$0x3FB2]  }
0x2b: {  	s6 =	sld [smem:$0x3FB3]  }
0x2c: {  	s7 =	sld [smem:$0x3FB4]  }
0x2d: {  	s3 =	simm.s32 $0x108;
	s8 =	sld [smem:$0x3FB5]  }
0x2e: {  	s3 =	simm.s32 @!p0 $0x1082;
	s9 =	sld [smem:$0x3FB6]  }
0x2f: {  	lr =	sadd.s32 s0, s3;
	s0 =	sld [smem:$0x3FAD]  }
0x30: {  	s3 =	sld [smem:$0x3FB0]  }
0x31: {  	[smem:$0x3FB9] =	sst s10  }
0x32: {  	s10 =	sld [smem:$0x3FB7];
	_ =	sdelay $0x3  }
0x33: {  	p0 =	seq.s32 s10, $0x1;
	s10 =	sld [smem:$0x3FB9];
	_ =	sdelay $0x3  }
0x34: {  	[smem:$0x3FB9] =	sst s10  }
0x35: {  	s10 =	sld [smem:$0x3FB8];
	_ =	sdelay $0x3  }
0x36: {  	p1 =	seq.s32 s10, $0x1;
	s10 =	sld [smem:$0x3FB9];
	_ =	sdelay $0x3  }
0x37: {  	[smem:$0x3FB9] =	sst s10  }
0x38: {  	s10 =	sld [smem:$0x3FBA]  }
0x39: {  	_ = 	snop;
	(pc) =	sbr.ind lr, $3  }
0x3a: {  	_ = 	snop  }
0x3b: {  	_ = 	snop  }
0x3c: {  	p2 =	seq.s32 s10, $0x1;
	s10 =	sld [smem:$0x3FB9]  }
0x3d: {  	_ =	shalt  }
0x3e: {  	_ =	shalt  }
0x3f: {  	_ =	shalt  }
0x40: {  	_ =	shalt  }
0x41: {  	_ =	shalt  }
0x42: {  	_ =	shalt  }
0x43: {  	_ =	shalt  }
0x44: {  	_ =	shalt  }
0x45: {  	_ =	shalt  }
0x46: {  	_ =	shalt  }
0x47: {  	_ =	shalt  }
0x48: {  	_ =	shalt  }
0x49: {  	_ =	shalt  }
0x4a: {  	_ =	shalt  }
0x4b: {  	_ =	shalt  }
0x4c: {  	_ =	shalt  }
0x4d: {  	_ =	shalt  }
0x4e: {  	_ =	shalt  }
0x4f: {  	_ =	shalt  }
0x50: {  	_ =	shalt  }
0x51: {  	_ =	shalt  }
0x52: {  	_ =	shalt  }
0x53: {  	_ =	shalt  }
0x54: {  	_ =	shalt  }
0x55: {  	_ =	shalt  }
0x56: {  	_ =	shalt  }
0x57: {  	_ =	shalt  }
0x58: {  	_ =	shalt  }
0x59: {  	_ =	shalt  }
0x5a: {  	_ =	shalt  }
0x5b: {  	_ =	shalt  }
0x5c: {  	_ =	shalt  }
0x5d: {  	_ =	shalt  }
0x5e: {  	_ =	shalt  }
0x5f: {  	_ =	shalt  }
0x60: {  	_ =	shalt  }
0x61: {  	_ =	shalt  }
0x62: {  	_ =	shalt  }
0x63: {  	_ =	shalt  }
0x64: {  	_ =	shalt  }
0x65: {  	_ =	shalt  }
0x66: {  	_ =	shalt  }
0x67: {  	_ =	shalt  }
0x68: {  	_ =	shalt  }
0x69: {  	_ =	shalt  }
0x6a: {  	_ =	shalt  }
0x6b: {  	_ =	shalt  }
0x6c: {  	_ =	shalt  }
0x6d: {  	_ =	shalt  }
0x6e: {  	_ =	shalt  }
0x6f: {  	_ =	shalt  }
0x70: {  	_ =	shalt  }
0x71: {  	_ =	shalt  }
0x72: {  	_ =	shalt  }
0x73: {  	_ =	shalt  }
0x74: {  	_ =	shalt  }
0x75: {  	_ =	shalt  }
0x76: {  	_ =	shalt  }
0x77: {  	_ =	shalt  }
0x78: {  	_ =	shalt  }
0x79: {  	_ =	shalt  }
0x7a: {  	_ =	shalt  }
0x7b: {  	_ =	shalt  }
0x7c: {  	_ =	shalt  }
0x7d: {  	_ =	shalt  }
0x7e: {  	_ =	shalt  }
0x7f: {  	_ =	shalt  }
0x80: {  	_ =	shalt  }
0x81: {  	_ =	shalt  }
0x82: {  	_ =	shalt  }
0x83: {  	_ =	shalt  }
0x84: {  	_ =	shalt  }
0x85: {  	_ =	shalt  }
0x86: {  	_ =	shalt  }
0x87: {  	_ =	shalt  }
.Lfunc_end0:
.L_simem_size_0:
called_computation.1_lowered:
.L_overlay_start_0:
0x88: {  	s2 =	sld [smem:$0x3FD9]  }
0x89: {  	s3 =	sld [smem:$0x3FFE];
	_ =	sdelay $0x1  }
0x8a: {  	s1 =	srdreg.scid  }
0x8b: {  	s0 =	sand.u32 $0x1, s1  }
0x8c: {  	s17 =	sshll.u32 s0, $0xA;
	s2 =	sadd.s32 s3, s2  }
0x8d: {  	s2 =	sadd.s32 s2, s17  }
0x8e: {  	[smem:$0x3FC5] =	sst s2  }
0x8f: {  	_ = 	snop  }
0x90: {  	s2 =	sld [smem:$0x3FD0];
	(tm) =	ssettm $0x1  }
0x91: {  	s18 =	sld [smem:$0x3FFB];
	_ =	sdelay $0x3  }
0x92: {  	_ =	strace s18  }
0x93: {  	s3 =	sld [smem:$0x3FFC];
	_ =	sdelay $0x3  }
0x94: {  	_ =	strace s3  }
0x95: {  	s3 =	sld [smem:$0x3FFD];
	_ =	sdelay $0x3  }
0x96: {  	_ =	strace s3  }
0x97: {  	_ =	strace $0x8FFFFFFF  }
0x98: {  	s19 =	sld [smem:$0x3FDB];
	_ =	sdelay $0x1  }
0x99: {  	s4 =	simm.s32 $_scs_section_size  }
0x9a: {  	s5 =	simm.s32 $_size__tile_overlayer_lowered;
	s6 =	simm.s32 $_tile_overlayer_lowered  }
0x9b: {  	s22 =	simm.s32 $0x1BFF;
	s21 =	sshll.u32 s6, $0x1;
	s3 =	sadd.s32 s4, s19  }
0x9c: {  	s7 =	simm.s32 $0x0;
	s20 =	sshll.u32 s5, $0x1;
	s5 =	sadd.s32 s21, s3  }
0x9d: {  	[timem:s7], [sflag:s22] =	dma.local [hbm:s5], s20  }
0x9e: {  	_ =	swait.ge [sflag:s22], s20  }
0x9f: {  	s4 =	ssub.s32 $0x0, s20;
	[sflag:s22] =	ssyncset.done $0x0  }
0xa0: {  	[sflag:s22] =	ssyncadd.s32 s4;
	_ =	sdelay $0x1  }
0xa1: {  	s23 =	simm.s32 $0x1B8B  }
0xa2: {  	_ =	swait.ge [sflag:s23], $0x1  }
0xa3: {  	[sflag:s23] =	ssyncset.done $0x0  }
0xa4: {  	s25 =	simm.s32 $0x1B8E;
	s24 =	sld [smem:$0x3FFE];
	[sflag:s23] =	ssyncadd.s32 $0xFFFFFFFF  }
0xa5: {  	s26 =	simm.s32 $execute0_lowered;
	[smem:$0x3FD2] =	sst s25  }
0xa6: {  	s5 =	sshll.u32 s26, $0x1;
	_ =	strace $0x80000049;
	[dreg:$0x1] =	wrdreg $0xFFFFFFFF  }
0xa7: {  	s28 =	simm.s32 $_size_execute0_lowered;
	s3 =	sadd.s32 s3, s5;
	[dreg:$0x0] =	wrdreg $0x0  }
0xa8: {  	s5 =	sshll.u32 s28, $0x1;
	[dreg:$0x2] =	wrdreg s3  }
0xa9: {  	[dreg:$0x3] =	wrdreg s5  }
0xaa: {  	[dreg:$0x4] =	wrdreg $0xC0  }
0xab: {  	_ =	task [dreg:s7], $0x5FFFF  }
0xac: {  	[dreg:$0x1] =	wrdreg $0xFFFFFFFF  }
0xad: {  	[dreg:$0x0] =	wrdreg $0x60  }
0xae: {  	[dreg:$0x2] =	wrdreg s2  }
0xaf: {  	[dreg:$0x3] =	wrdreg s24  }
0xb0: {  	[dreg:$0x4] =	wrdreg $0xB7800  }
0xb1: {  	[dreg:$0x5] =	wrdreg $0x9  }
0xb2: {  	_ =	task.clear_ibuf [dreg:s7], $0x6FFFF;
	_ =	strace $0x90000049  }
0xb3: {  	s29 =	simm.s32 $0x9;
	_ =	strace $0x8000004B  }
0xb4: {  	_ =	swait.ge [sflag:s29], $0x1  }
0xb5: {  	[sflag:s29] =	ssyncadd.s32 $0xFFFFFFFF  }
0xb6: {  	_ =	strace $0x9000004B  }
0xb7: {  	_ =	sfence  }
0xb8: {  	s30 =	sld [smem:$0x0];
	_ =	sdelay $0x2  }
0xb9: {  	s31 =	sshll.u32 s1, $0xD;
	s1 =	sshrl.u32 s1, $0x2  }
0xba: {  	s3 =	sand.u32 $0x4000, s31;
	s1 =	sadd.s32 s1, s30  }
0xbb: {  	s0 =	sor.u32 s3, s0;
	s1 =	sshll.u32 s1, $0x11  }
0xbc: {  	s0 =	sor.u32 s1, s0  }
0xbd: {  	s0 =	sadd.s32 $0x8F2B, s0  }
0xbe: {  	[sflag:s0] =	ssyncadd.remote.s32 $0x1  }
0xbf: {  	_ =	sfence.sel $0xFFFF  }
0xc0: {  	[dreg:$0x0] =	wrdreg $0xFFFFFFFF;
	(pc) =	sbr.abs _section_cstart, $3  }
0xc1: {  	[dreg:$0x1] =	wrdreg $0xFFFFFFFF  }
0xc2: {  	_ =	task.clear_ibuf [dreg:s7], $0x2FFFF;
	_ =	strace $0x9FFFFFFF  }
0xc3: {  	(tm) =	ssettm $0x7FFFFFFF  }
tec
execute0_lowered:
.L_overlay_start_1:
0x0: {  	(tag) =	ssettag $0x1  }
0x1: {  	s0 =	rddreg [dreg:$0x0]  }
0x2: {  	s1 =	srdreg.scid;
	s5 =	rddreg [dreg:$0x1]  }
0x3: {  	s3 =	rddreg [dreg:$0x2];
	s2 =	stileid.u32  }
0x4: {  	s4 =	simm.s32 $0x0;
	s14 =	simm.s32 $0x6780;
	s15 =	simm.s32 $0x50  }
0x5: {  	s16 =	simm.s32 $0x8F80;
	s17 =	simm.s32 $0x1;
	s18 =	simm.s32 $0x2  }
0x6: {  	s19 =	simm.s32 $0x6580;
	s6 =	sand.u32 $0x1, s1;
	s1 =	rddreg [dreg:$0x3]  }
0x7: {  	s20 =	simm.s32 $0x0;
	[smem:$0x7FF] =	sst s4;
	s9 =	smul.u32 $0x2800, s2  }
0x8: {  	s28 =	smul.u32 $0x50000, s2;
	s31 =	sshll.u32 s2, $0x6;
	s7 =	sshll.u32 s6, $0x4  }
0x9: {  	_ =	strace $0x8000004A;
	s10 =	smul.u32 $0x28000, s6;
	s6 =	ssub.s32 $0x2, s6  }
0xa: {  	s7 =	sor.u32 s2, s7;
	s12 =	sadd.s32 s9, s5;
	s29 =	sshrl.u32 s6, $0x1  }
0xb: {  	s30 =	sshrl.u32 s28, $0x2;
	s8 =	smul.u32 $0x4E2, s7;
	s7 =	sshll.u32 s7, $0xB  }
0xc: {  	s9 =	sadd.s32 s9, s10;
	s10 =	ssub.s32 s6, s29;
	s13 =	sadd.s32 s30, s3  }
0xd: {  	s6 =	sor.u32 $0x1C03, s31;
	s11 =	sadd.s32 s7, s5;
	s9 =	sadd.s32 s9, s5  }
0xe: {  	s10 =	smax.u32 s10, $0x1;
	s8 =	sadd.s32 s8, s5;
	s5 =	sadd.s32 $0x1C800, s12  }
0xf: {  	s9 =	sadd.s32 $0x44800, s9;
	s12 =	simm.s32 $0x3;
	s7 =	sadd.s32 $0x1600, s8  }
0x10: {  	s8 =	sadd.s32 $0xC800, s11;
	s11 =	sshrl.u32 s13, $0x3;
	s13 =	simm.s32 $0x2780  }
.LBB2_1:
0x11: {  	[spmem:s11], [sflag:s6] =	dma.local [hbm:s5], $0x2800  }
0x12: {  	_ =	swait.ge [sflag:s12], $0x2800  }
0x13: {  	[sflag:s12] =	ssyncset.done $0x0  }
0x14: {  	[sflag:s12] =	ssyncadd.s32 $0xFFFFD800  }
0x15: {  	[tilespmem:s4], [sflag:$0x3] =	stream.linear.gather [hbm4b:s7+s4], $0x2710, $0x38;
	[tilespmem:$0x1F780] =	vst v63  }
0x16: {  	_ =	swait.ge [sflag:s12], $0x2710  }
0x17: {  	[sflag:s12] =	ssyncset.done $0x0  }
0x18: {  	[sflag:s12] =	ssyncadd.s32 $0xFFFFD8F0  }
0x19: {  	[tilespmem:s13], [sflag:$0x3] =	stream.linear.gather [hbm4b:s8+s4], $0x3E80, $0x38;
	[tilespmem:$0x1F780] =	vst v63  }
0x1a: {  	_ =	swait.ge [sflag:s12], $0x3E80  }
0x1b: {  	[sflag:s12] =	ssyncset.done $0x0  }
0x1c: {  	[sflag:s12] =	ssyncadd.s32 $0xFFFFC180  }
0x1d: {  	[bflag:$0x0] =	sbarrier.arrive $0xFFFF  }
0x1e: {  	[tilespmem:s14], [sflag:$0x1] =	stream.indirect.gather [hbm4b:s0+s15], $0x80, s4, s15, $0xb8;
	[tilespmem:$0x1F780] =	vst v63  }
0x1f: {  	_ = 	snop  }
0x20: {  	[tilespmem:s16], [sflag:$0x2] =	stream.indirect.gather [hbm4b:s0+s15], $0x80, s15, s15, $0xb8;
	[tilespmem:$0x1F780] =	vst v63  }
0x21: {  	_ =	swait.ge [sflag:s17], $0x2800  }
0x22: {  	[sflag:s17] =	ssyncset.done $0x0  }
0x23: {  	s21 =	simm.s32 $0x2780;
	[sflag:s17] =	ssyncadd.s32 $0xFFFFD800  }
0x24: {  	[spmem:s3] =	stream.indirect.scatter.add.f32 [tilespmem:s14], [sflag:$0x3], $0x80, s21, s15, $0xb8;
	[tilespmem:$0x1F780] =	vst v63  }
0x25: {  	_ =	swait.ge [sflag:s12], $0x2800  }
0x26: {  	[sflag:s12] =	ssyncset.done $0x0  }
0x27: {  	s30 =	simm.s32 $0xA0;
	[sflag:s12] =	ssyncadd.s32 $0xFFFFD800  }
0x28: {  	[tilespmem:s14], [sflag:$0x1] =	stream.indirect.gather [hbm4b:s0+s15], $0x80, s30, s15, $0xb8;
	[tilespmem:$0x1F780] =	vst v63  }
0x29: {  	_ =	swait.ge [sflag:s18], $0x2800  }
0x2a: {  	[sflag:s18] =	ssyncset.done $0x0  }
0x2b: {  	s31 =	simm.s32 $0x2800;
	[sflag:s18] =	ssyncadd.s32 $0xFFFFD800  }
0x2c: {  	[spmem:s3] =	stream.indirect.scatter.add.f32 [tilespmem:s16], [sflag:$0x3], $0x80, s31, s15, $0xb8;
	[tilespmem:$0x1F780] =	vst v63  }
0x2d: {  	_ =	swait.ge [sflag:s12], $0x2800  }
0x2e: {  	s22 =	simm.s32 $0x50;
	s21 =	simm.s32 $0x400;
	[sflag:s12] =	ssyncset.done $0x0  }
.LBB2_2:
0x2f: {  	p0 =	sne.s32 s21, $0xF400;
	[sflag:s12] =	ssyncadd.s32 $0xFFFFD800;
	s22 =	sadd.s32 $0xA0, s22  }
0x30: {  	[tilespmem:s16], [sflag:$0x2] =	stream.indirect.gather [hbm4b:s0+s15], $0x80, s22, s15, $0xb8;
	[tilespmem:$0x1F780] =	vst v63  }
0x31: {  	s23 =	smov.u32 s21;
	s21 =	sadd.s32 $0x400, s21;
	_ =	swait.ge [sflag:s17], $0x2800  }
0x32: {  	s23 =	sshra.s32 s23, $0x2;
	[sflag:s17] =	ssyncset.done $0x0  }
0x33: {  	s24 =	sadd.s32 $0x2780, s23;
	[sflag:s17] =	ssyncadd.s32 $0xFFFFD800  }
0x34: {  	[spmem:s3] =	stream.indirect.scatter.add.f32 [tilespmem:s14], [sflag:$0x3], $0x80, s24, s15, $0xb8;
	[tilespmem:$0x1F780] =	vst v63  }
0x35: {  	_ =	swait.ge [sflag:s12], $0x2800  }
0x36: {  	[sflag:s12] =	ssyncset.done $0x0  }
0x37: {  	s24 =	sadd.s32 $0x50, s22;
	[sflag:s12] =	ssyncadd.s32 $0xFFFFD800  }
0x38: {  	[tilespmem:s14], [sflag:$0x1] =	stream.indirect.gather [hbm4b:s0+s15], $0x80, s24, s15, $0xb8;
	[tilespmem:$0x1F780] =	vst v63  }
0x39: {  	_ =	swait.ge [sflag:s18], $0x2800  }
.Ltmp0:
0x3a: {  	[sflag:s18] =	ssyncset.done $0x0;
	(pc) =	sbr.rel @p0 .LBB2_2-.Ltmp0, $4  }
0x3b: {  	s23 =	sadd.s32 $0x2800, s23;
	[sflag:s18] =	ssyncadd.s32 $0xFFFFD800  }
0x3c: {  	[spmem:s3] =	stream.indirect.scatter.add.f32 [tilespmem:s16], [sflag:$0x3], $0x80, s23, s15, $0xb8;
	[tilespmem:$0x1F780] =	vst v63  }
0x3d: {  	_ =	swait.ge [sflag:s12], $0x2800  }
0x3e: {  	[sflag:s12] =	ssyncset.done $0x0  }
0x3f: {  	[sflag:s12] =	ssyncadd.s32 $0xFFFFD800  }
0x40: {  	_ =	swait.ge [sflag:s17], $0x2800  }
0x41: {  	[sflag:s17] =	ssyncset.done $0x0  }
0x42: {  	[sflag:s17] =	ssyncadd.s32 $0xFFFFD800  }
0x43: {  	[spmem:s3] =	stream.indirect.scatter.add.f32 [tilespmem:s14], [sflag:$0x3], $0x80, s19, s15, $0xb8;
	[tilespmem:$0x1F780] =	vst v63  }
0x44: {  	_ =	swait.ge [sflag:s12], $0x2800  }
0x45: {  	s20 =	sadd.s32 $0x1, s20;
	[sflag:s12] =	ssyncset.done $0x0  }
0x46: {  	p0 =	sne.s32 s20, s10;
	[sflag:s12] =	ssyncadd.s32 $0xFFFFD800  }
.Ltmp1:
0x47: {  	[bflag:$0x0] =	sbarrier.arrive $0xFFFF;
	(pc) =	sbr.rel @p0 .LBB2_1-.Ltmp1, $4  }
0x48: {  	[hbm:s9], [sflag:s6] =	dma.local [spmem:s11], $0x2800  }
0x49: {  	_ =	swait.ge [sflag:s12], $0x2800  }
0x4a: {  	[sflag:s12] =	ssyncset.done $0x0  }
0x4b: {  	[sflag:s12] =	ssyncadd.s32 $0xFFFFD800  }
0x4c: {  	_ =	sfence.sel $0x180000  }
0x4d: {  	[bflag:$0x0] =	sbarrier.arrive $0xFFFF  }
0x4e: {  	p0 =	sne.s32 s2, $0x0;
	_ =	strace $0x9000004A  }
0x4f: {  	s0 =	sadd.s32 @!p0 $0x100000, s1;
	[bflag:$0x2] =	sbarrier.arrive $0xFFFF  }
0x50: {  	[sflag:s0] =	ssyncadd.tile.s32 @!p0 $0x1;
	_ =	shalt  }
.Lfunc_end2:
_tile_overlayer_lowered:
.L_overlay_start_2:
0x51: {  	(tag) =	ssettag $0x2  }
0x52: {  	s0 =	rddreg [dreg:$0x0];
	s2 =	stileid.u32  }
0x53: {  	s1 =	rddreg [dreg:$0x1];
	p0 =	sne.s32 s2, $0x0  }
0x54: {  	s3 =	rddreg [dreg:$0x2];
	[bflag:$0x3] =	sbarrier.arrive $0xFFFF;
	s2 =	simm.s32 @!p0 $0x1C03  }
0x55: {  	[timem:s3], [sflag:s2] =	dma.local @!p0 [hbm:s0], s1  }
0x56: {  	s0 =	simm.s32 @!p0 $0x3  }
0x57: {  	_ =	swait.ge @!p0 [sflag:s0], s1  }
0x58: {  	s1 =	ssub.s32 @!p0 $0x0, s1;
	[sflag:s0] =	ssyncset.done @!p0 $0x0  }
0x59: {  	[sflag:s0] =	ssyncadd.s32 @!p0 s1  }
0x5a: {  	[bflag:$0x3] =	sbarrier.arrive $0xFFFF  }
0x5b: {  	_ =	shalt  }

</sc_bundles>
